<compile_context>
chip_gen: v7x
topology: tpu7x:2x2x1
jax: 0.10.2.dev20260603
libtpu: 0.0.44.dev20260713+nightly
codegen_flags: <defaults>
</compile_context>

<pallas_src>
import jax
import jax.numpy as jnp
from jax import lax
from jax.experimental import pallas as pl
from jax.experimental.pallas import tpu as pltpu
from jax.experimental.pallas import tpu_sc as plsc

_D = 1024
_CTX = 2048
_NC, _NS, _L = 2, 16, 16
_NW = _NC * _NS
_VPR = _D // _L
_NBUF = 3


def _make_emb_kernel(batch: int):
    tpw = _CTX // _NW
    chunk = 16
    nchunk = batch * tpw // chunk
    hpb = tpw // chunk

    mesh = plsc.VectorSubcoreMesh(core_axis_name="c", subcore_axis_name="s")

    @pl.kernel(
        out_type=jax.ShapeDtypeStruct((batch, _CTX, _D), jnp.float32),
        mesh=mesh,
        scratch_types=[
            pltpu.VMEM((batch * tpw,), jnp.int32),
            pltpu.VMEM((_NBUF, chunk, _D), jnp.float32),
            pltpu.VMEM((tpw, _D), jnp.float32),
            [pltpu.SemaphoreType.DMA] * _NBUF,
            [pltpu.SemaphoreType.DMA] * _NBUF,
            pltpu.SemaphoreType.DMA,
            pltpu.SemaphoreType.DMA,
        ],
    )
    def emb(x_hbm, w_hbm, pos_hbm, out_hbm,
            idx_v, rows_v, pos_v, gsems, ssems, psem, isem):
        wid = lax.axis_index("s") * _NC + lax.axis_index("c")
        tbase = wid * tpw

        pos_cp = pltpu.async_copy(pos_hbm.at[pl.ds(tbase, tpw)], pos_v, psem)
        idx_cps = [
            pltpu.async_copy(x_hbm.at[b, pl.ds(tbase, tpw)],
                             idx_v.at[pl.ds(b * tpw, tpw)], isem)
            for b in range(batch)
        ]
        for cp in idx_cps:
            cp.wait()

        def gstart(c):
            b, h = c // hpb, c % hpb
            return pltpu.async_copy(
                w_hbm.at[idx_v.at[pl.ds(b * tpw + h * chunk, chunk)]],
                rows_v.at[c % _NBUF], gsems[c % _NBUF])

        def sstart(c):
            b, h = c // hpb, c % hpb
            return pltpu.async_copy(
                rows_v.at[c % _NBUF],
                out_hbm.at[b, pl.ds(tbase + h * chunk, chunk)],
                ssems[c % _NBUF])

        gcp = {c: gstart(c) for c in range(_NBUF - 1)}
        scp = {}
        pos_cp.wait()
        for c in range(nchunk):
            n = c + _NBUF - 1
            if n < nchunk:
                if n - _NBUF >= 0:
                    scp[n - _NBUF].wait()
                gcp[n] = gstart(n)
            gcp[c].wait()
            buf = rows_v.at[c % _NBUF]
            poff = (c % hpb) * chunk

            @plsc.parallel_loop(0, chunk * _VPR, unroll=8)
            def _add(i):
                r = i >> 6
                k = pl.multiple_of((i & (_VPR - 1)) << 4, _L)
                plsc.addupdate(buf.at[r, pl.ds(k, _L)],
                               pos_v[poff + r, pl.ds(k, _L)])

            scp[c] = sstart(c)
        for c in range(nchunk - _NBUF, nchunk):
            if c >= 0 and c in scp:
                scp[c].wait()

    return emb


def kernel(x, W, pos):
    x = x.reshape(-1, _CTX)
    return _make_emb_kernel(x.shape[0])(x, W, pos)

# --- scband reference (transcript-rebuilt; emitter-appended) ---
"""Pipeline reference for scband-embedding-29566554866227 (READ-ONLY COPY).

The authoritative reference and input builder live on the scoring server;
editing this copy changes nothing except your own understanding.
"""

import jax, jax.numpy as jnp
import numpy as np
import math

VOCAB = 100000
D_MODEL = 1024
CTX = 2048
BATCH = 4


def _build_pos_table():
    # Faithful to torch: div_term computed in half precision then exp
    position = jnp.arange(0, CTX, dtype=jnp.float32)[:, None]
    div_term = jnp.exp(jnp.arange(0, D_MODEL, 2).astype(jnp.float16) * (-math.log(10000.0) / D_MODEL)).astype(jnp.float32)
    pe = jnp.zeros((CTX, D_MODEL), dtype=jnp.float32)
    pe = pe.at[:, 0::2].set(jnp.sin(position * div_term))
    pe = pe.at[:, 1::2].set(jnp.cos(position * div_term))
    return pe


def setup_inputs(seed: int = 0) -> dict:
    key = jax.random.key(seed)
    k1, k2 = jax.random.split(key)
    x = jax.random.randint(k1, (BATCH, CTX), 0, VOCAB, dtype=jnp.int32)
    # learned embedding table (nn.Embedding weight)
    W = jax.random.normal(k2, (VOCAB, D_MODEL), dtype=jnp.float32)
    pos = _build_pos_table()
    return {"x": x, "W": W, "pos": pos}


def reference(x, W, pos):
    x = x.reshape(-1, CTX)
    B, T = x.shape
    emb = jnp.take(W, x, axis=0)  # [B, T, D_MODEL] gather
    out = emb + pos[:T, :][None, :, :]
    return out

if __name__ == "__main__":
    import jax
    _d = setup_inputs()
    print(jax.jit(kernel)(*tuple(_d.values())))

</pallas_src>

<mosaic_0001>
#map = affine_map<(d0, d1) -> (0, 0)>
#map1 = affine_map<(d0, d1) -> (0, 0, 0)>
module attributes {stable_mosaic.version = 14 : i64} {
  func.func @emb(%arg0: i32, %arg1: i32, %arg2: memref<4x2048xi32, #tpu.memory_space<hbm>>, %arg3: memref<100000x1024xf32, #tpu.memory_space<hbm>>, %arg4: memref<2048x1024xf32, #tpu.memory_space<hbm>>, %arg5: memref<4x2048x1024xf32, #tpu.memory_space<hbm>>, %arg6: memref<256xi32, #tpu.memory_space<vmem>>, %arg7: memref<3x16x1024xf32, #tpu.memory_space<vmem>>, %arg8: memref<64x1024xf32, #tpu.memory_space<vmem>>, %arg9: memref<!tpu.dma_semaphore, #tpu.memory_space<semaphore_mem>>, %arg10: memref<!tpu.dma_semaphore, #tpu.memory_space<semaphore_mem>>, %arg11: memref<!tpu.dma_semaphore, #tpu.memory_space<semaphore_mem>>, %arg12: memref<!tpu.dma_semaphore, #tpu.memory_space<semaphore_mem>>, %arg13: memref<!tpu.dma_semaphore, #tpu.memory_space<semaphore_mem>>, %arg14: memref<!tpu.dma_semaphore, #tpu.memory_space<semaphore_mem>>, %arg15: memref<!tpu.dma_semaphore, #tpu.memory_space<semaphore_mem>>, %arg16: memref<!tpu.dma_semaphore, #tpu.memory_space<semaphore_mem>>) attributes {dimension_semantics = [#tpu.dimension_semantics<core_parallel>, #tpu.dimension_semantics<subcore_parallel>], iteration_bounds = array<i64: 2, 16>, scalar_prefetch = 0 : i64, scratch_operands = 11 : i64, tpu.core_type = #tpu.core_type<sc_vector_subcore>, window_params = [{transform_indices = #map}, {transform_indices = #map}, {transform_indices = #map}, {transform_indices = #map1}]} {
    %mul3A = arith.constant 2 : i32
    %mul3A_0 = arith.muli %arg1, %mul3A : i32
    %add3A = arith.addi %mul3A_0, %arg0 : i32
    %mul3A_1 = arith.constant 64 : i32
    %mul3A_2 = arith.muli %add3A, %mul3A_1 : i32
    %dma_start3A = arith.constant 0 : i32
    %dma_start3A_3 = tpu.memref_slice %arg4[%mul3A_2, %dma_start3A] : memref<2048x1024xf32, #tpu.memory_space<hbm>> -> memref<64x1024xf32, #tpu.memory_space<hbm>>
    %dma_start3A_4 = arith.constant 0 : i32
    %dma_start3A_5 = tpu.memref_slice %arg4[%mul3A_2, %dma_start3A_4] : memref<2048x1024xf32, #tpu.memory_space<hbm>> -> memref<64x1024xf32, #tpu.memory_space<hbm>>
    tpu.enqueue_dma source(%dma_start3A_5 : memref<64x1024xf32, #tpu.memory_space<hbm>>) target(%arg8 : memref<64x1024xf32, #tpu.memory_space<vmem>>) target_semaphore(%arg15 : memref<!tpu.dma_semaphore, #tpu.memory_space<semaphore_mem>>)
    %dma_start3A_6 = arith.constant 0 : i32
    %dma_start3A_7 = arith.constant 0 : i32
    %dma_start3A_8 = tpu.memref_slice %arg6[%dma_start3A_7] : memref<256xi32, #tpu.memory_space<vmem>> -> memref<64xi32, #tpu.memory_space<vmem>>
    %dma_start3A_9 = tpu.memref_slice %arg2[%dma_start3A_6, %mul3A_2] : memref<4x2048xi32, #tpu.memory_space<hbm>> -> memref<1x64xi32, #tpu.memory_space<hbm>>
    %dma_start3A_10 = tpu.memref_squeeze %dma_start3A_9 : memref<1x64xi32, #tpu.memory_space<hbm>> -> memref<64xi32, #tpu.memory_space<hbm>>
    %dma_start3A_11 = arith.constant 0 : i32
    %dma_start3A_12 = tpu.memref_slice %arg6[%dma_start3A_11] : memref<256xi32, #tpu.memory_space<vmem>> -> memref<64xi32, #tpu.memory_space<vmem>>
    %dma_start3A_13 = tpu.memref_slice %arg2[%dma_start3A_6, %mul3A_2] : memref<4x2048xi32, #tpu.memory_space<hbm>> -> memref<1x64xi32, #tpu.memory_space<hbm>>
    %dma_start3A_14 = tpu.memref_squeeze %dma_start3A_13 : memref<1x64xi32, #tpu.memory_space<hbm>> -> memref<64xi32, #tpu.memory_space<hbm>>
    tpu.enqueue_dma source(%dma_start3A_14 : memref<64xi32, #tpu.memory_space<hbm>>) target(%dma_start3A_12 : memref<64xi32, #tpu.memory_space<vmem>>) target_semaphore(%arg16 : memref<!tpu.dma_semaphore, #tpu.memory_space<semaphore_mem>>)
    %dma_start3A_15 = arith.constant 1 : i32
    %dma_start3A_16 = arith.constant 64 : i32
    %dma_start3A_17 = tpu.memref_slice %arg6[%dma_start3A_16] : memref<256xi32, #tpu.memory_space<vmem>> -> memref<64xi32, #tpu.memory_space<vmem>>
    %dma_start3A_18 = tpu.memref_slice %arg2[%dma_start3A_15, %mul3A_2] : memref<4x2048xi32, #tpu.memory_space<hbm>> -> memref<1x64xi32, #tpu.memory_space<hbm>>
    %dma_start3A_19 = tpu.memref_squeeze %dma_start3A_18 : memref<1x64xi32, #tpu.memory_space<hbm>> -> memref<64xi32, #tpu.memory_space<hbm>>
    %dma_start3A_20 = arith.constant 64 : i32
    %dma_start3A_21 = tpu.memref_slice %arg6[%dma_start3A_20] : memref<256xi32, #tpu.memory_space<vmem>> -> memref<64xi32, #tpu.memory_space<vmem>>
    %dma_start3A_22 = tpu.memref_slice %arg2[%dma_start3A_15, %mul3A_2] : memref<4x2048xi32, #tpu.memory_space<hbm>> -> memref<1x64xi32, #tpu.memory_space<hbm>>
    %dma_start3A_23 = tpu.memref_squeeze %dma_start3A_22 : memref<1x64xi32, #tpu.memory_space<hbm>> -> memref<64xi32, #tpu.memory_space<hbm>>
    tpu.enqueue_dma source(%dma_start3A_23 : memref<64xi32, #tpu.memory_space<hbm>>) target(%dma_start3A_21 : memref<64xi32, #tpu.memory_space<vmem>>) target_semaphore(%arg16 : memref<!tpu.dma_semaphore, #tpu.memory_space<semaphore_mem>>)
    %dma_start3A_24 = arith.constant 2 : i32
    %dma_start3A_25 = arith.constant 128 : i32
    %dma_start3A_26 = tpu.memref_slice %arg6[%dma_start3A_25] : memref<256xi32, #tpu.memory_space<vmem>> -> memref<64xi32, #tpu.memory_space<vmem>>
    %dma_start3A_27 = tpu.memref_slice %arg2[%dma_start3A_24, %mul3A_2] : memref<4x2048xi32, #tpu.memory_space<hbm>> -> memref<1x64xi32, #tpu.memory_space<hbm>>
    %dma_start3A_28 = tpu.memref_squeeze %dma_start3A_27 : memref<1x64xi32, #tpu.memory_space<hbm>> -> memref<64xi32, #tpu.memory_space<hbm>>
    %dma_start3A_29 = arith.constant 128 : i32
    %dma_start3A_30 = tpu.memref_slice %arg6[%dma_start3A_29] : memref<256xi32, #tpu.memory_space<vmem>> -> memref<64xi32, #tpu.memory_space<vmem>>
    %dma_start3A_31 = tpu.memref_slice %arg2[%dma_start3A_24, %mul3A_2] : memref<4x2048xi32, #tpu.memory_space<hbm>> -> memref<1x64xi32, #tpu.memory_space<hbm>>
    %dma_start3A_32 = tpu.memref_squeeze %dma_start3A_31 : memref<1x64xi32, #tpu.memory_space<hbm>> -> memref<64xi32, #tpu.memory_space<hbm>>
    tpu.enqueue_dma source(%dma_start3A_32 : memref<64xi32, #tpu.memory_space<hbm>>) target(%dma_start3A_30 : memref<64xi32, #tpu.memory_space<vmem>>) target_semaphore(%arg16 : memref<!tpu.dma_semaphore, #tpu.memory_space<semaphore_mem>>)
    %dma_start3A_33 = arith.constant 3 : i32
    %dma_start3A_34 = arith.constant 192 : i32
    %dma_start3A_35 = tpu.memref_slice %arg6[%dma_start3A_34] : memref<256xi32, #tpu.memory_space<vmem>> -> memref<64xi32, #tpu.memory_space<vmem>>
    %dma_start3A_36 = tpu.memref_slice %arg2[%dma_start3A_33, %mul3A_2] : memref<4x2048xi32, #tpu.memory_space<hbm>> -> memref<1x64xi32, #tpu.memory_space<hbm>>
    %dma_start3A_37 = tpu.memref_squeeze %dma_start3A_36 : memref<1x64xi32, #tpu.memory_space<hbm>> -> memref<64xi32, #tpu.memory_space<hbm>>
    %dma_start3A_38 = arith.constant 192 : i32
    %dma_start3A_39 = tpu.memref_slice %arg6[%dma_start3A_38] : memref<256xi32, #tpu.memory_space<vmem>> -> memref<64xi32, #tpu.memory_space<vmem>>
    %dma_start3A_40 = tpu.memref_slice %arg2[%dma_start3A_33, %mul3A_2] : memref<4x2048xi32, #tpu.memory_space<hbm>> -> memref<1x64xi32, #tpu.memory_space<hbm>>
    %dma_start3A_41 = tpu.memref_squeeze %dma_start3A_40 : memref<1x64xi32, #tpu.memory_space<hbm>> -> memref<64xi32, #tpu.memory_space<hbm>>
    tpu.enqueue_dma source(%dma_start3A_41 : memref<64xi32, #tpu.memory_space<hbm>>) target(%dma_start3A_39 : memref<64xi32, #tpu.memory_space<vmem>>) target_semaphore(%arg16 : memref<!tpu.dma_semaphore, #tpu.memory_space<semaphore_mem>>)
    %dma_wait3A = arith.constant 0 : i32
    %dma_wait3A_42 = arith.constant 0 : i32
    %dma_wait3A_43 = tpu.memref_slice %arg6[%dma_wait3A_42] : memref<256xi32, #tpu.memory_space<vmem>> -> memref<64xi32, #tpu.memory_space<vmem>>
    %dma_wait3A_44 = tpu.memref_slice %arg2[%dma_wait3A, %mul3A_2] : memref<4x2048xi32, #tpu.memory_space<hbm>> -> memref<1x64xi32, #tpu.memory_space<hbm>>
    %dma_wait3A_45 = tpu.memref_squeeze %dma_wait3A_44 : memref<1x64xi32, #tpu.memory_space<hbm>> -> memref<64xi32, #tpu.memory_space<hbm>>
    %dma_wait3A_46 = arith.constant 0 : i32
    %dma_wait3A_47 = tpu.memref_slice %arg6[%dma_wait3A_46] : memref<256xi32, #tpu.memory_space<vmem>> -> memref<64xi32, #tpu.memory_space<vmem>>
    %dma_wait3A_48 = tpu.memref_slice %arg2[%dma_wait3A, %mul3A_2] : memref<4x2048xi32, #tpu.memory_space<hbm>> -> memref<1x64xi32, #tpu.memory_space<hbm>>
    %dma_wait3A_49 = tpu.memref_squeeze %dma_wait3A_48 : memref<1x64xi32, #tpu.memory_space<hbm>> -> memref<64xi32, #tpu.memory_space<hbm>>
    tpu.wait_dma2 semaphore(%arg16 : memref<!tpu.dma_semaphore, #tpu.memory_space<semaphore_mem>>) src(%dma_wait3A_49 : memref<64xi32, #tpu.memory_space<hbm>>) dst(%dma_wait3A_47 : memref<64xi32, #tpu.memory_space<vmem>>)
    %dma_wait3A_50 = arith.constant 1 : i32
    %dma_wait3A_51 = arith.constant 64 : i32
    %dma_wait3A_52 = tpu.memref_slice %arg6[%dma_wait3A_51] : memref<256xi32, #tpu.memory_space<vmem>> -> memref<64xi32, #tpu.memory_space<vmem>>
    %dma_wait3A_53 = tpu.memref_slice %arg2[%dma_wait3A_50, %mul3A_2] : memref<4x2048xi32, #tpu.memory_space<hbm>> -> memref<1x64xi32, #tpu.memory_space<hbm>>
    %dma_wait3A_54 = tpu.memref_squeeze %dma_wait3A_53 : memref<1x64xi32, #tpu.memory_space<hbm>> -> memref<64xi32, #tpu.memory_space<hbm>>
    %dma_wait3A_55 = arith.constant 64 : i32
    %dma_wait3A_56 = tpu.memref_slice %arg6[%dma_wait3A_55] : memref<256xi32, #tpu.memory_space<vmem>> -> memref<64xi32, #tpu.memory_space<vmem>>
    %dma_wait3A_57 = tpu.memref_slice %arg2[%dma_wait3A_50, %mul3A_2] : memref<4x2048xi32, #tpu.memory_space<hbm>> -> memref<1x64xi32, #tpu.memory_space<hbm>>
    %dma_wait3A_58 = tpu.memref_squeeze %dma_wait3A_57 : memref<1x64xi32, #tpu.memory_space<hbm>> -> memref<64xi32, #tpu.memory_space<hbm>>
    tpu.wait_dma2 semaphore(%arg16 : memref<!tpu.dma_semaphore, #tpu.memory_space<semaphore_mem>>) src(%dma_wait3A_58 : memref<64xi32, #tpu.memory_space<hbm>>) dst(%dma_wait3A_56 : memref<64xi32, #tpu.memory_space<vmem>>)
    %dma_wait3A_59 = arith.constant 2 : i32
    %dma_wait3A_60 = arith.constant 128 : i32
    %dma_wait3A_61 = tpu.memref_slice %arg6[%dma_wait3A_60] : memref<256xi32, #tpu.memory_space<vmem>> -> memref<64xi32, #tpu.memory_space<vmem>>
    %dma_wait3A_62 = tpu.memref_slice %arg2[%dma_wait3A_59, %mul3A_2] : memref<4x2048xi32, #tpu.memory_space<hbm>> -> memref<1x64xi32, #tpu.memory_space<hbm>>
    %dma_wait3A_63 = tpu.memref_squeeze %dma_wait3A_62 : memref<1x64xi32, #tpu.memory_space<hbm>> -> memref<64xi32, #tpu.memory_space<hbm>>
    %dma_wait3A_64 = arith.constant 128 : i32
    %dma_wait3A_65 = tpu.memref_slice %arg6[%dma_wait3A_64] : memref<256xi32, #tpu.memory_space<vmem>> -> memref<64xi32, #tpu.memory_space<vmem>>
    %dma_wait3A_66 = tpu.memref_slice %arg2[%dma_wait3A_59, %mul3A_2] : memref<4x2048xi32, #tpu.memory_space<hbm>> -> memref<1x64xi32, #tpu.memory_space<hbm>>
    %dma_wait3A_67 = tpu.memref_squeeze %dma_wait3A_66 : memref<1x64xi32, #tpu.memory_space<hbm>> -> memref<64xi32, #tpu.memory_space<hbm>>
    tpu.wait_dma2 semaphore(%arg16 : memref<!tpu.dma_semaphore, #tpu.memory_space<semaphore_mem>>) src(%dma_wait3A_67 : memref<64xi32, #tpu.memory_space<hbm>>) dst(%dma_wait3A_65 : memref<64xi32, #tpu.memory_space<vmem>>)
    %dma_wait3A_68 = arith.constant 3 : i32
    %dma_wait3A_69 = arith.constant 192 : i32
    %dma_wait3A_70 = tpu.memref_slice %arg6[%dma_wait3A_69] : memref<256xi32, #tpu.memory_space<vmem>> -> memref<64xi32, #tpu.memory_space<vmem>>
    %dma_wait3A_71 = tpu.memref_slice %arg2[%dma_wait3A_68, %mul3A_2] : memref<4x2048xi32, #tpu.memory_space<hbm>> -> memref<1x64xi32, #tpu.memory_space<hbm>>
    %dma_wait3A_72 = tpu.memref_squeeze %dma_wait3A_71 : memref<1x64xi32, #tpu.memory_space<hbm>> -> memref<64xi32, #tpu.memory_space<hbm>>
    %dma_wait3A_73 = arith.constant 192 : i32
    %dma_wait3A_74 = tpu.memref_slice %arg6[%dma_wait3A_73] : memref<256xi32, #tpu.memory_space<vmem>> -> memref<64xi32, #tpu.memory_space<vmem>>
    %dma_wait3A_75 = tpu.memref_slice %arg2[%dma_wait3A_68, %mul3A_2] : memref<4x2048xi32, #tpu.memory_space<hbm>> -> memref<1x64xi32, #tpu.memory_space<hbm>>
    %dma_wait3A_76 = tpu.memref_squeeze %dma_wait3A_75 : memref<1x64xi32, #tpu.memory_space<hbm>> -> memref<64xi32, #tpu.memory_space<hbm>>
    tpu.wait_dma2 semaphore(%arg16 : memref<!tpu.dma_semaphore, #tpu.memory_space<semaphore_mem>>) src(%dma_wait3A_76 : memref<64xi32, #tpu.memory_space<hbm>>) dst(%dma_wait3A_74 : memref<64xi32, #tpu.memory_space<vmem>>)
    %dma_start3A_77 = arith.constant 0 : i32
    %dma_start3A_78 = arith.constant 0 : i32
    %dma_start3A_79 = arith.constant 0 : i32
    %dma_start3A_80 = tpu.memref_slice %arg7[%dma_start3A_77, %dma_start3A_78, %dma_start3A_79] : memref<3x16x1024xf32, #tpu.memory_space<vmem>> -> memref<1x16x1024xf32, #tpu.memory_space<vmem>>
    %dma_start3A_81 = tpu.memref_squeeze %dma_start3A_80 : memref<1x16x1024xf32, #tpu.memory_space<vmem>> -> memref<16x1024xf32, #tpu.memory_space<vmem>>
    %dma_start3A_82 = arith.constant 0 : i32
    %dma_start3A_83 = tpu.memref_slice %arg6[%dma_start3A_82] : memref<256xi32, #tpu.memory_space<vmem>> -> memref<16xi32, #tpu.memory_space<vmem>>
    %dma_start3A_84 = arith.constant 0 : i32
    %dma_start3A_85 = arith.constant 0 : i32
    %dma_start3A_86 = tpu.memref_slice %arg3[%dma_start3A_84, %dma_start3A_85] : memref<100000x1024xf32, #tpu.memory_space<hbm>> -> memref<100000x1024xf32, #tpu.memory_space<hbm>>
    tpu.enqueue_indirect_dma source(%dma_start3A_86 : memref<100000x1024xf32, #tpu.memory_space<hbm>>) target(%dma_start3A_81 : memref<16x1024xf32, #tpu.memory_space<vmem>>) offsets(%dma_start3A_83 : memref<16xi32, #tpu.memory_space<vmem>>) semaphore(%arg9 : memref<!tpu.dma_semaphore, #tpu.memory_space<semaphore_mem>>)
    %dma_start3A_87 = arith.constant 1 : i32
    %dma_start3A_88 = arith.constant 0 : i32
    %dma_start3A_89 = arith.constant 0 : i32
    %dma_start3A_90 = tpu.memref_slice %arg7[%dma_start3A_87, %dma_start3A_88, %dma_start3A_89] : memref<3x16x1024xf32, #tpu.memory_space<vmem>> -> memref<1x16x1024xf32, #tpu.memory_space<vmem>>
    %dma_start3A_91 = tpu.memref_squeeze %dma_start3A_90 : memref<1x16x1024xf32, #tpu.memory_space<vmem>> -> memref<16x1024xf32, #tpu.memory_space<vmem>>
    %dma_start3A_92 = arith.constant 16 : i32
    %dma_start3A_93 = tpu.memref_slice %arg6[%dma_start3A_92] : memref<256xi32, #tpu.memory_space<vmem>> -> memref<16xi32, #tpu.memory_space<vmem>>
    %dma_start3A_94 = arith.constant 0 : i32
    %dma_start3A_95 = arith.constant 0 : i32
    %dma_start3A_96 = tpu.memref_slice %arg3[%dma_start3A_94, %dma_start3A_95] : memref<100000x1024xf32, #tpu.memory_space<hbm>> -> memref<100000x1024xf32, #tpu.memory_space<hbm>>
    tpu.enqueue_indirect_dma source(%dma_start3A_96 : memref<100000x1024xf32, #tpu.memory_space<hbm>>) target(%dma_start3A_91 : memref<16x1024xf32, #tpu.memory_space<vmem>>) offsets(%dma_start3A_93 : memref<16xi32, #tpu.memory_space<vmem>>) semaphore(%arg10 : memref<!tpu.dma_semaphore, #tpu.memory_space<semaphore_mem>>)
    %dma_wait3A_97 = arith.constant 0 : i32
    %dma_wait3A_98 = tpu.memref_slice %arg4[%mul3A_2, %dma_wait3A_97] : memref<2048x1024xf32, #tpu.memory_space<hbm>> -> memref<64x1024xf32, #tpu.memory_space<hbm>>
    %dma_wait3A_99 = arith.constant 0 : i32
    %dma_wait3A_100 = tpu.memref_slice %arg4[%mul3A_2, %dma_wait3A_99] : memref<2048x1024xf32, #tpu.memory_space<hbm>> -> memref<64x1024xf32, #tpu.memory_space<hbm>>
    tpu.wait_dma2 semaphore(%arg15 : memref<!tpu.dma_semaphore, #tpu.memory_space<semaphore_mem>>) src(%dma_wait3A_100 : memref<64x1024xf32, #tpu.memory_space<hbm>>) dst(%arg8 : memref<64x1024xf32, #tpu.memory_space<vmem>>)
    %dma_start3A_101 = arith.constant 2 : i32
    %dma_start3A_102 = arith.constant 0 : i32
    %dma_start3A_103 = arith.constant 0 : i32
    %dma_start3A_104 = tpu.memref_slice %arg7[%dma_start3A_101, %dma_start3A_102, %dma_start3A_103] : memref<3x16x1024xf32, #tpu.memory_space<vmem>> -> memref<1x16x1024xf32, #tpu.memory_space<vmem>>
    %dma_start3A_105 = tpu.memref_squeeze %dma_start3A_104 : memref<1x16x1024xf32, #tpu.memory_space<vmem>> -> memref<16x1024xf32, #tpu.memory_space<vmem>>
    %dma_start3A_106 = arith.constant 32 : i32
    %dma_start3A_107 = tpu.memref_slice %arg6[%dma_start3A_106] : memref<256xi32, #tpu.memory_space<vmem>> -> memref<16xi32, #tpu.memory_space<vmem>>
    %dma_start3A_108 = arith.constant 0 : i32
    %dma_start3A_109 = arith.constant 0 : i32
    %dma_start3A_110 = tpu.memref_slice %arg3[%dma_start3A_108, %dma_start3A_109] : memref<100000x1024xf32, #tpu.memory_space<hbm>> -> memref<100000x1024xf32, #tpu.memory_space<hbm>>
    tpu.enqueue_indirect_dma source(%dma_start3A_110 : memref<100000x1024xf32, #tpu.memory_space<hbm>>) target(%dma_start3A_105 : memref<16x1024xf32, #tpu.memory_space<vmem>>) offsets(%dma_start3A_107 : memref<16xi32, #tpu.memory_space<vmem>>) semaphore(%arg11 : memref<!tpu.dma_semaphore, #tpu.memory_space<semaphore_mem>>)
    %dma_wait3A_111 = arith.constant 0 : i32
    %dma_wait3A_112 = arith.constant 0 : i32
    %dma_wait3A_113 = arith.constant 0 : i32
    %dma_wait3A_114 = tpu.memref_slice %arg7[%dma_wait3A_111, %dma_wait3A_112, %dma_wait3A_113] : memref<3x16x1024xf32, #tpu.memory_space<vmem>> -> memref<1x16x1024xf32, #tpu.memory_space<vmem>>
    %dma_wait3A_115 = tpu.memref_squeeze %dma_wait3A_114 : memref<1x16x1024xf32, #tpu.memory_space<vmem>> -> memref<16x1024xf32, #tpu.memory_space<vmem>>
    %dma_wait3A_116 = arith.constant 0 : i32
    %dma_wait3A_117 = tpu.memref_slice %arg6[%dma_wait3A_116] : memref<256xi32, #tpu.memory_space<vmem>> -> memref<16xi32, #tpu.memory_space<vmem>>
    %dma_wait3A_118 = arith.constant 0 : i32
    %dma_wait3A_119 = arith.constant 0 : i32
    %dma_wait3A_120 = tpu.memref_slice %arg3[%dma_wait3A_118, %dma_wait3A_119] : memref<100000x1024xf32, #tpu.memory_space<hbm>> -> memref<100000x1024xf32, #tpu.memory_space<hbm>>
    tpu.wait_indirect_dma semaphore(%arg9 : memref<!tpu.dma_semaphore, #tpu.memory_space<semaphore_mem>>) src(%dma_wait3A_120 : memref<100000x1024xf32, #tpu.memory_space<hbm>>) dst(%dma_wait3A_115 : memref<16x1024xf32, #tpu.memory_space<vmem>>)
    %parallel_loop3A = arith.constant 0 : i32
    %parallel_loop3A_121 = arith.constant 1024 : i32
    %parallel_loop3A_122 = arith.constant 1 : i32
    %parallel_loop3A_123 = arith.constant 0 : i32
    scf.for %parallel_loop3A_1008 = %parallel_loop3A to %parallel_loop3A_121 step %parallel_loop3A_122  : i32 {
      %parallel_loop3A_1009 = arith.constant 6 : i32
      %parallel_loop3A_1010 = arith.shrsi %parallel_loop3A_1008, %parallel_loop3A_1009 : i32
      %parallel_loop3A_1011 = arith.constant 63 : i32
      %parallel_loop3A_1012 = arith.andi %parallel_loop3A_1008, %parallel_loop3A_1011 : i32
      %parallel_loop3A_1013 = arith.constant 4 : i32
      %parallel_loop3A_1014 = arith.shli %parallel_loop3A_1012, %parallel_loop3A_1013 : i32
      %parallel_loop3A_1015 = tpu.assume_multiple %parallel_loop3A_1014, 16 : i32
      %parallel_loop3A_1016 = arith.constant 0 : i32
      %parallel_loop3A_1017 = arith.addi %parallel_loop3A_1016, %parallel_loop3A_1010 : i32
      %parallel_loop3A_1018 = arith.index_cast %parallel_loop3A_1017 : i32 to index
      %parallel_loop3A_1019 = arith.index_cast %parallel_loop3A_1015 : i32 to index
      %parallel_loop3A_1020 = tpu.vector_load %arg8[%parallel_loop3A_1018, %parallel_loop3A_1019] {strides = array<i32>} : memref<64x1024xf32, #tpu.memory_space<vmem>>, vector<1x16xf32>,
      %parallel_loop3A_1021 = vector.shape_cast %parallel_loop3A_1020 : vector<1x16xf32> to vector<16xf32>
      %parallel_loop3A_1022 = arith.constant 0 : i32
      %parallel_loop3A_1023 = arith.constant 0 : i32
      %parallel_loop3A_1024 = tpu.memref_slice %arg7[%parallel_loop3A_123, %parallel_loop3A_1022, %parallel_loop3A_1023] : memref<3x16x1024xf32, #tpu.memory_space<vmem>> -> memref<1x16x1024xf32, #tpu.memory_space<vmem>>
      %parallel_loop3A_1025 = tpu.memref_squeeze %parallel_loop3A_1024 : memref<1x16x1024xf32, #tpu.memory_space<vmem>> -> memref<16x1024xf32, #tpu.memory_space<vmem>>
      %parallel_loop3A_1026 = arith.index_cast %parallel_loop3A_1010 : i32 to index
      %parallel_loop3A_1027 = arith.index_cast %parallel_loop3A_1015 : i32 to index
      %parallel_loop3A_1028 = tpu.vector_load %parallel_loop3A_1025[%parallel_loop3A_1026, %parallel_loop3A_1027] {strides = array<i32>} : memref<16x1024xf32, #tpu.memory_space<vmem>>, vector<1x16xf32>,
      %parallel_loop3A_1029 = vector.shape_cast %parallel_loop3A_1028 : vector<1x16xf32> to vector<16xf32>
      %parallel_loop3A_1030 = vector.shape_cast %parallel_loop3A_1021 : vector<16xf32> to vector<1x16xf32>
      tpu.vector_store %parallel_loop3A_1025[%parallel_loop3A_1026, %parallel_loop3A_1027], %parallel_loop3A_1030 {add = true, strides = array<i32>} : memref<16x1024xf32, #tpu.memory_space<vmem>>, vector<1x16xf32>,
    } {sc.loop_unroll_factor = 8 : i64, sc.parallel_access}
    %add3A_124 = arith.constant 0 : i32
    %add3A_125 = arith.addi %mul3A_2, %add3A_124 : i32
    %dma_start3A_126 = arith.constant 0 : i32
    %dma_start3A_127 = arith.constant 0 : i32
    %dma_start3A_128 = arith.constant 0 : i32
    %dma_start3A_129 = arith.constant 0 : i32
    %dma_start3A_130 = tpu.memref_slice %arg7[%dma_start3A_126, %dma_start3A_128, %dma_start3A_129] : memref<3x16x1024xf32, #tpu.memory_space<vmem>> -> memref<1x16x1024xf32, #tpu.memory_space<vmem>>
    %dma_start3A_131 = tpu.memref_squeeze %dma_start3A_130 : memref<1x16x1024xf32, #tpu.memory_space<vmem>> -> memref<16x1024xf32, #tpu.memory_space<vmem>>
    %dma_start3A_132 = arith.constant 0 : i32
    %dma_start3A_133 = tpu.memref_slice %arg5[%dma_start3A_127, %add3A_125, %dma_start3A_132] : memref<4x2048x1024xf32, #tpu.memory_space<hbm>> -> memref<1x16x1024xf32, #tpu.memory_space<hbm>>
    %dma_start3A_134 = tpu.memref_squeeze %dma_start3A_133 : memref<1x16x1024xf32, #tpu.memory_space<hbm>> -> memref<16x1024xf32, #tpu.memory_space<hbm>>
    %dma_start3A_135 = arith.constant 0 : i32
    %dma_start3A_136 = tpu.memref_slice %arg5[%dma_start3A_127, %add3A_125, %dma_start3A_135] : memref<4x2048x1024xf32, #tpu.memory_space<hbm>> -> memref<1x16x1024xf32, #tpu.memory_space<hbm>>
    %dma_start3A_137 = tpu.memref_squeeze %dma_start3A_136 : memref<1x16x1024xf32, #tpu.memory_space<hbm>> -> memref<16x1024xf32, #tpu.memory_space<hbm>>
    %dma_start3A_138 = arith.constant 0 : i32
    %dma_start3A_139 = arith.constant 0 : i32
    %dma_start3A_140 = tpu.memref_slice %arg7[%dma_start3A_126, %dma_start3A_138, %dma_start3A_139] : memref<3x16x1024xf32, #tpu.memory_space<vmem>> -> memref<1x16x1024xf32, #tpu.memory_space<vmem>>
    %dma_start3A_141 = tpu.memref_squeeze %dma_start3A_140 : memref<1x16x1024xf32, #tpu.memory_space<vmem>> -> memref<16x1024xf32, #tpu.memory_space<vmem>>
    tpu.enqueue_dma source(%dma_start3A_141 : memref<16x1024xf32, #tpu.memory_space<vmem>>) target(%dma_start3A_137 : memref<16x1024xf32, #tpu.memory_space<hbm>>) target_semaphore(%arg12 : memref<!tpu.dma_semaphore, #tpu.memory_space<semaphore_mem>>)
    %dma_wait3A_142 = arith.constant 0 : i32
    %dma_wait3A_143 = arith.constant 0 : i32
    %dma_wait3A_144 = arith.constant 0 : i32
    %dma_wait3A_145 = arith.constant 0 : i32
    %dma_wait3A_146 = tpu.memref_slice %arg7[%dma_wait3A_142, %dma_wait3A_144, %dma_wait3A_145] : memref<3x16x1024xf32, #tpu.memory_space<vmem>> -> memref<1x16x1024xf32, #tpu.memory_space<vmem>>
    %dma_wait3A_147 = tpu.memref_squeeze %dma_wait3A_146 : memref<1x16x1024xf32, #tpu.memory_space<vmem>> -> memref<16x1024xf32, #tpu.memory_space<vmem>>
    %dma_wait3A_148 = arith.constant 0 : i32
    %dma_wait3A_149 = tpu.memref_slice %arg5[%dma_wait3A_143, %add3A_125, %dma_wait3A_148] : memref<4x2048x1024xf32, #tpu.memory_space<hbm>> -> memref<1x16x1024xf32, #tpu.memory_space<hbm>>
    %dma_wait3A_150 = tpu.memref_squeeze %dma_wait3A_149 : memref<1x16x1024xf32, #tpu.memory_space<hbm>> -> memref<16x1024xf32, #tpu.memory_space<hbm>>
    %dma_wait3A_151 = arith.constant 0 : i32
    %dma_wait3A_152 = tpu.memref_slice %arg5[%dma_wait3A_143, %add3A_125, %dma_wait3A_151] : memref<4x2048x1024xf32, #tpu.memory_space<hbm>> -> memref<1x16x1024xf32, #tpu.memory_space<hbm>>
    %dma_wait3A_153 = tpu.memref_squeeze %dma_wait3A_152 : memref<1x16x1024xf32, #tpu.memory_space<hbm>> -> memref<16x1024xf32, #tpu.memory_space<hbm>>
    %dma_wait3A_154 = arith.constant 0 : i32
    %dma_wait3A_155 = arith.constant 0 : i32
    %dma_wait3A_156 = tpu.memref_slice %arg7[%dma_wait3A_142, %dma_wait3A_154, %dma_wait3A_155] : memref<3x16x1024xf32, #tpu.memory_space<vmem>> -> memref<1x16x1024xf32, #tpu.memory_space<vmem>>
    %dma_wait3A_157 = tpu.memref_squeeze %dma_wait3A_156 : memref<1x16x1024xf32, #tpu.memory_space<vmem>> -> memref<16x1024xf32, #tpu.memory_space<vmem>>
    tpu.wait_dma2 semaphore(%arg12 : memref<!tpu.dma_semaphore, #tpu.memory_space<semaphore_mem>>) src(%dma_wait3A_157 : memref<16x1024xf32, #tpu.memory_space<vmem>>) dst(%dma_wait3A_153 : memref<16x1024xf32, #tpu.memory_space<hbm>>)
    %dma_start3A_158 = arith.constant 0 : i32
    %dma_start3A_159 = arith.constant 0 : i32
    %dma_start3A_160 = arith.constant 0 : i32
    %dma_start3A_161 = tpu.memref_slice %arg7[%dma_start3A_158, %dma_start3A_159, %dma_start3A_160] : memref<3x16x1024xf32, #tpu.memory_space<vmem>> -> memref<1x16x1024xf32, #tpu.memory_space<vmem>>
    %dma_start3A_162 = tpu.memref_squeeze %dma_start3A_161 : memref<1x16x1024xf32, #tpu.memory_space<vmem>> -> memref<16x1024xf32, #tpu.memory_space<vmem>>
    %dma_start3A_163 = arith.constant 48 : i32
    %dma_start3A_164 = tpu.memref_slice %arg6[%dma_start3A_163] : memref<256xi32, #tpu.memory_space<vmem>> -> memref<16xi32, #tpu.memory_space<vmem>>
    %dma_start3A_165 = arith.constant 0 : i32
    %dma_start3A_166 = arith.constant 0 : i32
    %dma_start3A_167 = tpu.memref_slice %arg3[%dma_start3A_165, %dma_start3A_166] : memref<100000x1024xf32, #tpu.memory_space<hbm>> -> memref<100000x1024xf32, #tpu.memory_space<hbm>>
    tpu.enqueue_indirect_dma source(%dma_start3A_167 : memref<100000x1024xf32, #tpu.memory_space<hbm>>) target(%dma_start3A_162 : memref<16x1024xf32, #tpu.memory_space<vmem>>) offsets(%dma_start3A_164 : memref<16xi32, #tpu.memory_space<vmem>>) semaphore(%arg9 : memref<!tpu.dma_semaphore, #tpu.memory_space<semaphore_mem>>)
    %dma_wait3A_168 = arith.constant 1 : i32
    %dma_wait3A_169 = arith.constant 0 : i32
    %dma_wait3A_170 = arith.constant 0 : i32
    %dma_wait3A_171 = tpu.memref_slice %arg7[%dma_wait3A_168, %dma_wait3A_169, %dma_wait3A_170] : memref<3x16x1024xf32, #tpu.memory_space<vmem>> -> memref<1x16x1024xf32, #tpu.memory_space<vmem>>
    %dma_wait3A_172 = tpu.memref_squeeze %dma_wait3A_171 : memref<1x16x1024xf32, #tpu.memory_space<vmem>> -> memref<16x1024xf32, #tpu.memory_space<vmem>>
    %dma_wait3A_173 = arith.constant 16 : i32
    %dma_wait3A_174 = tpu.memref_slice %arg6[%dma_wait3A_173] : memref<256xi32, #tpu.memory_space<vmem>> -> memref<16xi32, #tpu.memory_space<vmem>>
    %dma_wait3A_175 = arith.constant 0 : i32
    %dma_wait3A_176 = arith.constant 0 : i32
    %dma_wait3A_177 = tpu.memref_slice %arg3[%dma_wait3A_175, %dma_wait3A_176] : memref<100000x1024xf32, #tpu.memory_space<hbm>> -> memref<100000x1024xf32, #tpu.memory_space<hbm>>
    tpu.wait_indirect_dma semaphore(%arg10 : memref<!tpu.dma_semaphore, #tpu.memory_space<semaphore_mem>>) src(%dma_wait3A_177 : memref<100000x1024xf32, #tpu.memory_space<hbm>>) dst(%dma_wait3A_172 : memref<16x1024xf32, #tpu.memory_space<vmem>>)
    %parallel_loop3A_178 = arith.constant 0 : i32
    %parallel_loop3A_179 = arith.constant 1024 : i32
    %parallel_loop3A_180 = arith.constant 1 : i32
    %parallel_loop3A_181 = arith.constant 1 : i32
    scf.for %parallel_loop3A_1008 = %parallel_loop3A_178 to %parallel_loop3A_179 step %parallel_loop3A_180  : i32 {
      %parallel_loop3A_1009 = arith.constant 6 : i32
      %parallel_loop3A_1010 = arith.shrsi %parallel_loop3A_1008, %parallel_loop3A_1009 : i32
      %parallel_loop3A_1011 = arith.constant 63 : i32
      %parallel_loop3A_1012 = arith.andi %parallel_loop3A_1008, %parallel_loop3A_1011 : i32
      %parallel_loop3A_1013 = arith.constant 4 : i32
      %parallel_loop3A_1014 = arith.shli %parallel_loop3A_1012, %parallel_loop3A_1013 : i32
      %parallel_loop3A_1015 = tpu.assume_multiple %parallel_loop3A_1014, 16 : i32
      %parallel_loop3A_1016 = arith.constant 16 : i32
      %parallel_loop3A_1017 = arith.addi %parallel_loop3A_1016, %parallel_loop3A_1010 : i32
      %parallel_loop3A_1018 = arith.index_cast %parallel_loop3A_1017 : i32 to index
      %parallel_loop3A_1019 = arith.index_cast %parallel_loop3A_1015 : i32 to index
      %parallel_loop3A_1020 = tpu.vector_load %arg8[%parallel_loop3A_1018, %parallel_loop3A_1019] {strides = array<i32>} : memref<64x1024xf32, #tpu.memory_space<vmem>>, vector<1x16xf32>,
      %parallel_loop3A_1021 = vector.shape_cast %parallel_loop3A_1020 : vector<1x16xf32> to vector<16xf32>
      %parallel_loop3A_1022 = arith.constant 0 : i32
      %parallel_loop3A_1023 = arith.constant 0 : i32
      %parallel_loop3A_1024 = tpu.memref_slice %arg7[%parallel_loop3A_181, %parallel_loop3A_1022, %parallel_loop3A_1023] : memref<3x16x1024xf32, #tpu.memory_space<vmem>> -> memref<1x16x1024xf32, #tpu.memory_space<vmem>>
      %parallel_loop3A_1025 = tpu.memref_squeeze %parallel_loop3A_1024 : memref<1x16x1024xf32, #tpu.memory_space<vmem>> -> memref<16x1024xf32, #tpu.memory_space<vmem>>
      %parallel_loop3A_1026 = arith.index_cast %parallel_loop3A_1010 : i32 to index
      %parallel_loop3A_1027 = arith.index_cast %parallel_loop3A_1015 : i32 to index
      %parallel_loop3A_1028 = tpu.vector_load %parallel_loop3A_1025[%parallel_loop3A_1026, %parallel_loop3A_1027] {strides = array<i32>} : memref<16x1024xf32, #tpu.memory_space<vmem>>, vector<1x16xf32>,
      %parallel_loop3A_1029 = vector.shape_cast %parallel_loop3A_1028 : vector<1x16xf32> to vector<16xf32>
      %parallel_loop3A_1030 = vector.shape_cast %parallel_loop3A_1021 : vector<16xf32> to vector<1x16xf32>
      tpu.vector_store %parallel_loop3A_1025[%parallel_loop3A_1026, %parallel_loop3A_1027], %parallel_loop3A_1030 {add = true, strides = array<i32>} : memref<16x1024xf32, #tpu.memory_space<vmem>>, vector<1x16xf32>,
    } {sc.loop_unroll_factor = 8 : i64, sc.parallel_access}
    %add3A_182 = arith.constant 16 : i32
    %add3A_183 = arith.addi %mul3A_2, %add3A_182 : i32
    %dma_start3A_184 = arith.constant 1 : i32
    %dma_start3A_185 = arith.constant 0 : i32
    %dma_start3A_186 = arith.constant 0 : i32
    %dma_start3A_187 = arith.constant 0 : i32
    %dma_start3A_188 = tpu.memref_slice %arg7[%dma_start3A_184, %dma_start3A_186, %dma_start3A_187] : memref<3x16x1024xf32, #tpu.memory_space<vmem>> -> memref<1x16x1024xf32, #tpu.memory_space<vmem>>
    %dma_start3A_189 = tpu.memref_squeeze %dma_start3A_188 : memref<1x16x1024xf32, #tpu.memory_space<vmem>> -> memref<16x1024xf32, #tpu.memory_space<vmem>>
    %dma_start3A_190 = arith.constant 0 : i32
    %dma_start3A_191 = tpu.memref_slice %arg5[%dma_start3A_185, %add3A_183, %dma_start3A_190] : memref<4x2048x1024xf32, #tpu.memory_space<hbm>> -> memref<1x16x1024xf32, #tpu.memory_space<hbm>>
    %dma_start3A_192 = tpu.memref_squeeze %dma_start3A_191 : memref<1x16x1024xf32, #tpu.memory_space<hbm>> -> memref<16x1024xf32, #tpu.memory_space<hbm>>
    %dma_start3A_193 = arith.constant 0 : i32
    %dma_start3A_194 = tpu.memref_slice %arg5[%dma_start3A_185, %add3A_183, %dma_start3A_193] : memref<4x2048x1024xf32, #tpu.memory_space<hbm>> -> memref<1x16x1024xf32, #tpu.memory_space<hbm>>
    %dma_start3A_195 = tpu.memref_squeeze %dma_start3A_194 : memref<1x16x1024xf32, #tpu.memory_space<hbm>> -> memref<16x1024xf32, #tpu.memory_space<hbm>>
    %dma_start3A_196 = arith.constant 0 : i32
    %dma_start3A_197 = arith.constant 0 : i32
    %dma_start3A_198 = tpu.memref_slice %arg7[%dma_start3A_184, %dma_start3A_196, %dma_start3A_197] : memref<3x16x1024xf32, #tpu.memory_space<vmem>> -> memref<1x16x1024xf32, #tpu.memory_space<vmem>>
    %dma_start3A_199 = tpu.memref_squeeze %dma_start3A_198 : memref<1x16x1024xf32, #tpu.memory_space<vmem>> -> memref<16x1024xf32, #tpu.memory_space<vmem>>
    tpu.enqueue_dma source(%dma_start3A_199 : memref<16x1024xf32, #tpu.memory_space<vmem>>) target(%dma_start3A_195 : memref<16x1024xf32, #tpu.memory_space<hbm>>) target_semaphore(%arg13 : memref<!tpu.dma_semaphore, #tpu.memory_space<semaphore_mem>>)
    %dma_wait3A_200 = arith.constant 1 : i32
    %dma_wait3A_201 = arith.constant 0 : i32
    %dma_wait3A_202 = arith.constant 0 : i32
    %dma_wait3A_203 = arith.constant 0 : i32
    %dma_wait3A_204 = tpu.memref_slice %arg7[%dma_wait3A_200, %dma_wait3A_202, %dma_wait3A_203] : memref<3x16x1024xf32, #tpu.memory_space<vmem>> -> memref<1x16x1024xf32, #tpu.memory_space<vmem>>
    %dma_wait3A_205 = tpu.memref_squeeze %dma_wait3A_204 : memref<1x16x1024xf32, #tpu.memory_space<vmem>> -> memref<16x1024xf32, #tpu.memory_space<vmem>>
    %dma_wait3A_206 = arith.constant 0 : i32
    %dma_wait3A_207 = tpu.memref_slice %arg5[%dma_wait3A_201, %add3A_183, %dma_wait3A_206] : memref<4x2048x1024xf32, #tpu.memory_space<hbm>> -> memref<1x16x1024xf32, #tpu.memory_space<hbm>>
    %dma_wait3A_208 = tpu.memref_squeeze %dma_wait3A_207 : memref<1x16x1024xf32, #tpu.memory_space<hbm>> -> memref<16x1024xf32, #tpu.memory_space<hbm>>
    %dma_wait3A_209 = arith.constant 0 : i32
    %dma_wait3A_210 = tpu.memref_slice %arg5[%dma_wait3A_201, %add3A_183, %dma_wait3A_209] : memref<4x2048x1024xf32, #tpu.memory_space<hbm>> -> memref<1x16x1024xf32, #tpu.memory_space<hbm>>
    %dma_wait3A_211 = tpu.memref_squeeze %dma_wait3A_210 : memref<1x16x1024xf32, #tpu.memory_space<hbm>> -> memref<16x1024xf32, #tpu.memory_space<hbm>>
    %dma_wait3A_212 = arith.constant 0 : i32
    %dma_wait3A_213 = arith.constant 0 : i32
    %dma_wait3A_214 = tpu.memref_slice %arg7[%dma_wait3A_200, %dma_wait3A_212, %dma_wait3A_213] : memref<3x16x1024xf32, #tpu.memory_space<vmem>> -> memref<1x16x1024xf32, #tpu.memory_space<vmem>>
    %dma_wait3A_215 = tpu.memref_squeeze %dma_wait3A_214 : memref<1x16x1024xf32, #tpu.memory_space<vmem>> -> memref<16x1024xf32, #tpu.memory_space<vmem>>
    tpu.wait_dma2 semaphore(%arg13 : memref<!tpu.dma_semaphore, #tpu.memory_space<semaphore_mem>>) src(%dma_wait3A_215 : memref<16x1024xf32, #tpu.memory_space<vmem>>) dst(%dma_wait3A_211 : memref<16x1024xf32, #tpu.memory_space<hbm>>)
    %dma_start3A_216 = arith.constant 1 : i32
    %dma_start3A_217 = arith.constant 0 : i32
    %dma_start3A_218 = arith.constant 0 : i32
    %dma_start3A_219 = tpu.memref_slice %arg7[%dma_start3A_216, %dma_start3A_217, %dma_start3A_218] : memref<3x16x1024xf32, #tpu.memory_space<vmem>> -> memref<1x16x1024xf32, #tpu.memory_space<vmem>>
    %dma_start3A_220 = tpu.memref_squeeze %dma_start3A_219 : memref<1x16x1024xf32, #tpu.memory_space<vmem>> -> memref<16x1024xf32, #tpu.memory_space<vmem>>
    %dma_start3A_221 = arith.constant 64 : i32
    %dma_start3A_222 = tpu.memref_slice %arg6[%dma_start3A_221] : memref<256xi32, #tpu.memory_space<vmem>> -> memref<16xi32, #tpu.memory_space<vmem>>
    %dma_start3A_223 = arith.constant 0 : i32
    %dma_start3A_224 = arith.constant 0 : i32
    %dma_start3A_225 = tpu.memref_slice %arg3[%dma_start3A_223, %dma_start3A_224] : memref<100000x1024xf32, #tpu.memory_space<hbm>> -> memref<100000x1024xf32, #tpu.memory_space<hbm>>
    tpu.enqueue_indirect_dma source(%dma_start3A_225 : memref<100000x1024xf32, #tpu.memory_space<hbm>>) target(%dma_start3A_220 : memref<16x1024xf32, #tpu.memory_space<vmem>>) offsets(%dma_start3A_222 : memref<16xi32, #tpu.memory_space<vmem>>) semaphore(%arg10 : memref<!tpu.dma_semaphore, #tpu.memory_space<semaphore_mem>>)
    %dma_wait3A_226 = arith.constant 2 : i32
    %dma_wait3A_227 = arith.constant 0 : i32
    %dma_wait3A_228 = arith.constant 0 : i32
    %dma_wait3A_229 = tpu.memref_slice %arg7[%dma_wait3A_226, %dma_wait3A_227, %dma_wait3A_228] : memref<3x16x1024xf32, #tpu.memory_space<vmem>> -> memref<1x16x1024xf32, #tpu.memory_space<vmem>>
    %dma_wait3A_230 = tpu.memref_squeeze %dma_wait3A_229 : memref<1x16x1024xf32, #tpu.memory_space<vmem>> -> memref<16x1024xf32, #tpu.memory_space<vmem>>
    %dma_wait3A_231 = arith.constant 32 : i32
    %dma_wait3A_232 = tpu.memref_slice %arg6[%dma_wait3A_231] : memref<256xi32, #tpu.memory_space<vmem>> -> memref<16xi32, #tpu.memory_space<vmem>>
    %dma_wait3A_233 = arith.constant 0 : i32
    %dma_wait3A_234 = arith.constant 0 : i32
    %dma_wait3A_235 = tpu.memref_slice %arg3[%dma_wait3A_233, %dma_wait3A_234] : memref<100000x1024xf32, #tpu.memory_space<hbm>> -> memref<100000x1024xf32, #tpu.memory_space<hbm>>
    tpu.wait_indirect_dma semaphore(%arg11 : memref<!tpu.dma_semaphore, #tpu.memory_space<semaphore_mem>>) src(%dma_wait3A_235 : memref<100000x1024xf32, #tpu.memory_space<hbm>>) dst(%dma_wait3A_230 : memref<16x1024xf32, #tpu.memory_space<vmem>>)
    %parallel_loop3A_236 = arith.constant 0 : i32
    %parallel_loop3A_237 = arith.constant 1024 : i32
    %parallel_loop3A_238 = arith.constant 1 : i32
    %parallel_loop3A_239 = arith.constant 2 : i32
    scf.for %parallel_loop3A_1008 = %parallel_loop3A_236 to %parallel_loop3A_237 step %parallel_loop3A_238  : i32 {
      %parallel_loop3A_1009 = arith.constant 6 : i32
      %parallel_loop3A_1010 = arith.shrsi %parallel_loop3A_1008, %parallel_loop3A_1009 : i32
      %parallel_loop3A_1011 = arith.constant 63 : i32
      %parallel_loop3A_1012 = arith.andi %parallel_loop3A_1008, %parallel_loop3A_1011 : i32
      %parallel_loop3A_1013 = arith.constant 4 : i32
      %parallel_loop3A_1014 = arith.shli %parallel_loop3A_1012, %parallel_loop3A_1013 : i32
      %parallel_loop3A_1015 = tpu.assume_multiple %parallel_loop3A_1014, 16 : i32
      %parallel_loop3A_1016 = arith.constant 32 : i32
      %parallel_loop3A_1017 = arith.addi %parallel_loop3A_1016, %parallel_loop3A_1010 : i32
      %parallel_loop3A_1018 = arith.index_cast %parallel_loop3A_1017 : i32 to index
      %parallel_loop3A_1019 = arith.index_cast %parallel_loop3A_1015 : i32 to index
      %parallel_loop3A_1020 = tpu.vector_load %arg8[%parallel_loop3A_1018, %parallel_loop3A_1019] {strides = array<i32>} : memref<64x1024xf32, #tpu.memory_space<vmem>>, vector<1x16xf32>,
      %parallel_loop3A_1021 = vector.shape_cast %parallel_loop3A_1020 : vector<1x16xf32> to vector<16xf32>
      %parallel_loop3A_1022 = arith.constant 0 : i32
      %parallel_loop3A_1023 = arith.constant 0 : i32
      %parallel_loop3A_1024 = tpu.memref_slice %arg7[%parallel_loop3A_239, %parallel_loop3A_1022, %parallel_loop3A_1023] : memref<3x16x1024xf32, #tpu.memory_space<vmem>> -> memref<1x16x1024xf32, #tpu.memory_space<vmem>>
      %parallel_loop3A_1025 = tpu.memref_squeeze %parallel_loop3A_1024 : memref<1x16x1024xf32, #tpu.memory_space<vmem>> -> memref<16x1024xf32, #tpu.memory_space<vmem>>
      %parallel_loop3A_1026 = arith.index_cast %parallel_loop3A_1010 : i32 to index
      %parallel_loop3A_1027 = arith.index_cast %parallel_loop3A_1015 : i32 to index
      %parallel_loop3A_1028 = tpu.vector_load %parallel_loop3A_1025[%parallel_loop3A_1026, %parallel_loop3A_1027] {strides = array<i32>} : memref<16x1024xf32, #tpu.memory_space<vmem>>, vector<1x16xf32>,
      %parallel_loop3A_1029 = vector.shape_cast %parallel_loop3A_1028 : vector<1x16xf32> to vector<16xf32>
      %parallel_loop3A_1030 = vector.shape_cast %parallel_loop3A_1021 : vector<16xf32> to vector<1x16xf32>
      tpu.vector_store %parallel_loop3A_1025[%parallel_loop3A_1026, %parallel_loop3A_1027], %parallel_loop3A_1030 {add = true, strides = array<i32>} : memref<16x1024xf32, #tpu.memory_space<vmem>>, vector<1x16xf32>,
    } {sc.loop_unroll_factor = 8 : i64, sc.parallel_access}
    %add3A_240 = arith.constant 32 : i32
    %add3A_241 = arith.addi %mul3A_2, %add3A_240 : i32
    %dma_start3A_242 = arith.constant 2 : i32
    %dma_start3A_243 = arith.constant 0 : i32
    %dma_start3A_244 = arith.constant 0 : i32
    %dma_start3A_245 = arith.constant 0 : i32
    %dma_start3A_246 = tpu.memref_slice %arg7[%dma_start3A_242, %dma_start3A_244, %dma_start3A_245] : memref<3x16x1024xf32, #tpu.memory_space<vmem>> -> memref<1x16x1024xf32, #tpu.memory_space<vmem>>
    %dma_start3A_247 = tpu.memref_squeeze %dma_start3A_246 : memref<1x16x1024xf32, #tpu.memory_space<vmem>> -> memref<16x1024xf32, #tpu.memory_space<vmem>>
    %dma_start3A_248 = arith.constant 0 : i32
    %dma_start3A_249 = tpu.memref_slice %arg5[%dma_start3A_243, %add3A_241, %dma_start3A_248] : memref<4x2048x1024xf32, #tpu.memory_space<hbm>> -> memref<1x16x1024xf32, #tpu.memory_space<hbm>>
    %dma_start3A_250 = tpu.memref_squeeze %dma_start3A_249 : memref<1x16x1024xf32, #tpu.memory_space<hbm>> -> memref<16x1024xf32, #tpu.memory_space<hbm>>
    %dma_start3A_251 = arith.constant 0 : i32
    %dma_start3A_252 = tpu.memref_slice %arg5[%dma_start3A_243, %add3A_241, %dma_start3A_251] : memref<4x2048x1024xf32, #tpu.memory_space<hbm>> -> memref<1x16x1024xf32, #tpu.memory_space<hbm>>
    %dma_start3A_253 = tpu.memref_squeeze %dma_start3A_252 : memref<1x16x1024xf32, #tpu.memory_space<hbm>> -> memref<16x1024xf32, #tpu.memory_space<hbm>>
    %dma_start3A_254 = arith.constant 0 : i32
    %dma_start3A_255 = arith.constant 0 : i32
    %dma_start3A_256 = tpu.memref_slice %arg7[%dma_start3A_242, %dma_start3A_254, %dma_start3A_255] : memref<3x16x1024xf32, #tpu.memory_space<vmem>> -> memref<1x16x1024xf32, #tpu.memory_space<vmem>>
    %dma_start3A_257 = tpu.memref_squeeze %dma_start3A_256 : memref<1x16x1024xf32, #tpu.memory_space<vmem>> -> memref<16x1024xf32, #tpu.memory_space<vmem>>
    tpu.enqueue_dma source(%dma_start3A_257 : memref<16x1024xf32, #tpu.memory_space<vmem>>) target(%dma_start3A_253 : memref<16x1024xf32, #tpu.memory_space<hbm>>) target_semaphore(%arg14 : memref<!tpu.dma_semaphore, #tpu.memory_space<semaphore_mem>>)
    %dma_wait3A_258 = arith.constant 2 : i32
    %dma_wait3A_259 = arith.constant 0 : i32
    %dma_wait3A_260 = arith.constant 0 : i32
    %dma_wait3A_261 = arith.constant 0 : i32
    %dma_wait3A_262 = tpu.memref_slice %arg7[%dma_wait3A_258, %dma_wait3A_260, %dma_wait3A_261] : memref<3x16x1024xf32, #tpu.memory_space<vmem>> -> memref<1x16x1024xf32, #tpu.memory_space<vmem>>
    %dma_wait3A_263 = tpu.memref_squeeze %dma_wait3A_262 : memref<1x16x1024xf32, #tpu.memory_space<vmem>> -> memref<16x1024xf32, #tpu.memory_space<vmem>>
    %dma_wait3A_264 = arith.constant 0 : i32
    %dma_wait3A_265 = tpu.memref_slice %arg5[%dma_wait3A_259, %add3A_241, %dma_wait3A_264] : memref<4x2048x1024xf32, #tpu.memory_space<hbm>> -> memref<1x16x1024xf32, #tpu.memory_space<hbm>>
    %dma_wait3A_266 = tpu.memref_squeeze %dma_wait3A_265 : memref<1x16x1024xf32, #tpu.memory_space<hbm>> -> memref<16x1024xf32, #tpu.memory_space<hbm>>
    %dma_wait3A_267 = arith.constant 0 : i32
    %dma_wait3A_268 = tpu.memref_slice %arg5[%dma_wait3A_259, %add3A_241, %dma_wait3A_267] : memref<4x2048x1024xf32, #tpu.memory_space<hbm>> -> memref<1x16x1024xf32, #tpu.memory_space<hbm>>
    %dma_wait3A_269 = tpu.memref_squeeze %dma_wait3A_268 : memref<1x16x1024xf32, #tpu.memory_space<hbm>> -> memref<16x1024xf32, #tpu.memory_space<hbm>>
    %dma_wait3A_270 = arith.constant 0 : i32
    %dma_wait3A_271 = arith.constant 0 : i32
    %dma_wait3A_272 = tpu.memref_slice %arg7[%dma_wait3A_258, %dma_wait3A_270, %dma_wait3A_271] : memref<3x16x1024xf32, #tpu.memory_space<vmem>> -> memref<1x16x1024xf32, #tpu.memory_space<vmem>>
    %dma_wait3A_273 = tpu.memref_squeeze %dma_wait3A_272 : memref<1x16x1024xf32, #tpu.memory_space<vmem>> -> memref<16x1024xf32, #tpu.memory_space<vmem>>
    tpu.wait_dma2 semaphore(%arg14 : memref<!tpu.dma_semaphore, #tpu.memory_space<semaphore_mem>>) src(%dma_wait3A_273 : memref<16x1024xf32, #tpu.memory_space<vmem>>) dst(%dma_wait3A_269 : memref<16x1024xf32, #tpu.memory_space<hbm>>)
    %dma_start3A_274 = arith.constant 2 : i32
    %dma_start3A_275 = arith.constant 0 : i32
    %dma_start3A_276 = arith.constant 0 : i32
    %dma_start3A_277 = tpu.memref_slice %arg7[%dma_start3A_274, %dma_start3A_275, %dma_start3A_276] : memref<3x16x1024xf32, #tpu.memory_space<vmem>> -> memref<1x16x1024xf32, #tpu.memory_space<vmem>>
    %dma_start3A_278 = tpu.memref_squeeze %dma_start3A_277 : memref<1x16x1024xf32, #tpu.memory_space<vmem>> -> memref<16x1024xf32, #tpu.memory_space<vmem>>
    %dma_start3A_279 = arith.constant 80 : i32
    %dma_start3A_280 = tpu.memref_slice %arg6[%dma_start3A_279] : memref<256xi32, #tpu.memory_space<vmem>> -> memref<16xi32, #tpu.memory_space<vmem>>
    %dma_start3A_281 = arith.constant 0 : i32
    %dma_start3A_282 = arith.constant 0 : i32
    %dma_start3A_283 = tpu.memref_slice %arg3[%dma_start3A_281, %dma_start3A_282] : memref<100000x1024xf32, #tpu.memory_space<hbm>> -> memref<100000x1024xf32, #tpu.memory_space<hbm>>
    tpu.enqueue_indirect_dma source(%dma_start3A_283 : memref<100000x1024xf32, #tpu.memory_space<hbm>>) target(%dma_start3A_278 : memref<16x1024xf32, #tpu.memory_space<vmem>>) offsets(%dma_start3A_280 : memref<16xi32, #tpu.memory_space<vmem>>) semaphore(%arg11 : memref<!tpu.dma_semaphore, #tpu.memory_space<semaphore_mem>>)
    %dma_wait3A_284 = arith.constant 0 : i32
    %dma_wait3A_285 = arith.constant 0 : i32
    %dma_wait3A_286 = arith.constant 0 : i32
    %dma_wait3A_287 = tpu.memref_slice %arg7[%dma_wait3A_284, %dma_wait3A_285, %dma_wait3A_286] : memref<3x16x1024xf32, #tpu.memory_space<vmem>> -> memref<1x16x1024xf32, #tpu.memory_space<vmem>>
    %dma_wait3A_288 = tpu.memref_squeeze %dma_wait3A_287 : memref<1x16x1024xf32, #tpu.memory_space<vmem>> -> memref<16x1024xf32, #tpu.memory_space<vmem>>
    %dma_wait3A_289 = arith.constant 48 : i32
    %dma_wait3A_290 = tpu.memref_slice %arg6[%dma_wait3A_289] : memref<256xi32, #tpu.memory_space<vmem>> -> memref<16xi32, #tpu.memory_space<vmem>>
    %dma_wait3A_291 = arith.constant 0 : i32
    %dma_wait3A_292 = arith.constant 0 : i32
    %dma_wait3A_293 = tpu.memref_slice %arg3[%dma_wait3A_291, %dma_wait3A_292] : memref<100000x1024xf32, #tpu.memory_space<hbm>> -> memref<100000x1024xf32, #tpu.memory_space<hbm>>
    tpu.wait_indirect_dma semaphore(%arg9 : memref<!tpu.dma_semaphore, #tpu.memory_space<semaphore_mem>>) src(%dma_wait3A_293 : memref<100000x1024xf32, #tpu.memory_space<hbm>>) dst(%dma_wait3A_288 : memref<16x1024xf32, #tpu.memory_space<vmem>>)
    %parallel_loop3A_294 = arith.constant 0 : i32
    %parallel_loop3A_295 = arith.constant 1024 : i32
    %parallel_loop3A_296 = arith.constant 1 : i32
    %parallel_loop3A_297 = arith.constant 0 : i32
    scf.for %parallel_loop3A_1008 = %parallel_loop3A_294 to %parallel_loop3A_295 step %parallel_loop3A_296  : i32 {
      %parallel_loop3A_1009 = arith.constant 6 : i32
      %parallel_loop3A_1010 = arith.shrsi %parallel_loop3A_1008, %parallel_loop3A_1009 : i32
      %parallel_loop3A_1011 = arith.constant 63 : i32
      %parallel_loop3A_1012 = arith.andi %parallel_loop3A_1008, %parallel_loop3A_1011 : i32
      %parallel_loop3A_1013 = arith.constant 4 : i32
      %parallel_loop3A_1014 = arith.shli %parallel_loop3A_1012, %parallel_loop3A_1013 : i32
      %parallel_loop3A_1015 = tpu.assume_multiple %parallel_loop3A_1014, 16 : i32
      %parallel_loop3A_1016 = arith.constant 48 : i32
      %parallel_loop3A_1017 = arith.addi %parallel_loop3A_1016, %parallel_loop3A_1010 : i32
      %parallel_loop3A_1018 = arith.index_cast %parallel_loop3A_1017 : i32 to index
      %parallel_loop3A_1019 = arith.index_cast %parallel_loop3A_1015 : i32 to index
      %parallel_loop3A_1020 = tpu.vector_load %arg8[%parallel_loop3A_1018, %parallel_loop3A_1019] {strides = array<i32>} : memref<64x1024xf32, #tpu.memory_space<vmem>>, vector<1x16xf32>,
      %parallel_loop3A_1021 = vector.shape_cast %parallel_loop3A_1020 : vector<1x16xf32> to vector<16xf32>
      %parallel_loop3A_1022 = arith.constant 0 : i32
      %parallel_loop3A_1023 = arith.constant 0 : i32
      %parallel_loop3A_1024 = tpu.memref_slice %arg7[%parallel_loop3A_297, %parallel_loop3A_1022, %parallel_loop3A_1023] : memref<3x16x1024xf32, #tpu.memory_space<vmem>> -> memref<1x16x1024xf32, #tpu.memory_space<vmem>>
      %parallel_loop3A_1025 = tpu.memref_squeeze %parallel_loop3A_1024 : memref<1x16x1024xf32, #tpu.memory_space<vmem>> -> memref<16x1024xf32, #tpu.memory_space<vmem>>
      %parallel_loop3A_1026 = arith.index_cast %parallel_loop3A_1010 : i32 to index
      %parallel_loop3A_1027 = arith.index_cast %parallel_loop3A_1015 : i32 to index
      %parallel_loop3A_1028 = tpu.vector_load %parallel_loop3A_1025[%parallel_loop3A_1026, %parallel_loop3A_1027] {strides = array<i32>} : memref<16x1024xf32, #tpu.memory_space<vmem>>, vector<1x16xf32>,
      %parallel_loop3A_1029 = vector.shape_cast %parallel_loop3A_1028 : vector<1x16xf32> to vector<16xf32>
      %parallel_loop3A_1030 = vector.shape_cast %parallel_loop3A_1021 : vector<16xf32> to vector<1x16xf32>
      tpu.vector_store %parallel_loop3A_1025[%parallel_loop3A_1026, %parallel_loop3A_1027], %parallel_loop3A_1030 {add = true, strides = array<i32>} : memref<16x1024xf32, #tpu.memory_space<vmem>>, vector<1x16xf32>,
    } {sc.loop_unroll_factor = 8 : i64, sc.parallel_access}
    %add3A_298 = arith.constant 48 : i32
    %add3A_299 = arith.addi %mul3A_2, %add3A_298 : i32
    %dma_start3A_300 = arith.constant 0 : i32
    %dma_start3A_301 = arith.constant 0 : i32
    %dma_start3A_302 = arith.constant 0 : i32
    %dma_start3A_303 = arith.constant 0 : i32
    %dma_start3A_304 = tpu.memref_slice %arg7[%dma_start3A_300, %dma_start3A_302, %dma_start3A_303] : memref<3x16x1024xf32, #tpu.memory_space<vmem>> -> memref<1x16x1024xf32, #tpu.memory_space<vmem>>
    %dma_start3A_305 = tpu.memref_squeeze %dma_start3A_304 : memref<1x16x1024xf32, #tpu.memory_space<vmem>> -> memref<16x1024xf32, #tpu.memory_space<vmem>>
    %dma_start3A_306 = arith.constant 0 : i32
    %dma_start3A_307 = tpu.memref_slice %arg5[%dma_start3A_301, %add3A_299, %dma_start3A_306] : memref<4x2048x1024xf32, #tpu.memory_space<hbm>> -> memref<1x16x1024xf32, #tpu.memory_space<hbm>>
    %dma_start3A_308 = tpu.memref_squeeze %dma_start3A_307 : memref<1x16x1024xf32, #tpu.memory_space<hbm>> -> memref<16x1024xf32, #tpu.memory_space<hbm>>
    %dma_start3A_309 = arith.constant 0 : i32
    %dma_start3A_310 = tpu.memref_slice %arg5[%dma_start3A_301, %add3A_299, %dma_start3A_309] : memref<4x2048x1024xf32, #tpu.memory_space<hbm>> -> memref<1x16x1024xf32, #tpu.memory_space<hbm>>
    %dma_start3A_311 = tpu.memref_squeeze %dma_start3A_310 : memref<1x16x1024xf32, #tpu.memory_space<hbm>> -> memref<16x1024xf32, #tpu.memory_space<hbm>>
    %dma_start3A_312 = arith.constant 0 : i32
    %dma_start3A_313 = arith.constant 0 : i32
    %dma_start3A_314 = tpu.memref_slice %arg7[%dma_start3A_300, %dma_start3A_312, %dma_start3A_313] : memref<3x16x1024xf32, #tpu.memory_space<vmem>> -> memref<1x16x1024xf32, #tpu.memory_space<vmem>>
    %dma_start3A_315 = tpu.memref_squeeze %dma_start3A_314 : memref<1x16x1024xf32, #tpu.memory_space<vmem>> -> memref<16x1024xf32, #tpu.memory_space<vmem>>
    tpu.enqueue_dma source(%dma_start3A_315 : memref<16x1024xf32, #tpu.memory_space<vmem>>) target(%dma_start3A_311 : memref<16x1024xf32, #tpu.memory_space<hbm>>) target_semaphore(%arg12 : memref<!tpu.dma_semaphore, #tpu.memory_space<semaphore_mem>>)
    %dma_wait3A_316 = arith.constant 0 : i32
    %dma_wait3A_317 = arith.constant 0 : i32
    %dma_wait3A_318 = arith.constant 0 : i32
    %dma_wait3A_319 = arith.constant 0 : i32
    %dma_wait3A_320 = tpu.memref_slice %arg7[%dma_wait3A_316, %dma_wait3A_318, %dma_wait3A_319] : memref<3x16x1024xf32, #tpu.memory_space<vmem>> -> memref<1x16x1024xf32, #tpu.memory_space<vmem>>
    %dma_wait3A_321 = tpu.memref_squeeze %dma_wait3A_320 : memref<1x16x1024xf32, #tpu.memory_space<vmem>> -> memref<16x1024xf32, #tpu.memory_space<vmem>>
    %dma_wait3A_322 = arith.constant 0 : i32
    %dma_wait3A_323 = tpu.memref_slice %arg5[%dma_wait3A_317, %add3A_299, %dma_wait3A_322] : memref<4x2048x1024xf32, #tpu.memory_space<hbm>> -> memref<1x16x1024xf32, #tpu.memory_space<hbm>>
    %dma_wait3A_324 = tpu.memref_squeeze %dma_wait3A_323 : memref<1x16x1024xf32, #tpu.memory_space<hbm>> -> memref<16x1024xf32, #tpu.memory_space<hbm>>
    %dma_wait3A_325 = arith.constant 0 : i32
    %dma_wait3A_326 = tpu.memref_slice %arg5[%dma_wait3A_317, %add3A_299, %dma_wait3A_325] : memref<4x2048x1024xf32, #tpu.memory_space<hbm>> -> memref<1x16x1024xf32, #tpu.memory_space<hbm>>
    %dma_wait3A_327 = tpu.memref_squeeze %dma_wait3A_326 : memref<1x16x1024xf32, #tpu.memory_space<hbm>> -> memref<16x1024xf32, #tpu.memory_space<hbm>>
    %dma_wait3A_328 = arith.constant 0 : i32
    %dma_wait3A_329 = arith.constant 0 : i32
    %dma_wait3A_330 = tpu.memref_slice %arg7[%dma_wait3A_316, %dma_wait3A_328, %dma_wait3A_329] : memref<3x16x1024xf32, #tpu.memory_space<vmem>> -> memref<1x16x1024xf32, #tpu.memory_space<vmem>>
    %dma_wait3A_331 = tpu.memref_squeeze %dma_wait3A_330 : memref<1x16x1024xf32, #tpu.memory_space<vmem>> -> memref<16x1024xf32, #tpu.memory_space<vmem>>
    tpu.wait_dma2 semaphore(%arg12 : memref<!tpu.dma_semaphore, #tpu.memory_space<semaphore_mem>>) src(%dma_wait3A_331 : memref<16x1024xf32, #tpu.memory_space<vmem>>) dst(%dma_wait3A_327 : memref<16x1024xf32, #tpu.memory_space<hbm>>)
    %dma_start3A_332 = arith.constant 0 : i32
    %dma_start3A_333 = arith.constant 0 : i32
    %dma_start3A_334 = arith.constant 0 : i32
    %dma_start3A_335 = tpu.memref_slice %arg7[%dma_start3A_332, %dma_start3A_333, %dma_start3A_334] : memref<3x16x1024xf32, #tpu.memory_space<vmem>> -> memref<1x16x1024xf32, #tpu.memory_space<vmem>>
    %dma_start3A_336 = tpu.memref_squeeze %dma_start3A_335 : memref<1x16x1024xf32, #tpu.memory_space<vmem>> -> memref<16x1024xf32, #tpu.memory_space<vmem>>
    %dma_start3A_337 = arith.constant 96 : i32
    %dma_start3A_338 = tpu.memref_slice %arg6[%dma_start3A_337] : memref<256xi32, #tpu.memory_space<vmem>> -> memref<16xi32, #tpu.memory_space<vmem>>
    %dma_start3A_339 = arith.constant 0 : i32
    %dma_start3A_340 = arith.constant 0 : i32
    %dma_start3A_341 = tpu.memref_slice %arg3[%dma_start3A_339, %dma_start3A_340] : memref<100000x1024xf32, #tpu.memory_space<hbm>> -> memref<100000x1024xf32, #tpu.memory_space<hbm>>
    tpu.enqueue_indirect_dma source(%dma_start3A_341 : memref<100000x1024xf32, #tpu.memory_space<hbm>>) target(%dma_start3A_336 : memref<16x1024xf32, #tpu.memory_space<vmem>>) offsets(%dma_start3A_338 : memref<16xi32, #tpu.memory_space<vmem>>) semaphore(%arg9 : memref<!tpu.dma_semaphore, #tpu.memory_space<semaphore_mem>>)
    %dma_wait3A_342 = arith.constant 1 : i32
    %dma_wait3A_343 = arith.constant 0 : i32
    %dma_wait3A_344 = arith.constant 0 : i32
    %dma_wait3A_345 = tpu.memref_slice %arg7[%dma_wait3A_342, %dma_wait3A_343, %dma_wait3A_344] : memref<3x16x1024xf32, #tpu.memory_space<vmem>> -> memref<1x16x1024xf32, #tpu.memory_space<vmem>>
    %dma_wait3A_346 = tpu.memref_squeeze %dma_wait3A_345 : memref<1x16x1024xf32, #tpu.memory_space<vmem>> -> memref<16x1024xf32, #tpu.memory_space<vmem>>
    %dma_wait3A_347 = arith.constant 64 : i32
    %dma_wait3A_348 = tpu.memref_slice %arg6[%dma_wait3A_347] : memref<256xi32, #tpu.memory_space<vmem>> -> memref<16xi32, #tpu.memory_space<vmem>>
    %dma_wait3A_349 = arith.constant 0 : i32
    %dma_wait3A_350 = arith.constant 0 : i32
    %dma_wait3A_351 = tpu.memref_slice %arg3[%dma_wait3A_349, %dma_wait3A_350] : memref<100000x1024xf32, #tpu.memory_space<hbm>> -> memref<100000x1024xf32, #tpu.memory_space<hbm>>
    tpu.wait_indirect_dma semaphore(%arg10 : memref<!tpu.dma_semaphore, #tpu.memory_space<semaphore_mem>>) src(%dma_wait3A_351 : memref<100000x1024xf32, #tpu.memory_space<hbm>>) dst(%dma_wait3A_346 : memref<16x1024xf32, #tpu.memory_space<vmem>>)
    %parallel_loop3A_352 = arith.constant 0 : i32
    %parallel_loop3A_353 = arith.constant 1024 : i32
    %parallel_loop3A_354 = arith.constant 1 : i32
    %parallel_loop3A_355 = arith.constant 1 : i32
    scf.for %parallel_loop3A_1008 = %parallel_loop3A_352 to %parallel_loop3A_353 step %parallel_loop3A_354  : i32 {
      %parallel_loop3A_1009 = arith.constant 6 : i32
      %parallel_loop3A_1010 = arith.shrsi %parallel_loop3A_1008, %parallel_loop3A_1009 : i32
      %parallel_loop3A_1011 = arith.constant 63 : i32
      %parallel_loop3A_1012 = arith.andi %parallel_loop3A_1008, %parallel_loop3A_1011 : i32
      %parallel_loop3A_1013 = arith.constant 4 : i32
      %parallel_loop3A_1014 = arith.shli %parallel_loop3A_1012, %parallel_loop3A_1013 : i32
      %parallel_loop3A_1015 = tpu.assume_multiple %parallel_loop3A_1014, 16 : i32
      %parallel_loop3A_1016 = arith.constant 0 : i32
      %parallel_loop3A_1017 = arith.addi %parallel_loop3A_1016, %parallel_loop3A_1010 : i32
      %parallel_loop3A_1018 = arith.index_cast %parallel_loop3A_1017 : i32 to index
      %parallel_loop3A_1019 = arith.index_cast %parallel_loop3A_1015 : i32 to index
      %parallel_loop3A_1020 = tpu.vector_load %arg8[%parallel_loop3A_1018, %parallel_loop3A_1019] {strides = array<i32>} : memref<64x1024xf32, #tpu.memory_space<vmem>>, vector<1x16xf32>,
      %parallel_loop3A_1021 = vector.shape_cast %parallel_loop3A_1020 : vector<1x16xf32> to vector<16xf32>
      %parallel_loop3A_1022 = arith.constant 0 : i32
      %parallel_loop3A_1023 = arith.constant 0 : i32
      %parallel_loop3A_1024 = tpu.memref_slice %arg7[%parallel_loop3A_355, %parallel_loop3A_1022, %parallel_loop3A_1023] : memref<3x16x1024xf32, #tpu.memory_space<vmem>> -> memref<1x16x1024xf32, #tpu.memory_space<vmem>>
      %parallel_loop3A_1025 = tpu.memref_squeeze %parallel_loop3A_1024 : memref<1x16x1024xf32, #tpu.memory_space<vmem>> -> memref<16x1024xf32, #tpu.memory_space<vmem>>
      %parallel_loop3A_1026 = arith.index_cast %parallel_loop3A_1010 : i32 to index
      %parallel_loop3A_1027 = arith.index_cast %parallel_loop3A_1015 : i32 to index
      %parallel_loop3A_1028 = tpu.vector_load %parallel_loop3A_1025[%parallel_loop3A_1026, %parallel_loop3A_1027] {strides = array<i32>} : memref<16x1024xf32, #tpu.memory_space<vmem>>, vector<1x16xf32>,
      %parallel_loop3A_1029 = vector.shape_cast %parallel_loop3A_1028 : vector<1x16xf32> to vector<16xf32>
      %parallel_loop3A_1030 = vector.shape_cast %parallel_loop3A_1021 : vector<16xf32> to vector<1x16xf32>
      tpu.vector_store %parallel_loop3A_1025[%parallel_loop3A_1026, %parallel_loop3A_1027], %parallel_loop3A_1030 {add = true, strides = array<i32>} : memref<16x1024xf32, #tpu.memory_space<vmem>>, vector<1x16xf32>,
    } {sc.loop_unroll_factor = 8 : i64, sc.parallel_access}
    %add3A_356 = arith.constant 0 : i32
    %add3A_357 = arith.addi %mul3A_2, %add3A_356 : i32
    %dma_start3A_358 = arith.constant 1 : i32
    %dma_start3A_359 = arith.constant 1 : i32
    %dma_start3A_360 = arith.constant 0 : i32
    %dma_start3A_361 = arith.constant 0 : i32
    %dma_start3A_362 = tpu.memref_slice %arg7[%dma_start3A_358, %dma_start3A_360, %dma_start3A_361] : memref<3x16x1024xf32, #tpu.memory_space<vmem>> -> memref<1x16x1024xf32, #tpu.memory_space<vmem>>
    %dma_start3A_363 = tpu.memref_squeeze %dma_start3A_362 : memref<1x16x1024xf32, #tpu.memory_space<vmem>> -> memref<16x1024xf32, #tpu.memory_space<vmem>>
    %dma_start3A_364 = arith.constant 0 : i32
    %dma_start3A_365 = tpu.memref_slice %arg5[%dma_start3A_359, %add3A_357, %dma_start3A_364] : memref<4x2048x1024xf32, #tpu.memory_space<hbm>> -> memref<1x16x1024xf32, #tpu.memory_space<hbm>>
    %dma_start3A_366 = tpu.memref_squeeze %dma_start3A_365 : memref<1x16x1024xf32, #tpu.memory_space<hbm>> -> memref<16x1024xf32, #tpu.memory_space<hbm>>
    %dma_start3A_367 = arith.constant 0 : i32
    %dma_start3A_368 = tpu.memref_slice %arg5[%dma_start3A_359, %add3A_357, %dma_start3A_367] : memref<4x2048x1024xf32, #tpu.memory_space<hbm>> -> memref<1x16x1024xf32, #tpu.memory_space<hbm>>
    %dma_start3A_369 = tpu.memref_squeeze %dma_start3A_368 : memref<1x16x1024xf32, #tpu.memory_space<hbm>> -> memref<16x1024xf32, #tpu.memory_space<hbm>>
    %dma_start3A_370 = arith.constant 0 : i32
    %dma_start3A_371 = arith.constant 0 : i32
    %dma_start3A_372 = tpu.memref_slice %arg7[%dma_start3A_358, %dma_start3A_370, %dma_start3A_371] : memref<3x16x1024xf32, #tpu.memory_space<vmem>> -> memref<1x16x1024xf32, #tpu.memory_space<vmem>>
    %dma_start3A_373 = tpu.memref_squeeze %dma_start3A_372 : memref<1x16x1024xf32, #tpu.memory_space<vmem>> -> memref<16x1024xf32, #tpu.memory_space<vmem>>
    tpu.enqueue_dma source(%dma_start3A_373 : memref<16x1024xf32, #tpu.memory_space<vmem>>) target(%dma_start3A_369 : memref<16x1024xf32, #tpu.memory_space<hbm>>) target_semaphore(%arg13 : memref<!tpu.dma_semaphore, #tpu.memory_space<semaphore_mem>>)
    %dma_wait3A_374 = arith.constant 1 : i32
    %dma_wait3A_375 = arith.constant 1 : i32
    %dma_wait3A_376 = arith.constant 0 : i32
    %dma_wait3A_377 = arith.constant 0 : i32
    %dma_wait3A_378 = tpu.memref_slice %arg7[%dma_wait3A_374, %dma_wait3A_376, %dma_wait3A_377] : memref<3x16x1024xf32, #tpu.memory_space<vmem>> -> memref<1x16x1024xf32, #tpu.memory_space<vmem>>
    %dma_wait3A_379 = tpu.memref_squeeze %dma_wait3A_378 : memref<1x16x1024xf32, #tpu.memory_space<vmem>> -> memref<16x1024xf32, #tpu.memory_space<vmem>>
    %dma_wait3A_380 = arith.constant 0 : i32
    %dma_wait3A_381 = tpu.memref_slice %arg5[%dma_wait3A_375, %add3A_357, %dma_wait3A_380] : memref<4x2048x1024xf32, #tpu.memory_space<hbm>> -> memref<1x16x1024xf32, #tpu.memory_space<hbm>>
    %dma_wait3A_382 = tpu.memref_squeeze %dma_wait3A_381 : memref<1x16x1024xf32, #tpu.memory_space<hbm>> -> memref<16x1024xf32, #tpu.memory_space<hbm>>
    %dma_wait3A_383 = arith.constant 0 : i32
    %dma_wait3A_384 = tpu.memref_slice %arg5[%dma_wait3A_375, %add3A_357, %dma_wait3A_383] : memref<4x2048x1024xf32, #tpu.memory_space<hbm>> -> memref<1x16x1024xf32, #tpu.memory_space<hbm>>
    %dma_wait3A_385 = tpu.memref_squeeze %dma_wait3A_384 : memref<1x16x1024xf32, #tpu.memory_space<hbm>> -> memref<16x1024xf32, #tpu.memory_space<hbm>>
    %dma_wait3A_386 = arith.constant 0 : i32
    %dma_wait3A_387 = arith.constant 0 : i32
    %dma_wait3A_388 = tpu.memref_slice %arg7[%dma_wait3A_374, %dma_wait3A_386, %dma_wait3A_387] : memref<3x16x1024xf32, #tpu.memory_space<vmem>> -> memref<1x16x1024xf32, #tpu.memory_space<vmem>>
    %dma_wait3A_389 = tpu.memref_squeeze %dma_wait3A_388 : memref<1x16x1024xf32, #tpu.memory_space<vmem>> -> memref<16x1024xf32, #tpu.memory_space<vmem>>
    tpu.wait_dma2 semaphore(%arg13 : memref<!tpu.dma_semaphore, #tpu.memory_space<semaphore_mem>>) src(%dma_wait3A_389 : memref<16x1024xf32, #tpu.memory_space<vmem>>) dst(%dma_wait3A_385 : memref<16x1024xf32, #tpu.memory_space<hbm>>)
    %dma_start3A_390 = arith.constant 1 : i32
    %dma_start3A_391 = arith.constant 0 : i32
    %dma_start3A_392 = arith.constant 0 : i32
    %dma_start3A_393 = tpu.memref_slice %arg7[%dma_start3A_390, %dma_start3A_391, %dma_start3A_392] : memref<3x16x1024xf32, #tpu.memory_space<vmem>> -> memref<1x16x1024xf32, #tpu.memory_space<vmem>>
    %dma_start3A_394 = tpu.memref_squeeze %dma_start3A_393 : memref<1x16x1024xf32, #tpu.memory_space<vmem>> -> memref<16x1024xf32, #tpu.memory_space<vmem>>
    %dma_start3A_395 = arith.constant 112 : i32
    %dma_start3A_396 = tpu.memref_slice %arg6[%dma_start3A_395] : memref<256xi32, #tpu.memory_space<vmem>> -> memref<16xi32, #tpu.memory_space<vmem>>
    %dma_start3A_397 = arith.constant 0 : i32
    %dma_start3A_398 = arith.constant 0 : i32
    %dma_start3A_399 = tpu.memref_slice %arg3[%dma_start3A_397, %dma_start3A_398] : memref<100000x1024xf32, #tpu.memory_space<hbm>> -> memref<100000x1024xf32, #tpu.memory_space<hbm>>
    tpu.enqueue_indirect_dma source(%dma_start3A_399 : memref<100000x1024xf32, #tpu.memory_space<hbm>>) target(%dma_start3A_394 : memref<16x1024xf32, #tpu.memory_space<vmem>>) offsets(%dma_start3A_396 : memref<16xi32, #tpu.memory_space<vmem>>) semaphore(%arg10 : memref<!tpu.dma_semaphore, #tpu.memory_space<semaphore_mem>>)
    %dma_wait3A_400 = arith.constant 2 : i32
    %dma_wait3A_401 = arith.constant 0 : i32
    %dma_wait3A_402 = arith.constant 0 : i32
    %dma_wait3A_403 = tpu.memref_slice %arg7[%dma_wait3A_400, %dma_wait3A_401, %dma_wait3A_402] : memref<3x16x1024xf32, #tpu.memory_space<vmem>> -> memref<1x16x1024xf32, #tpu.memory_space<vmem>>
    %dma_wait3A_404 = tpu.memref_squeeze %dma_wait3A_403 : memref<1x16x1024xf32, #tpu.memory_space<vmem>> -> memref<16x1024xf32, #tpu.memory_space<vmem>>
    %dma_wait3A_405 = arith.constant 80 : i32
    %dma_wait3A_406 = tpu.memref_slice %arg6[%dma_wait3A_405] : memref<256xi32, #tpu.memory_space<vmem>> -> memref<16xi32, #tpu.memory_space<vmem>>
    %dma_wait3A_407 = arith.constant 0 : i32
    %dma_wait3A_408 = arith.constant 0 : i32
    %dma_wait3A_409 = tpu.memref_slice %arg3[%dma_wait3A_407, %dma_wait3A_408] : memref<100000x1024xf32, #tpu.memory_space<hbm>> -> memref<100000x1024xf32, #tpu.memory_space<hbm>>
    tpu.wait_indirect_dma semaphore(%arg11 : memref<!tpu.dma_semaphore, #tpu.memory_space<semaphore_mem>>) src(%dma_wait3A_409 : memref<100000x1024xf32, #tpu.memory_space<hbm>>) dst(%dma_wait3A_404 : memref<16x1024xf32, #tpu.memory_space<vmem>>)
    %parallel_loop3A_410 = arith.constant 0 : i32
    %parallel_loop3A_411 = arith.constant 1024 : i32
    %parallel_loop3A_412 = arith.constant 1 : i32
    %parallel_loop3A_413 = arith.constant 2 : i32
    scf.for %parallel_loop3A_1008 = %parallel_loop3A_410 to %parallel_loop3A_411 step %parallel_loop3A_412  : i32 {
      %parallel_loop3A_1009 = arith.constant 6 : i32
      %parallel_loop3A_1010 = arith.shrsi %parallel_loop3A_1008, %parallel_loop3A_1009 : i32
      %parallel_loop3A_1011 = arith.constant 63 : i32
      %parallel_loop3A_1012 = arith.andi %parallel_loop3A_1008, %parallel_loop3A_1011 : i32
      %parallel_loop3A_1013 = arith.constant 4 : i32
      %parallel_loop3A_1014 = arith.shli %parallel_loop3A_1012, %parallel_loop3A_1013 : i32
      %parallel_loop3A_1015 = tpu.assume_multiple %parallel_loop3A_1014, 16 : i32
      %parallel_loop3A_1016 = arith.constant 16 : i32
      %parallel_loop3A_1017 = arith.addi %parallel_loop3A_1016, %parallel_loop3A_1010 : i32
      %parallel_loop3A_1018 = arith.index_cast %parallel_loop3A_1017 : i32 to index
      %parallel_loop3A_1019 = arith.index_cast %parallel_loop3A_1015 : i32 to index
      %parallel_loop3A_1020 = tpu.vector_load %arg8[%parallel_loop3A_1018, %parallel_loop3A_1019] {strides = array<i32>} : memref<64x1024xf32, #tpu.memory_space<vmem>>, vector<1x16xf32>,
      %parallel_loop3A_1021 = vector.shape_cast %parallel_loop3A_1020 : vector<1x16xf32> to vector<16xf32>
      %parallel_loop3A_1022 = arith.constant 0 : i32
      %parallel_loop3A_1023 = arith.constant 0 : i32
      %parallel_loop3A_1024 = tpu.memref_slice %arg7[%parallel_loop3A_413, %parallel_loop3A_1022, %parallel_loop3A_1023] : memref<3x16x1024xf32, #tpu.memory_space<vmem>> -> memref<1x16x1024xf32, #tpu.memory_space<vmem>>
      %parallel_loop3A_1025 = tpu.memref_squeeze %parallel_loop3A_1024 : memref<1x16x1024xf32, #tpu.memory_space<vmem>> -> memref<16x1024xf32, #tpu.memory_space<vmem>>
      %parallel_loop3A_1026 = arith.index_cast %parallel_loop3A_1010 : i32 to index
      %parallel_loop3A_1027 = arith.index_cast %parallel_loop3A_1015 : i32 to index
      %parallel_loop3A_1028 = tpu.vector_load %parallel_loop3A_1025[%parallel_loop3A_1026, %parallel_loop3A_1027] {strides = array<i32>} : memref<16x1024xf32, #tpu.memory_space<vmem>>, vector<1x16xf32>,
      %parallel_loop3A_1029 = vector.shape_cast %parallel_loop3A_1028 : vector<1x16xf32> to vector<16xf32>
      %parallel_loop3A_1030 = vector.shape_cast %parallel_loop3A_1021 : vector<16xf32> to vector<1x16xf32>
      tpu.vector_store %parallel_loop3A_1025[%parallel_loop3A_1026, %parallel_loop3A_1027], %parallel_loop3A_1030 {add = true, strides = array<i32>} : memref<16x1024xf32, #tpu.memory_space<vmem>>, vector<1x16xf32>,
    } {sc.loop_unroll_factor = 8 : i64, sc.parallel_access}
    %add3A_414 = arith.constant 16 : i32
    %add3A_415 = arith.addi %mul3A_2, %add3A_414 : i32
    %dma_start3A_416 = arith.constant 2 : i32
    %dma_start3A_417 = arith.constant 1 : i32
    %dma_start3A_418 = arith.constant 0 : i32
    %dma_start3A_419 = arith.constant 0 : i32
    %dma_start3A_420 = tpu.memref_slice %arg7[%dma_start3A_416, %dma_start3A_418, %dma_start3A_419] : memref<3x16x1024xf32, #tpu.memory_space<vmem>> -> memref<1x16x1024xf32, #tpu.memory_space<vmem>>
    %dma_start3A_421 = tpu.memref_squeeze %dma_start3A_420 : memref<1x16x1024xf32, #tpu.memory_space<vmem>> -> memref<16x1024xf32, #tpu.memory_space<vmem>>
    %dma_start3A_422 = arith.constant 0 : i32
    %dma_start3A_423 = tpu.memref_slice %arg5[%dma_start3A_417, %add3A_415, %dma_start3A_422] : memref<4x2048x1024xf32, #tpu.memory_space<hbm>> -> memref<1x16x1024xf32, #tpu.memory_space<hbm>>
    %dma_start3A_424 = tpu.memref_squeeze %dma_start3A_423 : memref<1x16x1024xf32, #tpu.memory_space<hbm>> -> memref<16x1024xf32, #tpu.memory_space<hbm>>
    %dma_start3A_425 = arith.constant 0 : i32
    %dma_start3A_426 = tpu.memref_slice %arg5[%dma_start3A_417, %add3A_415, %dma_start3A_425] : memref<4x2048x1024xf32, #tpu.memory_space<hbm>> -> memref<1x16x1024xf32, #tpu.memory_space<hbm>>
    %dma_start3A_427 = tpu.memref_squeeze %dma_start3A_426 : memref<1x16x1024xf32, #tpu.memory_space<hbm>> -> memref<16x1024xf32, #tpu.memory_space<hbm>>
    %dma_start3A_428 = arith.constant 0 : i32
    %dma_start3A_429 = arith.constant 0 : i32
    %dma_start3A_430 = tpu.memref_slice %arg7[%dma_start3A_416, %dma_start3A_428, %dma_start3A_429] : memref<3x16x1024xf32, #tpu.memory_space<vmem>> -> memref<1x16x1024xf32, #tpu.memory_space<vmem>>
    %dma_start3A_431 = tpu.memref_squeeze %dma_start3A_430 : memref<1x16x1024xf32, #tpu.memory_space<vmem>> -> memref<16x1024xf32, #tpu.memory_space<vmem>>
    tpu.enqueue_dma source(%dma_start3A_431 : memref<16x1024xf32, #tpu.memory_space<vmem>>) target(%dma_start3A_427 : memref<16x1024xf32, #tpu.memory_space<hbm>>) target_semaphore(%arg14 : memref<!tpu.dma_semaphore, #tpu.memory_space<semaphore_mem>>)
    %dma_wait3A_432 = arith.constant 2 : i32
    %dma_wait3A_433 = arith.constant 1 : i32
    %dma_wait3A_434 = arith.constant 0 : i32
    %dma_wait3A_435 = arith.constant 0 : i32
    %dma_wait3A_436 = tpu.memref_slice %arg7[%dma_wait3A_432, %dma_wait3A_434, %dma_wait3A_435] : memref<3x16x1024xf32, #tpu.memory_space<vmem>> -> memref<1x16x1024xf32, #tpu.memory_space<vmem>>
    %dma_wait3A_437 = tpu.memref_squeeze %dma_wait3A_436 : memref<1x16x1024xf32, #tpu.memory_space<vmem>> -> memref<16x1024xf32, #tpu.memory_space<vmem>>
    %dma_wait3A_438 = arith.constant 0 : i32
    %dma_wait3A_439 = tpu.memref_slice %arg5[%dma_wait3A_433, %add3A_415, %dma_wait3A_438] : memref<4x2048x1024xf32, #tpu.memory_space<hbm>> -> memref<1x16x1024xf32, #tpu.memory_space<hbm>>
    %dma_wait3A_440 = tpu.memref_squeeze %dma_wait3A_439 : memref<1x16x1024xf32, #tpu.memory_space<hbm>> -> memref<16x1024xf32, #tpu.memory_space<hbm>>
    %dma_wait3A_441 = arith.constant 0 : i32
    %dma_wait3A_442 = tpu.memref_slice %arg5[%dma_wait3A_433, %add3A_415, %dma_wait3A_441] : memref<4x2048x1024xf32, #tpu.memory_space<hbm>> -> memref<1x16x1024xf32, #tpu.memory_space<hbm>>
    %dma_wait3A_443 = tpu.memref_squeeze %dma_wait3A_442 : memref<1x16x1024xf32, #tpu.memory_space<hbm>> -> memref<16x1024xf32, #tpu.memory_space<hbm>>
    %dma_wait3A_444 = arith.constant 0 : i32
    %dma_wait3A_445 = arith.constant 0 : i32
    %dma_wait3A_446 = tpu.memref_slice %arg7[%dma_wait3A_432, %dma_wait3A_444, %dma_wait3A_445] : memref<3x16x1024xf32, #tpu.memory_space<vmem>> -> memref<1x16x1024xf32, #tpu.memory_space<vmem>>
    %dma_wait3A_447 = tpu.memref_squeeze %dma_wait3A_446 : memref<1x16x1024xf32, #tpu.memory_space<vmem>> -> memref<16x1024xf32, #tpu.memory_space<vmem>>
    tpu.wait_dma2 semaphore(%arg14 : memref<!tpu.dma_semaphore, #tpu.memory_space<semaphore_mem>>) src(%dma_wait3A_447 : memref<16x1024xf32, #tpu.memory_space<vmem>>) dst(%dma_wait3A_443 : memref<16x1024xf32, #tpu.memory_space<hbm>>)
    %dma_start3A_448 = arith.constant 2 : i32
    %dma_start3A_449 = arith.constant 0 : i32
    %dma_start3A_450 = arith.constant 0 : i32
    %dma_start3A_451 = tpu.memref_slice %arg7[%dma_start3A_448, %dma_start3A_449, %dma_start3A_450] : memref<3x16x1024xf32, #tpu.memory_space<vmem>> -> memref<1x16x1024xf32, #tpu.memory_space<vmem>>
    %dma_start3A_452 = tpu.memref_squeeze %dma_start3A_451 : memref<1x16x1024xf32, #tpu.memory_space<vmem>> -> memref<16x1024xf32, #tpu.memory_space<vmem>>
    %dma_start3A_453 = arith.constant 128 : i32
    %dma_start3A_454 = tpu.memref_slice %arg6[%dma_start3A_453] : memref<256xi32, #tpu.memory_space<vmem>> -> memref<16xi32, #tpu.memory_space<vmem>>
    %dma_start3A_455 = arith.constant 0 : i32
    %dma_start3A_456 = arith.constant 0 : i32
    %dma_start3A_457 = tpu.memref_slice %arg3[%dma_start3A_455, %dma_start3A_456] : memref<100000x1024xf32, #tpu.memory_space<hbm>> -> memref<100000x1024xf32, #tpu.memory_space<hbm>>
    tpu.enqueue_indirect_dma source(%dma_start3A_457 : memref<100000x1024xf32, #tpu.memory_space<hbm>>) target(%dma_start3A_452 : memref<16x1024xf32, #tpu.memory_space<vmem>>) offsets(%dma_start3A_454 : memref<16xi32, #tpu.memory_space<vmem>>) semaphore(%arg11 : memref<!tpu.dma_semaphore, #tpu.memory_space<semaphore_mem>>)
    %dma_wait3A_458 = arith.constant 0 : i32
    %dma_wait3A_459 = arith.constant 0 : i32
    %dma_wait3A_460 = arith.constant 0 : i32
    %dma_wait3A_461 = tpu.memref_slice %arg7[%dma_wait3A_458, %dma_wait3A_459, %dma_wait3A_460] : memref<3x16x1024xf32, #tpu.memory_space<vmem>> -> memref<1x16x1024xf32, #tpu.memory_space<vmem>>
    %dma_wait3A_462 = tpu.memref_squeeze %dma_wait3A_461 : memref<1x16x1024xf32, #tpu.memory_space<vmem>> -> memref<16x1024xf32, #tpu.memory_space<vmem>>
    %dma_wait3A_463 = arith.constant 96 : i32
    %dma_wait3A_464 = tpu.memref_slice %arg6[%dma_wait3A_463] : memref<256xi32, #tpu.memory_space<vmem>> -> memref<16xi32, #tpu.memory_space<vmem>>
    %dma_wait3A_465 = arith.constant 0 : i32
    %dma_wait3A_466 = arith.constant 0 : i32
    %dma_wait3A_467 = tpu.memref_slice %arg3[%dma_wait3A_465, %dma_wait3A_466] : memref<100000x1024xf32, #tpu.memory_space<hbm>> -> memref<100000x1024xf32, #tpu.memory_space<hbm>>
    tpu.wait_indirect_dma semaphore(%arg9 : memref<!tpu.dma_semaphore, #tpu.memory_space<semaphore_mem>>) src(%dma_wait3A_467 : memref<100000x1024xf32, #tpu.memory_space<hbm>>) dst(%dma_wait3A_462 : memref<16x1024xf32, #tpu.memory_space<vmem>>)
    %parallel_loop3A_468 = arith.constant 0 : i32
    %parallel_loop3A_469 = arith.constant 1024 : i32
    %parallel_loop3A_470 = arith.constant 1 : i32
    %parallel_loop3A_471 = arith.constant 0 : i32
    scf.for %parallel_loop3A_1008 = %parallel_loop3A_468 to %parallel_loop3A_469 step %parallel_loop3A_470  : i32 {
      %parallel_loop3A_1009 = arith.constant 6 : i32
      %parallel_loop3A_1010 = arith.shrsi %parallel_loop3A_1008, %parallel_loop3A_1009 : i32
      %parallel_loop3A_1011 = arith.constant 63 : i32
      %parallel_loop3A_1012 = arith.andi %parallel_loop3A_1008, %parallel_loop3A_1011 : i32
      %parallel_loop3A_1013 = arith.constant 4 : i32
      %parallel_loop3A_1014 = arith.shli %parallel_loop3A_1012, %parallel_loop3A_1013 : i32
      %parallel_loop3A_1015 = tpu.assume_multiple %parallel_loop3A_1014, 16 : i32
      %parallel_loop3A_1016 = arith.constant 32 : i32
      %parallel_loop3A_1017 = arith.addi %parallel_loop3A_1016, %parallel_loop3A_1010 : i32
      %parallel_loop3A_1018 = arith.index_cast %parallel_loop3A_1017 : i32 to index
      %parallel_loop3A_1019 = arith.index_cast %parallel_loop3A_1015 : i32 to index
      %parallel_loop3A_1020 = tpu.vector_load %arg8[%parallel_loop3A_1018, %parallel_loop3A_1019] {strides = array<i32>} : memref<64x1024xf32, #tpu.memory_space<vmem>>, vector<1x16xf32>,
      %parallel_loop3A_1021 = vector.shape_cast %parallel_loop3A_1020 : vector<1x16xf32> to vector<16xf32>
      %parallel_loop3A_1022 = arith.constant 0 : i32
      %parallel_loop3A_1023 = arith.constant 0 : i32
      %parallel_loop3A_1024 = tpu.memref_slice %arg7[%parallel_loop3A_471, %parallel_loop3A_1022, %parallel_loop3A_1023] : memref<3x16x1024xf32, #tpu.memory_space<vmem>> -> memref<1x16x1024xf32, #tpu.memory_space<vmem>>
      %parallel_loop3A_1025 = tpu.memref_squeeze %parallel_loop3A_1024 : memref<1x16x1024xf32, #tpu.memory_space<vmem>> -> memref<16x1024xf32, #tpu.memory_space<vmem>>
      %parallel_loop3A_1026 = arith.index_cast %parallel_loop3A_1010 : i32 to index
      %parallel_loop3A_1027 = arith.index_cast %parallel_loop3A_1015 : i32 to index
      %parallel_loop3A_1028 = tpu.vector_load %parallel_loop3A_1025[%parallel_loop3A_1026, %parallel_loop3A_1027] {strides = array<i32>} : memref<16x1024xf32, #tpu.memory_space<vmem>>, vector<1x16xf32>,
      %parallel_loop3A_1029 = vector.shape_cast %parallel_loop3A_1028 : vector<1x16xf32> to vector<16xf32>
      %parallel_loop3A_1030 = vector.shape_cast %parallel_loop3A_1021 : vector<16xf32> to vector<1x16xf32>
      tpu.vector_store %parallel_loop3A_1025[%parallel_loop3A_1026, %parallel_loop3A_1027], %parallel_loop3A_1030 {add = true, strides = array<i32>} : memref<16x1024xf32, #tpu.memory_space<vmem>>, vector<1x16xf32>,
    } {sc.loop_unroll_factor = 8 : i64, sc.parallel_access}
    %add3A_472 = arith.constant 32 : i32
    %add3A_473 = arith.addi %mul3A_2, %add3A_472 : i32
    %dma_start3A_474 = arith.constant 0 : i32
    %dma_start3A_475 = arith.constant 1 : i32
    %dma_start3A_476 = arith.constant 0 : i32
    %dma_start3A_477 = arith.constant 0 : i32
    %dma_start3A_478 = tpu.memref_slice %arg7[%dma_start3A_474, %dma_start3A_476, %dma_start3A_477] : memref<3x16x1024xf32, #tpu.memory_space<vmem>> -> memref<1x16x1024xf32, #tpu.memory_space<vmem>>
    %dma_start3A_479 = tpu.memref_squeeze %dma_start3A_478 : memref<1x16x1024xf32, #tpu.memory_space<vmem>> -> memref<16x1024xf32, #tpu.memory_space<vmem>>
    %dma_start3A_480 = arith.constant 0 : i32
    %dma_start3A_481 = tpu.memref_slice %arg5[%dma_start3A_475, %add3A_473, %dma_start3A_480] : memref<4x2048x1024xf32, #tpu.memory_space<hbm>> -> memref<1x16x1024xf32, #tpu.memory_space<hbm>>
    %dma_start3A_482 = tpu.memref_squeeze %dma_start3A_481 : memref<1x16x1024xf32, #tpu.memory_space<hbm>> -> memref<16x1024xf32, #tpu.memory_space<hbm>>
    %dma_start3A_483 = arith.constant 0 : i32
    %dma_start3A_484 = tpu.memref_slice %arg5[%dma_start3A_475, %add3A_473, %dma_start3A_483] : memref<4x2048x1024xf32, #tpu.memory_space<hbm>> -> memref<1x16x1024xf32, #tpu.memory_space<hbm>>
    %dma_start3A_485 = tpu.memref_squeeze %dma_start3A_484 : memref<1x16x1024xf32, #tpu.memory_space<hbm>> -> memref<16x1024xf32, #tpu.memory_space<hbm>>
    %dma_start3A_486 = arith.constant 0 : i32
    %dma_start3A_487 = arith.constant 0 : i32
    %dma_start3A_488 = tpu.memref_slice %arg7[%dma_start3A_474, %dma_start3A_486, %dma_start3A_487] : memref<3x16x1024xf32, #tpu.memory_space<vmem>> -> memref<1x16x1024xf32, #tpu.memory_space<vmem>>
    %dma_start3A_489 = tpu.memref_squeeze %dma_start3A_488 : memref<1x16x1024xf32, #tpu.memory_space<vmem>> -> memref<16x1024xf32, #tpu.memory_space<vmem>>
    tpu.enqueue_dma source(%dma_start3A_489 : memref<16x1024xf32, #tpu.memory_space<vmem>>) target(%dma_start3A_485 : memref<16x1024xf32, #tpu.memory_space<hbm>>) target_semaphore(%arg12 : memref<!tpu.dma_semaphore, #tpu.memory_space<semaphore_mem>>)
    %dma_wait3A_490 = arith.constant 0 : i32
    %dma_wait3A_491 = arith.constant 1 : i32
    %dma_wait3A_492 = arith.constant 0 : i32
    %dma_wait3A_493 = arith.constant 0 : i32
    %dma_wait3A_494 = tpu.memref_slice %arg7[%dma_wait3A_490, %dma_wait3A_492, %dma_wait3A_493] : memref<3x16x1024xf32, #tpu.memory_space<vmem>> -> memref<1x16x1024xf32, #tpu.memory_space<vmem>>
    %dma_wait3A_495 = tpu.memref_squeeze %dma_wait3A_494 : memref<1x16x1024xf32, #tpu.memory_space<vmem>> -> memref<16x1024xf32, #tpu.memory_space<vmem>>
    %dma_wait3A_496 = arith.constant 0 : i32
    %dma_wait3A_497 = tpu.memref_slice %arg5[%dma_wait3A_491, %add3A_473, %dma_wait3A_496] : memref<4x2048x1024xf32, #tpu.memory_space<hbm>> -> memref<1x16x1024xf32, #tpu.memory_space<hbm>>
    %dma_wait3A_498 = tpu.memref_squeeze %dma_wait3A_497 : memref<1x16x1024xf32, #tpu.memory_space<hbm>> -> memref<16x1024xf32, #tpu.memory_space<hbm>>
    %dma_wait3A_499 = arith.constant 0 : i32
    %dma_wait3A_500 = tpu.memref_slice %arg5[%dma_wait3A_491, %add3A_473, %dma_wait3A_499] : memref<4x2048x1024xf32, #tpu.memory_space<hbm>> -> memref<1x16x1024xf32, #tpu.memory_space<hbm>>
    %dma_wait3A_501 = tpu.memref_squeeze %dma_wait3A_500 : memref<1x16x1024xf32, #tpu.memory_space<hbm>> -> memref<16x1024xf32, #tpu.memory_space<hbm>>
    %dma_wait3A_502 = arith.constant 0 : i32
    %dma_wait3A_503 = arith.constant 0 : i32
    %dma_wait3A_504 = tpu.memref_slice %arg7[%dma_wait3A_490, %dma_wait3A_502, %dma_wait3A_503] : memref<3x16x1024xf32, #tpu.memory_space<vmem>> -> memref<1x16x1024xf32, #tpu.memory_space<vmem>>
    %dma_wait3A_505 = tpu.memref_squeeze %dma_wait3A_504 : memref<1x16x1024xf32, #tpu.memory_space<vmem>> -> memref<16x1024xf32, #tpu.memory_space<vmem>>
    tpu.wait_dma2 semaphore(%arg12 : memref<!tpu.dma_semaphore, #tpu.memory_space<semaphore_mem>>) src(%dma_wait3A_505 : memref<16x1024xf32, #tpu.memory_space<vmem>>) dst(%dma_wait3A_501 : memref<16x1024xf32, #tpu.memory_space<hbm>>)
    %dma_start3A_506 = arith.constant 0 : i32
    %dma_start3A_507 = arith.constant 0 : i32
    %dma_start3A_508 = arith.constant 0 : i32
    %dma_start3A_509 = tpu.memref_slice %arg7[%dma_start3A_506, %dma_start3A_507, %dma_start3A_508] : memref<3x16x1024xf32, #tpu.memory_space<vmem>> -> memref<1x16x1024xf32, #tpu.memory_space<vmem>>
    %dma_start3A_510 = tpu.memref_squeeze %dma_start3A_509 : memref<1x16x1024xf32, #tpu.memory_space<vmem>> -> memref<16x1024xf32, #tpu.memory_space<vmem>>
    %dma_start3A_511 = arith.constant 144 : i32
    %dma_start3A_512 = tpu.memref_slice %arg6[%dma_start3A_511] : memref<256xi32, #tpu.memory_space<vmem>> -> memref<16xi32, #tpu.memory_space<vmem>>
    %dma_start3A_513 = arith.constant 0 : i32
    %dma_start3A_514 = arith.constant 0 : i32
    %dma_start3A_515 = tpu.memref_slice %arg3[%dma_start3A_513, %dma_start3A_514] : memref<100000x1024xf32, #tpu.memory_space<hbm>> -> memref<100000x1024xf32, #tpu.memory_space<hbm>>
    tpu.enqueue_indirect_dma source(%dma_start3A_515 : memref<100000x1024xf32, #tpu.memory_space<hbm>>) target(%dma_start3A_510 : memref<16x1024xf32, #tpu.memory_space<vmem>>) offsets(%dma_start3A_512 : memref<16xi32, #tpu.memory_space<vmem>>) semaphore(%arg9 : memref<!tpu.dma_semaphore, #tpu.memory_space<semaphore_mem>>)
    %dma_wait3A_516 = arith.constant 1 : i32
    %dma_wait3A_517 = arith.constant 0 : i32
    %dma_wait3A_518 = arith.constant 0 : i32
    %dma_wait3A_519 = tpu.memref_slice %arg7[%dma_wait3A_516, %dma_wait3A_517, %dma_wait3A_518] : memref<3x16x1024xf32, #tpu.memory_space<vmem>> -> memref<1x16x1024xf32, #tpu.memory_space<vmem>>
    %dma_wait3A_520 = tpu.memref_squeeze %dma_wait3A_519 : memref<1x16x1024xf32, #tpu.memory_space<vmem>> -> memref<16x1024xf32, #tpu.memory_space<vmem>>
    %dma_wait3A_521 = arith.constant 112 : i32
    %dma_wait3A_522 = tpu.memref_slice %arg6[%dma_wait3A_521] : memref<256xi32, #tpu.memory_space<vmem>> -> memref<16xi32, #tpu.memory_space<vmem>>
    %dma_wait3A_523 = arith.constant 0 : i32
    %dma_wait3A_524 = arith.constant 0 : i32
    %dma_wait3A_525 = tpu.memref_slice %arg3[%dma_wait3A_523, %dma_wait3A_524] : memref<100000x1024xf32, #tpu.memory_space<hbm>> -> memref<100000x1024xf32, #tpu.memory_space<hbm>>
    tpu.wait_indirect_dma semaphore(%arg10 : memref<!tpu.dma_semaphore, #tpu.memory_space<semaphore_mem>>) src(%dma_wait3A_525 : memref<100000x1024xf32, #tpu.memory_space<hbm>>) dst(%dma_wait3A_520 : memref<16x1024xf32, #tpu.memory_space<vmem>>)
    %parallel_loop3A_526 = arith.constant 0 : i32
    %parallel_loop3A_527 = arith.constant 1024 : i32
    %parallel_loop3A_528 = arith.constant 1 : i32
    %parallel_loop3A_529 = arith.constant 1 : i32
    scf.for %parallel_loop3A_1008 = %parallel_loop3A_526 to %parallel_loop3A_527 step %parallel_loop3A_528  : i32 {
      %parallel_loop3A_1009 = arith.constant 6 : i32
      %parallel_loop3A_1010 = arith.shrsi %parallel_loop3A_1008, %parallel_loop3A_1009 : i32
      %parallel_loop3A_1011 = arith.constant 63 : i32
      %parallel_loop3A_1012 = arith.andi %parallel_loop3A_1008, %parallel_loop3A_1011 : i32
      %parallel_loop3A_1013 = arith.constant 4 : i32
      %parallel_loop3A_1014 = arith.shli %parallel_loop3A_1012, %parallel_loop3A_1013 : i32
      %parallel_loop3A_1015 = tpu.assume_multiple %parallel_loop3A_1014, 16 : i32
      %parallel_loop3A_1016 = arith.constant 48 : i32
      %parallel_loop3A_1017 = arith.addi %parallel_loop3A_1016, %parallel_loop3A_1010 : i32
      %parallel_loop3A_1018 = arith.index_cast %parallel_loop3A_1017 : i32 to index
      %parallel_loop3A_1019 = arith.index_cast %parallel_loop3A_1015 : i32 to index
      %parallel_loop3A_1020 = tpu.vector_load %arg8[%parallel_loop3A_1018, %parallel_loop3A_1019] {strides = array<i32>} : memref<64x1024xf32, #tpu.memory_space<vmem>>, vector<1x16xf32>,
      %parallel_loop3A_1021 = vector.shape_cast %parallel_loop3A_1020 : vector<1x16xf32> to vector<16xf32>
      %parallel_loop3A_1022 = arith.constant 0 : i32
      %parallel_loop3A_1023 = arith.constant 0 : i32
      %parallel_loop3A_1024 = tpu.memref_slice %arg7[%parallel_loop3A_529, %parallel_loop3A_1022, %parallel_loop3A_1023] : memref<3x16x1024xf32, #tpu.memory_space<vmem>> -> memref<1x16x1024xf32, #tpu.memory_space<vmem>>
      %parallel_loop3A_1025 = tpu.memref_squeeze %parallel_loop3A_1024 : memref<1x16x1024xf32, #tpu.memory_space<vmem>> -> memref<16x1024xf32, #tpu.memory_space<vmem>>
      %parallel_loop3A_1026 = arith.index_cast %parallel_loop3A_1010 : i32 to index
      %parallel_loop3A_1027 = arith.index_cast %parallel_loop3A_1015 : i32 to index
      %parallel_loop3A_1028 = tpu.vector_load %parallel_loop3A_1025[%parallel_loop3A_1026, %parallel_loop3A_1027] {strides = array<i32>} : memref<16x1024xf32, #tpu.memory_space<vmem>>, vector<1x16xf32>,
      %parallel_loop3A_1029 = vector.shape_cast %parallel_loop3A_1028 : vector<1x16xf32> to vector<16xf32>
      %parallel_loop3A_1030 = vector.shape_cast %parallel_loop3A_1021 : vector<16xf32> to vector<1x16xf32>
      tpu.vector_store %parallel_loop3A_1025[%parallel_loop3A_1026, %parallel_loop3A_1027], %parallel_loop3A_1030 {add = true, strides = array<i32>} : memref<16x1024xf32, #tpu.memory_space<vmem>>, vector<1x16xf32>,
    } {sc.loop_unroll_factor = 8 : i64, sc.parallel_access}
    %add3A_530 = arith.constant 48 : i32
    %add3A_531 = arith.addi %mul3A_2, %add3A_530 : i32
    %dma_start3A_532 = arith.constant 1 : i32
    %dma_start3A_533 = arith.constant 1 : i32
    %dma_start3A_534 = arith.constant 0 : i32
    %dma_start3A_535 = arith.constant 0 : i32
    %dma_start3A_536 = tpu.memref_slice %arg7[%dma_start3A_532, %dma_start3A_534, %dma_start3A_535] : memref<3x16x1024xf32, #tpu.memory_space<vmem>> -> memref<1x16x1024xf32, #tpu.memory_space<vmem>>
    %dma_start3A_537 = tpu.memref_squeeze %dma_start3A_536 : memref<1x16x1024xf32, #tpu.memory_space<vmem>> -> memref<16x1024xf32, #tpu.memory_space<vmem>>
    %dma_start3A_538 = arith.constant 0 : i32
    %dma_start3A_539 = tpu.memref_slice %arg5[%dma_start3A_533, %add3A_531, %dma_start3A_538] : memref<4x2048x1024xf32, #tpu.memory_space<hbm>> -> memref<1x16x1024xf32, #tpu.memory_space<hbm>>
    %dma_start3A_540 = tpu.memref_squeeze %dma_start3A_539 : memref<1x16x1024xf32, #tpu.memory_space<hbm>> -> memref<16x1024xf32, #tpu.memory_space<hbm>>
    %dma_start3A_541 = arith.constant 0 : i32
    %dma_start3A_542 = tpu.memref_slice %arg5[%dma_start3A_533, %add3A_531, %dma_start3A_541] : memref<4x2048x1024xf32, #tpu.memory_space<hbm>> -> memref<1x16x1024xf32, #tpu.memory_space<hbm>>
    %dma_start3A_543 = tpu.memref_squeeze %dma_start3A_542 : memref<1x16x1024xf32, #tpu.memory_space<hbm>> -> memref<16x1024xf32, #tpu.memory_space<hbm>>
    %dma_start3A_544 = arith.constant 0 : i32
    %dma_start3A_545 = arith.constant 0 : i32
    %dma_start3A_546 = tpu.memref_slice %arg7[%dma_start3A_532, %dma_start3A_544, %dma_start3A_545] : memref<3x16x1024xf32, #tpu.memory_space<vmem>> -> memref<1x16x1024xf32, #tpu.memory_space<vmem>>
    %dma_start3A_547 = tpu.memref_squeeze %dma_start3A_546 : memref<1x16x1024xf32, #tpu.memory_space<vmem>> -> memref<16x1024xf32, #tpu.memory_space<vmem>>
    tpu.enqueue_dma source(%dma_start3A_547 : memref<16x1024xf32, #tpu.memory_space<vmem>>) target(%dma_start3A_543 : memref<16x1024xf32, #tpu.memory_space<hbm>>) target_semaphore(%arg13 : memref<!tpu.dma_semaphore, #tpu.memory_space<semaphore_mem>>)
    %dma_wait3A_548 = arith.constant 1 : i32
    %dma_wait3A_549 = arith.constant 1 : i32
    %dma_wait3A_550 = arith.constant 0 : i32
    %dma_wait3A_551 = arith.constant 0 : i32
    %dma_wait3A_552 = tpu.memref_slice %arg7[%dma_wait3A_548, %dma_wait3A_550, %dma_wait3A_551] : memref<3x16x1024xf32, #tpu.memory_space<vmem>> -> memref<1x16x1024xf32, #tpu.memory_space<vmem>>
    %dma_wait3A_553 = tpu.memref_squeeze %dma_wait3A_552 : memref<1x16x1024xf32, #tpu.memory_space<vmem>> -> memref<16x1024xf32, #tpu.memory_space<vmem>>
    %dma_wait3A_554 = arith.constant 0 : i32
    %dma_wait3A_555 = tpu.memref_slice %arg5[%dma_wait3A_549, %add3A_531, %dma_wait3A_554] : memref<4x2048x1024xf32, #tpu.memory_space<hbm>> -> memref<1x16x1024xf32, #tpu.memory_space<hbm>>
    %dma_wait3A_556 = tpu.memref_squeeze %dma_wait3A_555 : memref<1x16x1024xf32, #tpu.memory_space<hbm>> -> memref<16x1024xf32, #tpu.memory_space<hbm>>
    %dma_wait3A_557 = arith.constant 0 : i32
    %dma_wait3A_558 = tpu.memref_slice %arg5[%dma_wait3A_549, %add3A_531, %dma_wait3A_557] : memref<4x2048x1024xf32, #tpu.memory_space<hbm>> -> memref<1x16x1024xf32, #tpu.memory_space<hbm>>
    %dma_wait3A_559 = tpu.memref_squeeze %dma_wait3A_558 : memref<1x16x1024xf32, #tpu.memory_space<hbm>> -> memref<16x1024xf32, #tpu.memory_space<hbm>>
    %dma_wait3A_560 = arith.constant 0 : i32
    %dma_wait3A_561 = arith.constant 0 : i32
    %dma_wait3A_562 = tpu.memref_slice %arg7[%dma_wait3A_548, %dma_wait3A_560, %dma_wait3A_561] : memref<3x16x1024xf32, #tpu.memory_space<vmem>> -> memref<1x16x1024xf32, #tpu.memory_space<vmem>>
    %dma_wait3A_563 = tpu.memref_squeeze %dma_wait3A_562 : memref<1x16x1024xf32, #tpu.memory_space<vmem>> -> memref<16x1024xf32, #tpu.memory_space<vmem>>
    tpu.wait_dma2 semaphore(%arg13 : memref<!tpu.dma_semaphore, #tpu.memory_space<semaphore_mem>>) src(%dma_wait3A_563 : memref<16x1024xf32, #tpu.memory_space<vmem>>) dst(%dma_wait3A_559 : memref<16x1024xf32, #tpu.memory_space<hbm>>)
    %dma_start3A_564 = arith.constant 1 : i32
    %dma_start3A_565 = arith.constant 0 : i32
    %dma_start3A_566 = arith.constant 0 : i32
    %dma_start3A_567 = tpu.memref_slice %arg7[%dma_start3A_564, %dma_start3A_565, %dma_start3A_566] : memref<3x16x1024xf32, #tpu.memory_space<vmem>> -> memref<1x16x1024xf32, #tpu.memory_space<vmem>>
    %dma_start3A_568 = tpu.memref_squeeze %dma_start3A_567 : memref<1x16x1024xf32, #tpu.memory_space<vmem>> -> memref<16x1024xf32, #tpu.memory_space<vmem>>
    %dma_start3A_569 = arith.constant 160 : i32
    %dma_start3A_570 = tpu.memref_slice %arg6[%dma_start3A_569] : memref<256xi32, #tpu.memory_space<vmem>> -> memref<16xi32, #tpu.memory_space<vmem>>
    %dma_start3A_571 = arith.constant 0 : i32
    %dma_start3A_572 = arith.constant 0 : i32
    %dma_start3A_573 = tpu.memref_slice %arg3[%dma_start3A_571, %dma_start3A_572] : memref<100000x1024xf32, #tpu.memory_space<hbm>> -> memref<100000x1024xf32, #tpu.memory_space<hbm>>
    tpu.enqueue_indirect_dma source(%dma_start3A_573 : memref<100000x1024xf32, #tpu.memory_space<hbm>>) target(%dma_start3A_568 : memref<16x1024xf32, #tpu.memory_space<vmem>>) offsets(%dma_start3A_570 : memref<16xi32, #tpu.memory_space<vmem>>) semaphore(%arg10 : memref<!tpu.dma_semaphore, #tpu.memory_space<semaphore_mem>>)
    %dma_wait3A_574 = arith.constant 2 : i32
    %dma_wait3A_575 = arith.constant 0 : i32
    %dma_wait3A_576 = arith.constant 0 : i32
    %dma_wait3A_577 = tpu.memref_slice %arg7[%dma_wait3A_574, %dma_wait3A_575, %dma_wait3A_576] : memref<3x16x1024xf32, #tpu.memory_space<vmem>> -> memref<1x16x1024xf32, #tpu.memory_space<vmem>>
    %dma_wait3A_578 = tpu.memref_squeeze %dma_wait3A_577 : memref<1x16x1024xf32, #tpu.memory_space<vmem>> -> memref<16x1024xf32, #tpu.memory_space<vmem>>
    %dma_wait3A_579 = arith.constant 128 : i32
    %dma_wait3A_580 = tpu.memref_slice %arg6[%dma_wait3A_579] : memref<256xi32, #tpu.memory_space<vmem>> -> memref<16xi32, #tpu.memory_space<vmem>>
    %dma_wait3A_581 = arith.constant 0 : i32
    %dma_wait3A_582 = arith.constant 0 : i32
    %dma_wait3A_583 = tpu.memref_slice %arg3[%dma_wait3A_581, %dma_wait3A_582] : memref<100000x1024xf32, #tpu.memory_space<hbm>> -> memref<100000x1024xf32, #tpu.memory_space<hbm>>
    tpu.wait_indirect_dma semaphore(%arg11 : memref<!tpu.dma_semaphore, #tpu.memory_space<semaphore_mem>>) src(%dma_wait3A_583 : memref<100000x1024xf32, #tpu.memory_space<hbm>>) dst(%dma_wait3A_578 : memref<16x1024xf32, #tpu.memory_space<vmem>>)
    %parallel_loop3A_584 = arith.constant 0 : i32
    %parallel_loop3A_585 = arith.constant 1024 : i32
    %parallel_loop3A_586 = arith.constant 1 : i32
    %parallel_loop3A_587 = arith.constant 2 : i32
    scf.for %parallel_loop3A_1008 = %parallel_loop3A_584 to %parallel_loop3A_585 step %parallel_loop3A_586  : i32 {
      %parallel_loop3A_1009 = arith.constant 6 : i32
      %parallel_loop3A_1010 = arith.shrsi %parallel_loop3A_1008, %parallel_loop3A_1009 : i32
      %parallel_loop3A_1011 = arith.constant 63 : i32
      %parallel_loop3A_1012 = arith.andi %parallel_loop3A_1008, %parallel_loop3A_1011 : i32
      %parallel_loop3A_1013 = arith.constant 4 : i32
      %parallel_loop3A_1014 = arith.shli %parallel_loop3A_1012, %parallel_loop3A_1013 : i32
      %parallel_loop3A_1015 = tpu.assume_multiple %parallel_loop3A_1014, 16 : i32
      %parallel_loop3A_1016 = arith.constant 0 : i32
      %parallel_loop3A_1017 = arith.addi %parallel_loop3A_1016, %parallel_loop3A_1010 : i32
      %parallel_loop3A_1018 = arith.index_cast %parallel_loop3A_1017 : i32 to index
      %parallel_loop3A_1019 = arith.index_cast %parallel_loop3A_1015 : i32 to index
      %parallel_loop3A_1020 = tpu.vector_load %arg8[%parallel_loop3A_1018, %parallel_loop3A_1019] {strides = array<i32>} : memref<64x1024xf32, #tpu.memory_space<vmem>>, vector<1x16xf32>,
      %parallel_loop3A_1021 = vector.shape_cast %parallel_loop3A_1020 : vector<1x16xf32> to vector<16xf32>
      %parallel_loop3A_1022 = arith.constant 0 : i32
      %parallel_loop3A_1023 = arith.constant 0 : i32
      %parallel_loop3A_1024 = tpu.memref_slice %arg7[%parallel_loop3A_587, %parallel_loop3A_1022, %parallel_loop3A_1023] : memref<3x16x1024xf32, #tpu.memory_space<vmem>> -> memref<1x16x1024xf32, #tpu.memory_space<vmem>>
      %parallel_loop3A_1025 = tpu.memref_squeeze %parallel_loop3A_1024 : memref<1x16x1024xf32, #tpu.memory_space<vmem>> -> memref<16x1024xf32, #tpu.memory_space<vmem>>
      %parallel_loop3A_1026 = arith.index_cast %parallel_loop3A_1010 : i32 to index
      %parallel_loop3A_1027 = arith.index_cast %parallel_loop3A_1015 : i32 to index
      %parallel_loop3A_1028 = tpu.vector_load %parallel_loop3A_1025[%parallel_loop3A_1026, %parallel_loop3A_1027] {strides = array<i32>} : memref<16x1024xf32, #tpu.memory_space<vmem>>, vector<1x16xf32>,
      %parallel_loop3A_1029 = vector.shape_cast %parallel_loop3A_1028 : vector<1x16xf32> to vector<16xf32>
      %parallel_loop3A_1030 = vector.shape_cast %parallel_loop3A_1021 : vector<16xf32> to vector<1x16xf32>
      tpu.vector_store %parallel_loop3A_1025[%parallel_loop3A_1026, %parallel_loop3A_1027], %parallel_loop3A_1030 {add = true, strides = array<i32>} : memref<16x1024xf32, #tpu.memory_space<vmem>>, vector<1x16xf32>,
    } {sc.loop_unroll_factor = 8 : i64, sc.parallel_access}
    %add3A_588 = arith.constant 0 : i32
    %add3A_589 = arith.addi %mul3A_2, %add3A_588 : i32
    %dma_start3A_590 = arith.constant 2 : i32
    %dma_start3A_591 = arith.constant 2 : i32
    %dma_start3A_592 = arith.constant 0 : i32
    %dma_start3A_593 = arith.constant 0 : i32
    %dma_start3A_594 = tpu.memref_slice %arg7[%dma_start3A_590, %dma_start3A_592, %dma_start3A_593] : memref<3x16x1024xf32, #tpu.memory_space<vmem>> -> memref<1x16x1024xf32, #tpu.memory_space<vmem>>
    %dma_start3A_595 = tpu.memref_squeeze %dma_start3A_594 : memref<1x16x1024xf32, #tpu.memory_space<vmem>> -> memref<16x1024xf32, #tpu.memory_space<vmem>>
    %dma_start3A_596 = arith.constant 0 : i32
    %dma_start3A_597 = tpu.memref_slice %arg5[%dma_start3A_591, %add3A_589, %dma_start3A_596] : memref<4x2048x1024xf32, #tpu.memory_space<hbm>> -> memref<1x16x1024xf32, #tpu.memory_space<hbm>>
    %dma_start3A_598 = tpu.memref_squeeze %dma_start3A_597 : memref<1x16x1024xf32, #tpu.memory_space<hbm>> -> memref<16x1024xf32, #tpu.memory_space<hbm>>
    %dma_start3A_599 = arith.constant 0 : i32
    %dma_start3A_600 = tpu.memref_slice %arg5[%dma_start3A_591, %add3A_589, %dma_start3A_599] : memref<4x2048x1024xf32, #tpu.memory_space<hbm>> -> memref<1x16x1024xf32, #tpu.memory_space<hbm>>
    %dma_start3A_601 = tpu.memref_squeeze %dma_start3A_600 : memref<1x16x1024xf32, #tpu.memory_space<hbm>> -> memref<16x1024xf32, #tpu.memory_space<hbm>>
    %dma_start3A_602 = arith.constant 0 : i32
    %dma_start3A_603 = arith.constant 0 : i32
    %dma_start3A_604 = tpu.memref_slice %arg7[%dma_start3A_590, %dma_start3A_602, %dma_start3A_603] : memref<3x16x1024xf32, #tpu.memory_space<vmem>> -> memref<1x16x1024xf32, #tpu.memory_space<vmem>>
    %dma_start3A_605 = tpu.memref_squeeze %dma_start3A_604 : memref<1x16x1024xf32, #tpu.memory_space<vmem>> -> memref<16x1024xf32, #tpu.memory_space<vmem>>
    tpu.enqueue_dma source(%dma_start3A_605 : memref<16x1024xf32, #tpu.memory_space<vmem>>) target(%dma_start3A_601 : memref<16x1024xf32, #tpu.memory_space<hbm>>) target_semaphore(%arg14 : memref<!tpu.dma_semaphore, #tpu.memory_space<semaphore_mem>>)
    %dma_wait3A_606 = arith.constant 2 : i32
    %dma_wait3A_607 = arith.constant 2 : i32
    %dma_wait3A_608 = arith.constant 0 : i32
    %dma_wait3A_609 = arith.constant 0 : i32
    %dma_wait3A_610 = tpu.memref_slice %arg7[%dma_wait3A_606, %dma_wait3A_608, %dma_wait3A_609] : memref<3x16x1024xf32, #tpu.memory_space<vmem>> -> memref<1x16x1024xf32, #tpu.memory_space<vmem>>
    %dma_wait3A_611 = tpu.memref_squeeze %dma_wait3A_610 : memref<1x16x1024xf32, #tpu.memory_space<vmem>> -> memref<16x1024xf32, #tpu.memory_space<vmem>>
    %dma_wait3A_612 = arith.constant 0 : i32
    %dma_wait3A_613 = tpu.memref_slice %arg5[%dma_wait3A_607, %add3A_589, %dma_wait3A_612] : memref<4x2048x1024xf32, #tpu.memory_space<hbm>> -> memref<1x16x1024xf32, #tpu.memory_space<hbm>>
    %dma_wait3A_614 = tpu.memref_squeeze %dma_wait3A_613 : memref<1x16x1024xf32, #tpu.memory_space<hbm>> -> memref<16x1024xf32, #tpu.memory_space<hbm>>
    %dma_wait3A_615 = arith.constant 0 : i32
    %dma_wait3A_616 = tpu.memref_slice %arg5[%dma_wait3A_607, %add3A_589, %dma_wait3A_615] : memref<4x2048x1024xf32, #tpu.memory_space<hbm>> -> memref<1x16x1024xf32, #tpu.memory_space<hbm>>
    %dma_wait3A_617 = tpu.memref_squeeze %dma_wait3A_616 : memref<1x16x1024xf32, #tpu.memory_space<hbm>> -> memref<16x1024xf32, #tpu.memory_space<hbm>>
    %dma_wait3A_618 = arith.constant 0 : i32
    %dma_wait3A_619 = arith.constant 0 : i32
    %dma_wait3A_620 = tpu.memref_slice %arg7[%dma_wait3A_606, %dma_wait3A_618, %dma_wait3A_619] : memref<3x16x1024xf32, #tpu.memory_space<vmem>> -> memref<1x16x1024xf32, #tpu.memory_space<vmem>>
    %dma_wait3A_621 = tpu.memref_squeeze %dma_wait3A_620 : memref<1x16x1024xf32, #tpu.memory_space<vmem>> -> memref<16x1024xf32, #tpu.memory_space<vmem>>
    tpu.wait_dma2 semaphore(%arg14 : memref<!tpu.dma_semaphore, #tpu.memory_space<semaphore_mem>>) src(%dma_wait3A_621 : memref<16x1024xf32, #tpu.memory_space<vmem>>) dst(%dma_wait3A_617 : memref<16x1024xf32, #tpu.memory_space<hbm>>)
    %dma_start3A_622 = arith.constant 2 : i32
    %dma_start3A_623 = arith.constant 0 : i32
    %dma_start3A_624 = arith.constant 0 : i32
    %dma_start3A_625 = tpu.memref_slice %arg7[%dma_start3A_622, %dma_start3A_623, %dma_start3A_624] : memref<3x16x1024xf32, #tpu.memory_space<vmem>> -> memref<1x16x1024xf32, #tpu.memory_space<vmem>>
    %dma_start3A_626 = tpu.memref_squeeze %dma_start3A_625 : memref<1x16x1024xf32, #tpu.memory_space<vmem>> -> memref<16x1024xf32, #tpu.memory_space<vmem>>
    %dma_start3A_627 = arith.constant 176 : i32
    %dma_start3A_628 = tpu.memref_slice %arg6[%dma_start3A_627] : memref<256xi32, #tpu.memory_space<vmem>> -> memref<16xi32, #tpu.memory_space<vmem>>
    %dma_start3A_629 = arith.constant 0 : i32
    %dma_start3A_630 = arith.constant 0 : i32
    %dma_start3A_631 = tpu.memref_slice %arg3[%dma_start3A_629, %dma_start3A_630] : memref<100000x1024xf32, #tpu.memory_space<hbm>> -> memref<100000x1024xf32, #tpu.memory_space<hbm>>
    tpu.enqueue_indirect_dma source(%dma_start3A_631 : memref<100000x1024xf32, #tpu.memory_space<hbm>>) target(%dma_start3A_626 : memref<16x1024xf32, #tpu.memory_space<vmem>>) offsets(%dma_start3A_628 : memref<16xi32, #tpu.memory_space<vmem>>) semaphore(%arg11 : memref<!tpu.dma_semaphore, #tpu.memory_space<semaphore_mem>>)
    %dma_wait3A_632 = arith.constant 0 : i32
    %dma_wait3A_633 = arith.constant 0 : i32
    %dma_wait3A_634 = arith.constant 0 : i32
    %dma_wait3A_635 = tpu.memref_slice %arg7[%dma_wait3A_632, %dma_wait3A_633, %dma_wait3A_634] : memref<3x16x1024xf32, #tpu.memory_space<vmem>> -> memref<1x16x1024xf32, #tpu.memory_space<vmem>>
    %dma_wait3A_636 = tpu.memref_squeeze %dma_wait3A_635 : memref<1x16x1024xf32, #tpu.memory_space<vmem>> -> memref<16x1024xf32, #tpu.memory_space<vmem>>
    %dma_wait3A_637 = arith.constant 144 : i32
    %dma_wait3A_638 = tpu.memref_slice %arg6[%dma_wait3A_637] : memref<256xi32, #tpu.memory_space<vmem>> -> memref<16xi32, #tpu.memory_space<vmem>>
    %dma_wait3A_639 = arith.constant 0 : i32
    %dma_wait3A_640 = arith.constant 0 : i32
    %dma_wait3A_641 = tpu.memref_slice %arg3[%dma_wait3A_639, %dma_wait3A_640] : memref<100000x1024xf32, #tpu.memory_space<hbm>> -> memref<100000x1024xf32, #tpu.memory_space<hbm>>
    tpu.wait_indirect_dma semaphore(%arg9 : memref<!tpu.dma_semaphore, #tpu.memory_space<semaphore_mem>>) src(%dma_wait3A_641 : memref<100000x1024xf32, #tpu.memory_space<hbm>>) dst(%dma_wait3A_636 : memref<16x1024xf32, #tpu.memory_space<vmem>>)
    %parallel_loop3A_642 = arith.constant 0 : i32
    %parallel_loop3A_643 = arith.constant 1024 : i32
    %parallel_loop3A_644 = arith.constant 1 : i32
    %parallel_loop3A_645 = arith.constant 0 : i32
    scf.for %parallel_loop3A_1008 = %parallel_loop3A_642 to %parallel_loop3A_643 step %parallel_loop3A_644  : i32 {
      %parallel_loop3A_1009 = arith.constant 6 : i32
      %parallel_loop3A_1010 = arith.shrsi %parallel_loop3A_1008, %parallel_loop3A_1009 : i32
      %parallel_loop3A_1011 = arith.constant 63 : i32
      %parallel_loop3A_1012 = arith.andi %parallel_loop3A_1008, %parallel_loop3A_1011 : i32
      %parallel_loop3A_1013 = arith.constant 4 : i32
      %parallel_loop3A_1014 = arith.shli %parallel_loop3A_1012, %parallel_loop3A_1013 : i32
      %parallel_loop3A_1015 = tpu.assume_multiple %parallel_loop3A_1014, 16 : i32
      %parallel_loop3A_1016 = arith.constant 16 : i32
      %parallel_loop3A_1017 = arith.addi %parallel_loop3A_1016, %parallel_loop3A_1010 : i32
      %parallel_loop3A_1018 = arith.index_cast %parallel_loop3A_1017 : i32 to index
      %parallel_loop3A_1019 = arith.index_cast %parallel_loop3A_1015 : i32 to index
      %parallel_loop3A_1020 = tpu.vector_load %arg8[%parallel_loop3A_1018, %parallel_loop3A_1019] {strides = array<i32>} : memref<64x1024xf32, #tpu.memory_space<vmem>>, vector<1x16xf32>,
      %parallel_loop3A_1021 = vector.shape_cast %parallel_loop3A_1020 : vector<1x16xf32> to vector<16xf32>
      %parallel_loop3A_1022 = arith.constant 0 : i32
      %parallel_loop3A_1023 = arith.constant 0 : i32
      %parallel_loop3A_1024 = tpu.memref_slice %arg7[%parallel_loop3A_645, %parallel_loop3A_1022, %parallel_loop3A_1023] : memref<3x16x1024xf32, #tpu.memory_space<vmem>> -> memref<1x16x1024xf32, #tpu.memory_space<vmem>>
      %parallel_loop3A_1025 = tpu.memref_squeeze %parallel_loop3A_1024 : memref<1x16x1024xf32, #tpu.memory_space<vmem>> -> memref<16x1024xf32, #tpu.memory_space<vmem>>
      %parallel_loop3A_1026 = arith.index_cast %parallel_loop3A_1010 : i32 to index
      %parallel_loop3A_1027 = arith.index_cast %parallel_loop3A_1015 : i32 to index
      %parallel_loop3A_1028 = tpu.vector_load %parallel_loop3A_1025[%parallel_loop3A_1026, %parallel_loop3A_1027] {strides = array<i32>} : memref<16x1024xf32, #tpu.memory_space<vmem>>, vector<1x16xf32>,
      %parallel_loop3A_1029 = vector.shape_cast %parallel_loop3A_1028 : vector<1x16xf32> to vector<16xf32>
      %parallel_loop3A_1030 = vector.shape_cast %parallel_loop3A_1021 : vector<16xf32> to vector<1x16xf32>
      tpu.vector_store %parallel_loop3A_1025[%parallel_loop3A_1026, %parallel_loop3A_1027], %parallel_loop3A_1030 {add = true, strides = array<i32>} : memref<16x1024xf32, #tpu.memory_space<vmem>>, vector<1x16xf32>,
    } {sc.loop_unroll_factor = 8 : i64, sc.parallel_access}
    %add3A_646 = arith.constant 16 : i32
    %add3A_647 = arith.addi %mul3A_2, %add3A_646 : i32
    %dma_start3A_648 = arith.constant 0 : i32
    %dma_start3A_649 = arith.constant 2 : i32
    %dma_start3A_650 = arith.constant 0 : i32
    %dma_start3A_651 = arith.constant 0 : i32
    %dma_start3A_652 = tpu.memref_slice %arg7[%dma_start3A_648, %dma_start3A_650, %dma_start3A_651] : memref<3x16x1024xf32, #tpu.memory_space<vmem>> -> memref<1x16x1024xf32, #tpu.memory_space<vmem>>
    %dma_start3A_653 = tpu.memref_squeeze %dma_start3A_652 : memref<1x16x1024xf32, #tpu.memory_space<vmem>> -> memref<16x1024xf32, #tpu.memory_space<vmem>>
    %dma_start3A_654 = arith.constant 0 : i32
    %dma_start3A_655 = tpu.memref_slice %arg5[%dma_start3A_649, %add3A_647, %dma_start3A_654] : memref<4x2048x1024xf32, #tpu.memory_space<hbm>> -> memref<1x16x1024xf32, #tpu.memory_space<hbm>>
    %dma_start3A_656 = tpu.memref_squeeze %dma_start3A_655 : memref<1x16x1024xf32, #tpu.memory_space<hbm>> -> memref<16x1024xf32, #tpu.memory_space<hbm>>
    %dma_start3A_657 = arith.constant 0 : i32
    %dma_start3A_658 = tpu.memref_slice %arg5[%dma_start3A_649, %add3A_647, %dma_start3A_657] : memref<4x2048x1024xf32, #tpu.memory_space<hbm>> -> memref<1x16x1024xf32, #tpu.memory_space<hbm>>
    %dma_start3A_659 = tpu.memref_squeeze %dma_start3A_658 : memref<1x16x1024xf32, #tpu.memory_space<hbm>> -> memref<16x1024xf32, #tpu.memory_space<hbm>>
    %dma_start3A_660 = arith.constant 0 : i32
    %dma_start3A_661 = arith.constant 0 : i32
    %dma_start3A_662 = tpu.memref_slice %arg7[%dma_start3A_648, %dma_start3A_660, %dma_start3A_661] : memref<3x16x1024xf32, #tpu.memory_space<vmem>> -> memref<1x16x1024xf32, #tpu.memory_space<vmem>>
    %dma_start3A_663 = tpu.memref_squeeze %dma_start3A_662 : memref<1x16x1024xf32, #tpu.memory_space<vmem>> -> memref<16x1024xf32, #tpu.memory_space<vmem>>
    tpu.enqueue_dma source(%dma_start3A_663 : memref<16x1024xf32, #tpu.memory_space<vmem>>) target(%dma_start3A_659 : memref<16x1024xf32, #tpu.memory_space<hbm>>) target_semaphore(%arg12 : memref<!tpu.dma_semaphore, #tpu.memory_space<semaphore_mem>>)
    %dma_wait3A_664 = arith.constant 0 : i32
    %dma_wait3A_665 = arith.constant 2 : i32
    %dma_wait3A_666 = arith.constant 0 : i32
    %dma_wait3A_667 = arith.constant 0 : i32
    %dma_wait3A_668 = tpu.memref_slice %arg7[%dma_wait3A_664, %dma_wait3A_666, %dma_wait3A_667] : memref<3x16x1024xf32, #tpu.memory_space<vmem>> -> memref<1x16x1024xf32, #tpu.memory_space<vmem>>
    %dma_wait3A_669 = tpu.memref_squeeze %dma_wait3A_668 : memref<1x16x1024xf32, #tpu.memory_space<vmem>> -> memref<16x1024xf32, #tpu.memory_space<vmem>>
    %dma_wait3A_670 = arith.constant 0 : i32
    %dma_wait3A_671 = tpu.memref_slice %arg5[%dma_wait3A_665, %add3A_647, %dma_wait3A_670] : memref<4x2048x1024xf32, #tpu.memory_space<hbm>> -> memref<1x16x1024xf32, #tpu.memory_space<hbm>>
    %dma_wait3A_672 = tpu.memref_squeeze %dma_wait3A_671 : memref<1x16x1024xf32, #tpu.memory_space<hbm>> -> memref<16x1024xf32, #tpu.memory_space<hbm>>
    %dma_wait3A_673 = arith.constant 0 : i32
    %dma_wait3A_674 = tpu.memref_slice %arg5[%dma_wait3A_665, %add3A_647, %dma_wait3A_673] : memref<4x2048x1024xf32, #tpu.memory_space<hbm>> -> memref<1x16x1024xf32, #tpu.memory_space<hbm>>
    %dma_wait3A_675 = tpu.memref_squeeze %dma_wait3A_674 : memref<1x16x1024xf32, #tpu.memory_space<hbm>> -> memref<16x1024xf32, #tpu.memory_space<hbm>>
    %dma_wait3A_676 = arith.constant 0 : i32
    %dma_wait3A_677 = arith.constant 0 : i32
    %dma_wait3A_678 = tpu.memref_slice %arg7[%dma_wait3A_664, %dma_wait3A_676, %dma_wait3A_677] : memref<3x16x1024xf32, #tpu.memory_space<vmem>> -> memref<1x16x1024xf32, #tpu.memory_space<vmem>>
    %dma_wait3A_679 = tpu.memref_squeeze %dma_wait3A_678 : memref<1x16x1024xf32, #tpu.memory_space<vmem>> -> memref<16x1024xf32, #tpu.memory_space<vmem>>
    tpu.wait_dma2 semaphore(%arg12 : memref<!tpu.dma_semaphore, #tpu.memory_space<semaphore_mem>>) src(%dma_wait3A_679 : memref<16x1024xf32, #tpu.memory_space<vmem>>) dst(%dma_wait3A_675 : memref<16x1024xf32, #tpu.memory_space<hbm>>)
    %dma_start3A_680 = arith.constant 0 : i32
    %dma_start3A_681 = arith.constant 0 : i32
    %dma_start3A_682 = arith.constant 0 : i32
    %dma_start3A_683 = tpu.memref_slice %arg7[%dma_start3A_680, %dma_start3A_681, %dma_start3A_682] : memref<3x16x1024xf32, #tpu.memory_space<vmem>> -> memref<1x16x1024xf32, #tpu.memory_space<vmem>>
    %dma_start3A_684 = tpu.memref_squeeze %dma_start3A_683 : memref<1x16x1024xf32, #tpu.memory_space<vmem>> -> memref<16x1024xf32, #tpu.memory_space<vmem>>
    %dma_start3A_685 = arith.constant 192 : i32
    %dma_start3A_686 = tpu.memref_slice %arg6[%dma_start3A_685] : memref<256xi32, #tpu.memory_space<vmem>> -> memref<16xi32, #tpu.memory_space<vmem>>
    %dma_start3A_687 = arith.constant 0 : i32
    %dma_start3A_688 = arith.constant 0 : i32
    %dma_start3A_689 = tpu.memref_slice %arg3[%dma_start3A_687, %dma_start3A_688] : memref<100000x1024xf32, #tpu.memory_space<hbm>> -> memref<100000x1024xf32, #tpu.memory_space<hbm>>
    tpu.enqueue_indirect_dma source(%dma_start3A_689 : memref<100000x1024xf32, #tpu.memory_space<hbm>>) target(%dma_start3A_684 : memref<16x1024xf32, #tpu.memory_space<vmem>>) offsets(%dma_start3A_686 : memref<16xi32, #tpu.memory_space<vmem>>) semaphore(%arg9 : memref<!tpu.dma_semaphore, #tpu.memory_space<semaphore_mem>>)
    %dma_wait3A_690 = arith.constant 1 : i32
    %dma_wait3A_691 = arith.constant 0 : i32
    %dma_wait3A_692 = arith.constant 0 : i32
    %dma_wait3A_693 = tpu.memref_slice %arg7[%dma_wait3A_690, %dma_wait3A_691, %dma_wait3A_692] : memref<3x16x1024xf32, #tpu.memory_space<vmem>> -> memref<1x16x1024xf32, #tpu.memory_space<vmem>>
    %dma_wait3A_694 = tpu.memref_squeeze %dma_wait3A_693 : memref<1x16x1024xf32, #tpu.memory_space<vmem>> -> memref<16x1024xf32, #tpu.memory_space<vmem>>
    %dma_wait3A_695 = arith.constant 160 : i32
    %dma_wait3A_696 = tpu.memref_slice %arg6[%dma_wait3A_695] : memref<256xi32, #tpu.memory_space<vmem>> -> memref<16xi32, #tpu.memory_space<vmem>>
    %dma_wait3A_697 = arith.constant 0 : i32
    %dma_wait3A_698 = arith.constant 0 : i32
    %dma_wait3A_699 = tpu.memref_slice %arg3[%dma_wait3A_697, %dma_wait3A_698] : memref<100000x1024xf32, #tpu.memory_space<hbm>> -> memref<100000x1024xf32, #tpu.memory_space<hbm>>
    tpu.wait_indirect_dma semaphore(%arg10 : memref<!tpu.dma_semaphore, #tpu.memory_space<semaphore_mem>>) src(%dma_wait3A_699 : memref<100000x1024xf32, #tpu.memory_space<hbm>>) dst(%dma_wait3A_694 : memref<16x1024xf32, #tpu.memory_space<vmem>>)
    %parallel_loop3A_700 = arith.constant 0 : i32
    %parallel_loop3A_701 = arith.constant 1024 : i32
    %parallel_loop3A_702 = arith.constant 1 : i32
    %parallel_loop3A_703 = arith.constant 1 : i32
    scf.for %parallel_loop3A_1008 = %parallel_loop3A_700 to %parallel_loop3A_701 step %parallel_loop3A_702  : i32 {
      %parallel_loop3A_1009 = arith.constant 6 : i32
      %parallel_loop3A_1010 = arith.shrsi %parallel_loop3A_1008, %parallel_loop3A_1009 : i32
      %parallel_loop3A_1011 = arith.constant 63 : i32
      %parallel_loop3A_1012 = arith.andi %parallel_loop3A_1008, %parallel_loop3A_1011 : i32
      %parallel_loop3A_1013 = arith.constant 4 : i32
      %parallel_loop3A_1014 = arith.shli %parallel_loop3A_1012, %parallel_loop3A_1013 : i32
      %parallel_loop3A_1015 = tpu.assume_multiple %parallel_loop3A_1014, 16 : i32
      %parallel_loop3A_1016 = arith.constant 32 : i32
      %parallel_loop3A_1017 = arith.addi %parallel_loop3A_1016, %parallel_loop3A_1010 : i32
      %parallel_loop3A_1018 = arith.index_cast %parallel_loop3A_1017 : i32 to index
      %parallel_loop3A_1019 = arith.index_cast %parallel_loop3A_1015 : i32 to index
      %parallel_loop3A_1020 = tpu.vector_load %arg8[%parallel_loop3A_1018, %parallel_loop3A_1019] {strides = array<i32>} : memref<64x1024xf32, #tpu.memory_space<vmem>>, vector<1x16xf32>,
      %parallel_loop3A_1021 = vector.shape_cast %parallel_loop3A_1020 : vector<1x16xf32> to vector<16xf32>
      %parallel_loop3A_1022 = arith.constant 0 : i32
      %parallel_loop3A_1023 = arith.constant 0 : i32
      %parallel_loop3A_1024 = tpu.memref_slice %arg7[%parallel_loop3A_703, %parallel_loop3A_1022, %parallel_loop3A_1023] : memref<3x16x1024xf32, #tpu.memory_space<vmem>> -> memref<1x16x1024xf32, #tpu.memory_space<vmem>>
      %parallel_loop3A_1025 = tpu.memref_squeeze %parallel_loop3A_1024 : memref<1x16x1024xf32, #tpu.memory_space<vmem>> -> memref<16x1024xf32, #tpu.memory_space<vmem>>
      %parallel_loop3A_1026 = arith.index_cast %parallel_loop3A_1010 : i32 to index
      %parallel_loop3A_1027 = arith.index_cast %parallel_loop3A_1015 : i32 to index
      %parallel_loop3A_1028 = tpu.vector_load %parallel_loop3A_1025[%parallel_loop3A_1026, %parallel_loop3A_1027] {strides = array<i32>} : memref<16x1024xf32, #tpu.memory_space<vmem>>, vector<1x16xf32>,
      %parallel_loop3A_1029 = vector.shape_cast %parallel_loop3A_1028 : vector<1x16xf32> to vector<16xf32>
      %parallel_loop3A_1030 = vector.shape_cast %parallel_loop3A_1021 : vector<16xf32> to vector<1x16xf32>
      tpu.vector_store %parallel_loop3A_1025[%parallel_loop3A_1026, %parallel_loop3A_1027], %parallel_loop3A_1030 {add = true, strides = array<i32>} : memref<16x1024xf32, #tpu.memory_space<vmem>>, vector<1x16xf32>,
    } {sc.loop_unroll_factor = 8 : i64, sc.parallel_access}
    %add3A_704 = arith.constant 32 : i32
    %add3A_705 = arith.addi %mul3A_2, %add3A_704 : i32
    %dma_start3A_706 = arith.constant 1 : i32
    %dma_start3A_707 = arith.constant 2 : i32
    %dma_start3A_708 = arith.constant 0 : i32
    %dma_start3A_709 = arith.constant 0 : i32
    %dma_start3A_710 = tpu.memref_slice %arg7[%dma_start3A_706, %dma_start3A_708, %dma_start3A_709] : memref<3x16x1024xf32, #tpu.memory_space<vmem>> -> memref<1x16x1024xf32, #tpu.memory_space<vmem>>
    %dma_start3A_711 = tpu.memref_squeeze %dma_start3A_710 : memref<1x16x1024xf32, #tpu.memory_space<vmem>> -> memref<16x1024xf32, #tpu.memory_space<vmem>>
    %dma_start3A_712 = arith.constant 0 : i32
    %dma_start3A_713 = tpu.memref_slice %arg5[%dma_start3A_707, %add3A_705, %dma_start3A_712] : memref<4x2048x1024xf32, #tpu.memory_space<hbm>> -> memref<1x16x1024xf32, #tpu.memory_space<hbm>>
    %dma_start3A_714 = tpu.memref_squeeze %dma_start3A_713 : memref<1x16x1024xf32, #tpu.memory_space<hbm>> -> memref<16x1024xf32, #tpu.memory_space<hbm>>
    %dma_start3A_715 = arith.constant 0 : i32
    %dma_start3A_716 = tpu.memref_slice %arg5[%dma_start3A_707, %add3A_705, %dma_start3A_715] : memref<4x2048x1024xf32, #tpu.memory_space<hbm>> -> memref<1x16x1024xf32, #tpu.memory_space<hbm>>
    %dma_start3A_717 = tpu.memref_squeeze %dma_start3A_716 : memref<1x16x1024xf32, #tpu.memory_space<hbm>> -> memref<16x1024xf32, #tpu.memory_space<hbm>>
    %dma_start3A_718 = arith.constant 0 : i32
    %dma_start3A_719 = arith.constant 0 : i32
    %dma_start3A_720 = tpu.memref_slice %arg7[%dma_start3A_706, %dma_start3A_718, %dma_start3A_719] : memref<3x16x1024xf32, #tpu.memory_space<vmem>> -> memref<1x16x1024xf32, #tpu.memory_space<vmem>>
    %dma_start3A_721 = tpu.memref_squeeze %dma_start3A_720 : memref<1x16x1024xf32, #tpu.memory_space<vmem>> -> memref<16x1024xf32, #tpu.memory_space<vmem>>
    tpu.enqueue_dma source(%dma_start3A_721 : memref<16x1024xf32, #tpu.memory_space<vmem>>) target(%dma_start3A_717 : memref<16x1024xf32, #tpu.memory_space<hbm>>) target_semaphore(%arg13 : memref<!tpu.dma_semaphore, #tpu.memory_space<semaphore_mem>>)
    %dma_wait3A_722 = arith.constant 1 : i32
    %dma_wait3A_723 = arith.constant 2 : i32
    %dma_wait3A_724 = arith.constant 0 : i32
    %dma_wait3A_725 = arith.constant 0 : i32
    %dma_wait3A_726 = tpu.memref_slice %arg7[%dma_wait3A_722, %dma_wait3A_724, %dma_wait3A_725] : memref<3x16x1024xf32, #tpu.memory_space<vmem>> -> memref<1x16x1024xf32, #tpu.memory_space<vmem>>
    %dma_wait3A_727 = tpu.memref_squeeze %dma_wait3A_726 : memref<1x16x1024xf32, #tpu.memory_space<vmem>> -> memref<16x1024xf32, #tpu.memory_space<vmem>>
    %dma_wait3A_728 = arith.constant 0 : i32
    %dma_wait3A_729 = tpu.memref_slice %arg5[%dma_wait3A_723, %add3A_705, %dma_wait3A_728] : memref<4x2048x1024xf32, #tpu.memory_space<hbm>> -> memref<1x16x1024xf32, #tpu.memory_space<hbm>>
    %dma_wait3A_730 = tpu.memref_squeeze %dma_wait3A_729 : memref<1x16x1024xf32, #tpu.memory_space<hbm>> -> memref<16x1024xf32, #tpu.memory_space<hbm>>
    %dma_wait3A_731 = arith.constant 0 : i32
    %dma_wait3A_732 = tpu.memref_slice %arg5[%dma_wait3A_723, %add3A_705, %dma_wait3A_731] : memref<4x2048x1024xf32, #tpu.memory_space<hbm>> -> memref<1x16x1024xf32, #tpu.memory_space<hbm>>
    %dma_wait3A_733 = tpu.memref_squeeze %dma_wait3A_732 : memref<1x16x1024xf32, #tpu.memory_space<hbm>> -> memref<16x1024xf32, #tpu.memory_space<hbm>>
    %dma_wait3A_734 = arith.constant 0 : i32
    %dma_wait3A_735 = arith.constant 0 : i32
    %dma_wait3A_736 = tpu.memref_slice %arg7[%dma_wait3A_722, %dma_wait3A_734, %dma_wait3A_735] : memref<3x16x1024xf32, #tpu.memory_space<vmem>> -> memref<1x16x1024xf32, #tpu.memory_space<vmem>>
    %dma_wait3A_737 = tpu.memref_squeeze %dma_wait3A_736 : memref<1x16x1024xf32, #tpu.memory_space<vmem>> -> memref<16x1024xf32, #tpu.memory_space<vmem>>
    tpu.wait_dma2 semaphore(%arg13 : memref<!tpu.dma_semaphore, #tpu.memory_space<semaphore_mem>>) src(%dma_wait3A_737 : memref<16x1024xf32, #tpu.memory_space<vmem>>) dst(%dma_wait3A_733 : memref<16x1024xf32, #tpu.memory_space<hbm>>)
    %dma_start3A_738 = arith.constant 1 : i32
    %dma_start3A_739 = arith.constant 0 : i32
    %dma_start3A_740 = arith.constant 0 : i32
    %dma_start3A_741 = tpu.memref_slice %arg7[%dma_start3A_738, %dma_start3A_739, %dma_start3A_740] : memref<3x16x1024xf32, #tpu.memory_space<vmem>> -> memref<1x16x1024xf32, #tpu.memory_space<vmem>>
    %dma_start3A_742 = tpu.memref_squeeze %dma_start3A_741 : memref<1x16x1024xf32, #tpu.memory_space<vmem>> -> memref<16x1024xf32, #tpu.memory_space<vmem>>
    %dma_start3A_743 = arith.constant 208 : i32
    %dma_start3A_744 = tpu.memref_slice %arg6[%dma_start3A_743] : memref<256xi32, #tpu.memory_space<vmem>> -> memref<16xi32, #tpu.memory_space<vmem>>
    %dma_start3A_745 = arith.constant 0 : i32
    %dma_start3A_746 = arith.constant 0 : i32
    %dma_start3A_747 = tpu.memref_slice %arg3[%dma_start3A_745, %dma_start3A_746] : memref<100000x1024xf32, #tpu.memory_space<hbm>> -> memref<100000x1024xf32, #tpu.memory_space<hbm>>
    tpu.enqueue_indirect_dma source(%dma_start3A_747 : memref<100000x1024xf32, #tpu.memory_space<hbm>>) target(%dma_start3A_742 : memref<16x1024xf32, #tpu.memory_space<vmem>>) offsets(%dma_start3A_744 : memref<16xi32, #tpu.memory_space<vmem>>) semaphore(%arg10 : memref<!tpu.dma_semaphore, #tpu.memory_space<semaphore_mem>>)
    %dma_wait3A_748 = arith.constant 2 : i32
    %dma_wait3A_749 = arith.constant 0 : i32
    %dma_wait3A_750 = arith.constant 0 : i32
    %dma_wait3A_751 = tpu.memref_slice %arg7[%dma_wait3A_748, %dma_wait3A_749, %dma_wait3A_750] : memref<3x16x1024xf32, #tpu.memory_space<vmem>> -> memref<1x16x1024xf32, #tpu.memory_space<vmem>>
    %dma_wait3A_752 = tpu.memref_squeeze %dma_wait3A_751 : memref<1x16x1024xf32, #tpu.memory_space<vmem>> -> memref<16x1024xf32, #tpu.memory_space<vmem>>
    %dma_wait3A_753 = arith.constant 176 : i32
    %dma_wait3A_754 = tpu.memref_slice %arg6[%dma_wait3A_753] : memref<256xi32, #tpu.memory_space<vmem>> -> memref<16xi32, #tpu.memory_space<vmem>>
    %dma_wait3A_755 = arith.constant 0 : i32
    %dma_wait3A_756 = arith.constant 0 : i32
    %dma_wait3A_757 = tpu.memref_slice %arg3[%dma_wait3A_755, %dma_wait3A_756] : memref<100000x1024xf32, #tpu.memory_space<hbm>> -> memref<100000x1024xf32, #tpu.memory_space<hbm>>
    tpu.wait_indirect_dma semaphore(%arg11 : memref<!tpu.dma_semaphore, #tpu.memory_space<semaphore_mem>>) src(%dma_wait3A_757 : memref<100000x1024xf32, #tpu.memory_space<hbm>>) dst(%dma_wait3A_752 : memref<16x1024xf32, #tpu.memory_space<vmem>>)
    %parallel_loop3A_758 = arith.constant 0 : i32
    %parallel_loop3A_759 = arith.constant 1024 : i32
    %parallel_loop3A_760 = arith.constant 1 : i32
    %parallel_loop3A_761 = arith.constant 2 : i32
    scf.for %parallel_loop3A_1008 = %parallel_loop3A_758 to %parallel_loop3A_759 step %parallel_loop3A_760  : i32 {
      %parallel_loop3A_1009 = arith.constant 6 : i32
      %parallel_loop3A_1010 = arith.shrsi %parallel_loop3A_1008, %parallel_loop3A_1009 : i32
      %parallel_loop3A_1011 = arith.constant 63 : i32
      %parallel_loop3A_1012 = arith.andi %parallel_loop3A_1008, %parallel_loop3A_1011 : i32
      %parallel_loop3A_1013 = arith.constant 4 : i32
      %parallel_loop3A_1014 = arith.shli %parallel_loop3A_1012, %parallel_loop3A_1013 : i32
      %parallel_loop3A_1015 = tpu.assume_multiple %parallel_loop3A_1014, 16 : i32
      %parallel_loop3A_1016 = arith.constant 48 : i32
      %parallel_loop3A_1017 = arith.addi %parallel_loop3A_1016, %parallel_loop3A_1010 : i32
      %parallel_loop3A_1018 = arith.index_cast %parallel_loop3A_1017 : i32 to index
      %parallel_loop3A_1019 = arith.index_cast %parallel_loop3A_1015 : i32 to index
      %parallel_loop3A_1020 = tpu.vector_load %arg8[%parallel_loop3A_1018, %parallel_loop3A_1019] {strides = array<i32>} : memref<64x1024xf32, #tpu.memory_space<vmem>>, vector<1x16xf32>,
      %parallel_loop3A_1021 = vector.shape_cast %parallel_loop3A_1020 : vector<1x16xf32> to vector<16xf32>
      %parallel_loop3A_1022 = arith.constant 0 : i32
      %parallel_loop3A_1023 = arith.constant 0 : i32
      %parallel_loop3A_1024 = tpu.memref_slice %arg7[%parallel_loop3A_761, %parallel_loop3A_1022, %parallel_loop3A_1023] : memref<3x16x1024xf32, #tpu.memory_space<vmem>> -> memref<1x16x1024xf32, #tpu.memory_space<vmem>>
      %parallel_loop3A_1025 = tpu.memref_squeeze %parallel_loop3A_1024 : memref<1x16x1024xf32, #tpu.memory_space<vmem>> -> memref<16x1024xf32, #tpu.memory_space<vmem>>
      %parallel_loop3A_1026 = arith.index_cast %parallel_loop3A_1010 : i32 to index
      %parallel_loop3A_1027 = arith.index_cast %parallel_loop3A_1015 : i32 to index
      %parallel_loop3A_1028 = tpu.vector_load %parallel_loop3A_1025[%parallel_loop3A_1026, %parallel_loop3A_1027] {strides = array<i32>} : memref<16x1024xf32, #tpu.memory_space<vmem>>, vector<1x16xf32>,
      %parallel_loop3A_1029 = vector.shape_cast %parallel_loop3A_1028 : vector<1x16xf32> to vector<16xf32>
      %parallel_loop3A_1030 = vector.shape_cast %parallel_loop3A_1021 : vector<16xf32> to vector<1x16xf32>
      tpu.vector_store %parallel_loop3A_1025[%parallel_loop3A_1026, %parallel_loop3A_1027], %parallel_loop3A_1030 {add = true, strides = array<i32>} : memref<16x1024xf32, #tpu.memory_space<vmem>>, vector<1x16xf32>,
    } {sc.loop_unroll_factor = 8 : i64, sc.parallel_access}
    %add3A_762 = arith.constant 48 : i32
    %add3A_763 = arith.addi %mul3A_2, %add3A_762 : i32
    %dma_start3A_764 = arith.constant 2 : i32
    %dma_start3A_765 = arith.constant 2 : i32
    %dma_start3A_766 = arith.constant 0 : i32
    %dma_start3A_767 = arith.constant 0 : i32
    %dma_start3A_768 = tpu.memref_slice %arg7[%dma_start3A_764, %dma_start3A_766, %dma_start3A_767] : memref<3x16x1024xf32, #tpu.memory_space<vmem>> -> memref<1x16x1024xf32, #tpu.memory_space<vmem>>
    %dma_start3A_769 = tpu.memref_squeeze %dma_start3A_768 : memref<1x16x1024xf32, #tpu.memory_space<vmem>> -> memref<16x1024xf32, #tpu.memory_space<vmem>>
    %dma_start3A_770 = arith.constant 0 : i32
    %dma_start3A_771 = tpu.memref_slice %arg5[%dma_start3A_765, %add3A_763, %dma_start3A_770] : memref<4x2048x1024xf32, #tpu.memory_space<hbm>> -> memref<1x16x1024xf32, #tpu.memory_space<hbm>>
    %dma_start3A_772 = tpu.memref_squeeze %dma_start3A_771 : memref<1x16x1024xf32, #tpu.memory_space<hbm>> -> memref<16x1024xf32, #tpu.memory_space<hbm>>
    %dma_start3A_773 = arith.constant 0 : i32
    %dma_start3A_774 = tpu.memref_slice %arg5[%dma_start3A_765, %add3A_763, %dma_start3A_773] : memref<4x2048x1024xf32, #tpu.memory_space<hbm>> -> memref<1x16x1024xf32, #tpu.memory_space<hbm>>
    %dma_start3A_775 = tpu.memref_squeeze %dma_start3A_774 : memref<1x16x1024xf32, #tpu.memory_space<hbm>> -> memref<16x1024xf32, #tpu.memory_space<hbm>>
    %dma_start3A_776 = arith.constant 0 : i32
    %dma_start3A_777 = arith.constant 0 : i32
    %dma_start3A_778 = tpu.memref_slice %arg7[%dma_start3A_764, %dma_start3A_776, %dma_start3A_777] : memref<3x16x1024xf32, #tpu.memory_space<vmem>> -> memref<1x16x1024xf32, #tpu.memory_space<vmem>>
    %dma_start3A_779 = tpu.memref_squeeze %dma_start3A_778 : memref<1x16x1024xf32, #tpu.memory_space<vmem>> -> memref<16x1024xf32, #tpu.memory_space<vmem>>
    tpu.enqueue_dma source(%dma_start3A_779 : memref<16x1024xf32, #tpu.memory_space<vmem>>) target(%dma_start3A_775 : memref<16x1024xf32, #tpu.memory_space<hbm>>) target_semaphore(%arg14 : memref<!tpu.dma_semaphore, #tpu.memory_space<semaphore_mem>>)
    %dma_wait3A_780 = arith.constant 2 : i32
    %dma_wait3A_781 = arith.constant 2 : i32
    %dma_wait3A_782 = arith.constant 0 : i32
    %dma_wait3A_783 = arith.constant 0 : i32
    %dma_wait3A_784 = tpu.memref_slice %arg7[%dma_wait3A_780, %dma_wait3A_782, %dma_wait3A_783] : memref<3x16x1024xf32, #tpu.memory_space<vmem>> -> memref<1x16x1024xf32, #tpu.memory_space<vmem>>
    %dma_wait3A_785 = tpu.memref_squeeze %dma_wait3A_784 : memref<1x16x1024xf32, #tpu.memory_space<vmem>> -> memref<16x1024xf32, #tpu.memory_space<vmem>>
    %dma_wait3A_786 = arith.constant 0 : i32
    %dma_wait3A_787 = tpu.memref_slice %arg5[%dma_wait3A_781, %add3A_763, %dma_wait3A_786] : memref<4x2048x1024xf32, #tpu.memory_space<hbm>> -> memref<1x16x1024xf32, #tpu.memory_space<hbm>>
    %dma_wait3A_788 = tpu.memref_squeeze %dma_wait3A_787 : memref<1x16x1024xf32, #tpu.memory_space<hbm>> -> memref<16x1024xf32, #tpu.memory_space<hbm>>
    %dma_wait3A_789 = arith.constant 0 : i32
    %dma_wait3A_790 = tpu.memref_slice %arg5[%dma_wait3A_781, %add3A_763, %dma_wait3A_789] : memref<4x2048x1024xf32, #tpu.memory_space<hbm>> -> memref<1x16x1024xf32, #tpu.memory_space<hbm>>
    %dma_wait3A_791 = tpu.memref_squeeze %dma_wait3A_790 : memref<1x16x1024xf32, #tpu.memory_space<hbm>> -> memref<16x1024xf32, #tpu.memory_space<hbm>>
    %dma_wait3A_792 = arith.constant 0 : i32
    %dma_wait3A_793 = arith.constant 0 : i32
    %dma_wait3A_794 = tpu.memref_slice %arg7[%dma_wait3A_780, %dma_wait3A_792, %dma_wait3A_793] : memref<3x16x1024xf32, #tpu.memory_space<vmem>> -> memref<1x16x1024xf32, #tpu.memory_space<vmem>>
    %dma_wait3A_795 = tpu.memref_squeeze %dma_wait3A_794 : memref<1x16x1024xf32, #tpu.memory_space<vmem>> -> memref<16x1024xf32, #tpu.memory_space<vmem>>
    tpu.wait_dma2 semaphore(%arg14 : memref<!tpu.dma_semaphore, #tpu.memory_space<semaphore_mem>>) src(%dma_wait3A_795 : memref<16x1024xf32, #tpu.memory_space<vmem>>) dst(%dma_wait3A_791 : memref<16x1024xf32, #tpu.memory_space<hbm>>)
    %dma_start3A_796 = arith.constant 2 : i32
    %dma_start3A_797 = arith.constant 0 : i32
    %dma_start3A_798 = arith.constant 0 : i32
    %dma_start3A_799 = tpu.memref_slice %arg7[%dma_start3A_796, %dma_start3A_797, %dma_start3A_798] : memref<3x16x1024xf32, #tpu.memory_space<vmem>> -> memref<1x16x1024xf32, #tpu.memory_space<vmem>>
    %dma_start3A_800 = tpu.memref_squeeze %dma_start3A_799 : memref<1x16x1024xf32, #tpu.memory_space<vmem>> -> memref<16x1024xf32, #tpu.memory_space<vmem>>
    %dma_start3A_801 = arith.constant 224 : i32
    %dma_start3A_802 = tpu.memref_slice %arg6[%dma_start3A_801] : memref<256xi32, #tpu.memory_space<vmem>> -> memref<16xi32, #tpu.memory_space<vmem>>
    %dma_start3A_803 = arith.constant 0 : i32
    %dma_start3A_804 = arith.constant 0 : i32
    %dma_start3A_805 = tpu.memref_slice %arg3[%dma_start3A_803, %dma_start3A_804] : memref<100000x1024xf32, #tpu.memory_space<hbm>> -> memref<100000x1024xf32, #tpu.memory_space<hbm>>
    tpu.enqueue_indirect_dma source(%dma_start3A_805 : memref<100000x1024xf32, #tpu.memory_space<hbm>>) target(%dma_start3A_800 : memref<16x1024xf32, #tpu.memory_space<vmem>>) offsets(%dma_start3A_802 : memref<16xi32, #tpu.memory_space<vmem>>) semaphore(%arg11 : memref<!tpu.dma_semaphore, #tpu.memory_space<semaphore_mem>>)
    %dma_wait3A_806 = arith.constant 0 : i32
    %dma_wait3A_807 = arith.constant 0 : i32
    %dma_wait3A_808 = arith.constant 0 : i32
    %dma_wait3A_809 = tpu.memref_slice %arg7[%dma_wait3A_806, %dma_wait3A_807, %dma_wait3A_808] : memref<3x16x1024xf32, #tpu.memory_space<vmem>> -> memref<1x16x1024xf32, #tpu.memory_space<vmem>>
    %dma_wait3A_810 = tpu.memref_squeeze %dma_wait3A_809 : memref<1x16x1024xf32, #tpu.memory_space<vmem>> -> memref<16x1024xf32, #tpu.memory_space<vmem>>
    %dma_wait3A_811 = arith.constant 192 : i32
    %dma_wait3A_812 = tpu.memref_slice %arg6[%dma_wait3A_811] : memref<256xi32, #tpu.memory_space<vmem>> -> memref<16xi32, #tpu.memory_space<vmem>>
    %dma_wait3A_813 = arith.constant 0 : i32
    %dma_wait3A_814 = arith.constant 0 : i32
    %dma_wait3A_815 = tpu.memref_slice %arg3[%dma_wait3A_813, %dma_wait3A_814] : memref<100000x1024xf32, #tpu.memory_space<hbm>> -> memref<100000x1024xf32, #tpu.memory_space<hbm>>
    tpu.wait_indirect_dma semaphore(%arg9 : memref<!tpu.dma_semaphore, #tpu.memory_space<semaphore_mem>>) src(%dma_wait3A_815 : memref<100000x1024xf32, #tpu.memory_space<hbm>>) dst(%dma_wait3A_810 : memref<16x1024xf32, #tpu.memory_space<vmem>>)
    %parallel_loop3A_816 = arith.constant 0 : i32
    %parallel_loop3A_817 = arith.constant 1024 : i32
    %parallel_loop3A_818 = arith.constant 1 : i32
    %parallel_loop3A_819 = arith.constant 0 : i32
    scf.for %parallel_loop3A_1008 = %parallel_loop3A_816 to %parallel_loop3A_817 step %parallel_loop3A_818  : i32 {
      %parallel_loop3A_1009 = arith.constant 6 : i32
      %parallel_loop3A_1010 = arith.shrsi %parallel_loop3A_1008, %parallel_loop3A_1009 : i32
      %parallel_loop3A_1011 = arith.constant 63 : i32
      %parallel_loop3A_1012 = arith.andi %parallel_loop3A_1008, %parallel_loop3A_1011 : i32
      %parallel_loop3A_1013 = arith.constant 4 : i32
      %parallel_loop3A_1014 = arith.shli %parallel_loop3A_1012, %parallel_loop3A_1013 : i32
      %parallel_loop3A_1015 = tpu.assume_multiple %parallel_loop3A_1014, 16 : i32
      %parallel_loop3A_1016 = arith.constant 0 : i32
      %parallel_loop3A_1017 = arith.addi %parallel_loop3A_1016, %parallel_loop3A_1010 : i32
      %parallel_loop3A_1018 = arith.index_cast %parallel_loop3A_1017 : i32 to index
      %parallel_loop3A_1019 = arith.index_cast %parallel_loop3A_1015 : i32 to index
      %parallel_loop3A_1020 = tpu.vector_load %arg8[%parallel_loop3A_1018, %parallel_loop3A_1019] {strides = array<i32>} : memref<64x1024xf32, #tpu.memory_space<vmem>>, vector<1x16xf32>,
      %parallel_loop3A_1021 = vector.shape_cast %parallel_loop3A_1020 : vector<1x16xf32> to vector<16xf32>
      %parallel_loop3A_1022 = arith.constant 0 : i32
      %parallel_loop3A_1023 = arith.constant 0 : i32
      %parallel_loop3A_1024 = tpu.memref_slice %arg7[%parallel_loop3A_819, %parallel_loop3A_1022, %parallel_loop3A_1023] : memref<3x16x1024xf32, #tpu.memory_space<vmem>> -> memref<1x16x1024xf32, #tpu.memory_space<vmem>>
      %parallel_loop3A_1025 = tpu.memref_squeeze %parallel_loop3A_1024 : memref<1x16x1024xf32, #tpu.memory_space<vmem>> -> memref<16x1024xf32, #tpu.memory_space<vmem>>
      %parallel_loop3A_1026 = arith.index_cast %parallel_loop3A_1010 : i32 to index
      %parallel_loop3A_1027 = arith.index_cast %parallel_loop3A_1015 : i32 to index
      %parallel_loop3A_1028 = tpu.vector_load %parallel_loop3A_1025[%parallel_loop3A_1026, %parallel_loop3A_1027] {strides = array<i32>} : memref<16x1024xf32, #tpu.memory_space<vmem>>, vector<1x16xf32>,
      %parallel_loop3A_1029 = vector.shape_cast %parallel_loop3A_1028 : vector<1x16xf32> to vector<16xf32>
      %parallel_loop3A_1030 = vector.shape_cast %parallel_loop3A_1021 : vector<16xf32> to vector<1x16xf32>
      tpu.vector_store %parallel_loop3A_1025[%parallel_loop3A_1026, %parallel_loop3A_1027], %parallel_loop3A_1030 {add = true, strides = array<i32>} : memref<16x1024xf32, #tpu.memory_space<vmem>>, vector<1x16xf32>,
    } {sc.loop_unroll_factor = 8 : i64, sc.parallel_access}
    %add3A_820 = arith.constant 0 : i32
    %add3A_821 = arith.addi %mul3A_2, %add3A_820 : i32
    %dma_start3A_822 = arith.constant 0 : i32
    %dma_start3A_823 = arith.constant 3 : i32
    %dma_start3A_824 = arith.constant 0 : i32
    %dma_start3A_825 = arith.constant 0 : i32
    %dma_start3A_826 = tpu.memref_slice %arg7[%dma_start3A_822, %dma_start3A_824, %dma_start3A_825] : memref<3x16x1024xf32, #tpu.memory_space<vmem>> -> memref<1x16x1024xf32, #tpu.memory_space<vmem>>
    %dma_start3A_827 = tpu.memref_squeeze %dma_start3A_826 : memref<1x16x1024xf32, #tpu.memory_space<vmem>> -> memref<16x1024xf32, #tpu.memory_space<vmem>>
    %dma_start3A_828 = arith.constant 0 : i32
    %dma_start3A_829 = tpu.memref_slice %arg5[%dma_start3A_823, %add3A_821, %dma_start3A_828] : memref<4x2048x1024xf32, #tpu.memory_space<hbm>> -> memref<1x16x1024xf32, #tpu.memory_space<hbm>>
    %dma_start3A_830 = tpu.memref_squeeze %dma_start3A_829 : memref<1x16x1024xf32, #tpu.memory_space<hbm>> -> memref<16x1024xf32, #tpu.memory_space<hbm>>
    %dma_start3A_831 = arith.constant 0 : i32
    %dma_start3A_832 = tpu.memref_slice %arg5[%dma_start3A_823, %add3A_821, %dma_start3A_831] : memref<4x2048x1024xf32, #tpu.memory_space<hbm>> -> memref<1x16x1024xf32, #tpu.memory_space<hbm>>
    %dma_start3A_833 = tpu.memref_squeeze %dma_start3A_832 : memref<1x16x1024xf32, #tpu.memory_space<hbm>> -> memref<16x1024xf32, #tpu.memory_space<hbm>>
    %dma_start3A_834 = arith.constant 0 : i32
    %dma_start3A_835 = arith.constant 0 : i32
    %dma_start3A_836 = tpu.memref_slice %arg7[%dma_start3A_822, %dma_start3A_834, %dma_start3A_835] : memref<3x16x1024xf32, #tpu.memory_space<vmem>> -> memref<1x16x1024xf32, #tpu.memory_space<vmem>>
    %dma_start3A_837 = tpu.memref_squeeze %dma_start3A_836 : memref<1x16x1024xf32, #tpu.memory_space<vmem>> -> memref<16x1024xf32, #tpu.memory_space<vmem>>
    tpu.enqueue_dma source(%dma_start3A_837 : memref<16x1024xf32, #tpu.memory_space<vmem>>) target(%dma_start3A_833 : memref<16x1024xf32, #tpu.memory_space<hbm>>) target_semaphore(%arg12 : memref<!tpu.dma_semaphore, #tpu.memory_space<semaphore_mem>>)
    %dma_wait3A_838 = arith.constant 0 : i32
    %dma_wait3A_839 = arith.constant 3 : i32
    %dma_wait3A_840 = arith.constant 0 : i32
    %dma_wait3A_841 = arith.constant 0 : i32
    %dma_wait3A_842 = tpu.memref_slice %arg7[%dma_wait3A_838, %dma_wait3A_840, %dma_wait3A_841] : memref<3x16x1024xf32, #tpu.memory_space<vmem>> -> memref<1x16x1024xf32, #tpu.memory_space<vmem>>
    %dma_wait3A_843 = tpu.memref_squeeze %dma_wait3A_842 : memref<1x16x1024xf32, #tpu.memory_space<vmem>> -> memref<16x1024xf32, #tpu.memory_space<vmem>>
    %dma_wait3A_844 = arith.constant 0 : i32
    %dma_wait3A_845 = tpu.memref_slice %arg5[%dma_wait3A_839, %add3A_821, %dma_wait3A_844] : memref<4x2048x1024xf32, #tpu.memory_space<hbm>> -> memref<1x16x1024xf32, #tpu.memory_space<hbm>>
    %dma_wait3A_846 = tpu.memref_squeeze %dma_wait3A_845 : memref<1x16x1024xf32, #tpu.memory_space<hbm>> -> memref<16x1024xf32, #tpu.memory_space<hbm>>
    %dma_wait3A_847 = arith.constant 0 : i32
    %dma_wait3A_848 = tpu.memref_slice %arg5[%dma_wait3A_839, %add3A_821, %dma_wait3A_847] : memref<4x2048x1024xf32, #tpu.memory_space<hbm>> -> memref<1x16x1024xf32, #tpu.memory_space<hbm>>
    %dma_wait3A_849 = tpu.memref_squeeze %dma_wait3A_848 : memref<1x16x1024xf32, #tpu.memory_space<hbm>> -> memref<16x1024xf32, #tpu.memory_space<hbm>>
    %dma_wait3A_850 = arith.constant 0 : i32
    %dma_wait3A_851 = arith.constant 0 : i32
    %dma_wait3A_852 = tpu.memref_slice %arg7[%dma_wait3A_838, %dma_wait3A_850, %dma_wait3A_851] : memref<3x16x1024xf32, #tpu.memory_space<vmem>> -> memref<1x16x1024xf32, #tpu.memory_space<vmem>>
    %dma_wait3A_853 = tpu.memref_squeeze %dma_wait3A_852 : memref<1x16x1024xf32, #tpu.memory_space<vmem>> -> memref<16x1024xf32, #tpu.memory_space<vmem>>
    tpu.wait_dma2 semaphore(%arg12 : memref<!tpu.dma_semaphore, #tpu.memory_space<semaphore_mem>>) src(%dma_wait3A_853 : memref<16x1024xf32, #tpu.memory_space<vmem>>) dst(%dma_wait3A_849 : memref<16x1024xf32, #tpu.memory_space<hbm>>)
    %dma_start3A_854 = arith.constant 0 : i32
    %dma_start3A_855 = arith.constant 0 : i32
    %dma_start3A_856 = arith.constant 0 : i32
    %dma_start3A_857 = tpu.memref_slice %arg7[%dma_start3A_854, %dma_start3A_855, %dma_start3A_856] : memref<3x16x1024xf32, #tpu.memory_space<vmem>> -> memref<1x16x1024xf32, #tpu.memory_space<vmem>>
    %dma_start3A_858 = tpu.memref_squeeze %dma_start3A_857 : memref<1x16x1024xf32, #tpu.memory_space<vmem>> -> memref<16x1024xf32, #tpu.memory_space<vmem>>
    %dma_start3A_859 = arith.constant 240 : i32
    %dma_start3A_860 = tpu.memref_slice %arg6[%dma_start3A_859] : memref<256xi32, #tpu.memory_space<vmem>> -> memref<16xi32, #tpu.memory_space<vmem>>
    %dma_start3A_861 = arith.constant 0 : i32
    %dma_start3A_862 = arith.constant 0 : i32
    %dma_start3A_863 = tpu.memref_slice %arg3[%dma_start3A_861, %dma_start3A_862] : memref<100000x1024xf32, #tpu.memory_space<hbm>> -> memref<100000x1024xf32, #tpu.memory_space<hbm>>
    tpu.enqueue_indirect_dma source(%dma_start3A_863 : memref<100000x1024xf32, #tpu.memory_space<hbm>>) target(%dma_start3A_858 : memref<16x1024xf32, #tpu.memory_space<vmem>>) offsets(%dma_start3A_860 : memref<16xi32, #tpu.memory_space<vmem>>) semaphore(%arg9 : memref<!tpu.dma_semaphore, #tpu.memory_space<semaphore_mem>>)
    %dma_wait3A_864 = arith.constant 1 : i32
    %dma_wait3A_865 = arith.constant 0 : i32
    %dma_wait3A_866 = arith.constant 0 : i32
    %dma_wait3A_867 = tpu.memref_slice %arg7[%dma_wait3A_864, %dma_wait3A_865, %dma_wait3A_866] : memref<3x16x1024xf32, #tpu.memory_space<vmem>> -> memref<1x16x1024xf32, #tpu.memory_space<vmem>>
    %dma_wait3A_868 = tpu.memref_squeeze %dma_wait3A_867 : memref<1x16x1024xf32, #tpu.memory_space<vmem>> -> memref<16x1024xf32, #tpu.memory_space<vmem>>
    %dma_wait3A_869 = arith.constant 208 : i32
    %dma_wait3A_870 = tpu.memref_slice %arg6[%dma_wait3A_869] : memref<256xi32, #tpu.memory_space<vmem>> -> memref<16xi32, #tpu.memory_space<vmem>>
    %dma_wait3A_871 = arith.constant 0 : i32
    %dma_wait3A_872 = arith.constant 0 : i32
    %dma_wait3A_873 = tpu.memref_slice %arg3[%dma_wait3A_871, %dma_wait3A_872] : memref<100000x1024xf32, #tpu.memory_space<hbm>> -> memref<100000x1024xf32, #tpu.memory_space<hbm>>
    tpu.wait_indirect_dma semaphore(%arg10 : memref<!tpu.dma_semaphore, #tpu.memory_space<semaphore_mem>>) src(%dma_wait3A_873 : memref<100000x1024xf32, #tpu.memory_space<hbm>>) dst(%dma_wait3A_868 : memref<16x1024xf32, #tpu.memory_space<vmem>>)
    %parallel_loop3A_874 = arith.constant 0 : i32
    %parallel_loop3A_875 = arith.constant 1024 : i32
    %parallel_loop3A_876 = arith.constant 1 : i32
    %parallel_loop3A_877 = arith.constant 1 : i32
    scf.for %parallel_loop3A_1008 = %parallel_loop3A_874 to %parallel_loop3A_875 step %parallel_loop3A_876  : i32 {
      %parallel_loop3A_1009 = arith.constant 6 : i32
      %parallel_loop3A_1010 = arith.shrsi %parallel_loop3A_1008, %parallel_loop3A_1009 : i32
      %parallel_loop3A_1011 = arith.constant 63 : i32
      %parallel_loop3A_1012 = arith.andi %parallel_loop3A_1008, %parallel_loop3A_1011 : i32
      %parallel_loop3A_1013 = arith.constant 4 : i32
      %parallel_loop3A_1014 = arith.shli %parallel_loop3A_1012, %parallel_loop3A_1013 : i32
      %parallel_loop3A_1015 = tpu.assume_multiple %parallel_loop3A_1014, 16 : i32
      %parallel_loop3A_1016 = arith.constant 16 : i32
      %parallel_loop3A_1017 = arith.addi %parallel_loop3A_1016, %parallel_loop3A_1010 : i32
      %parallel_loop3A_1018 = arith.index_cast %parallel_loop3A_1017 : i32 to index
      %parallel_loop3A_1019 = arith.index_cast %parallel_loop3A_1015 : i32 to index
      %parallel_loop3A_1020 = tpu.vector_load %arg8[%parallel_loop3A_1018, %parallel_loop3A_1019] {strides = array<i32>} : memref<64x1024xf32, #tpu.memory_space<vmem>>, vector<1x16xf32>,
      %parallel_loop3A_1021 = vector.shape_cast %parallel_loop3A_1020 : vector<1x16xf32> to vector<16xf32>
      %parallel_loop3A_1022 = arith.constant 0 : i32
      %parallel_loop3A_1023 = arith.constant 0 : i32
      %parallel_loop3A_1024 = tpu.memref_slice %arg7[%parallel_loop3A_877, %parallel_loop3A_1022, %parallel_loop3A_1023] : memref<3x16x1024xf32, #tpu.memory_space<vmem>> -> memref<1x16x1024xf32, #tpu.memory_space<vmem>>
      %parallel_loop3A_1025 = tpu.memref_squeeze %parallel_loop3A_1024 : memref<1x16x1024xf32, #tpu.memory_space<vmem>> -> memref<16x1024xf32, #tpu.memory_space<vmem>>
      %parallel_loop3A_1026 = arith.index_cast %parallel_loop3A_1010 : i32 to index
      %parallel_loop3A_1027 = arith.index_cast %parallel_loop3A_1015 : i32 to index
      %parallel_loop3A_1028 = tpu.vector_load %parallel_loop3A_1025[%parallel_loop3A_1026, %parallel_loop3A_1027] {strides = array<i32>} : memref<16x1024xf32, #tpu.memory_space<vmem>>, vector<1x16xf32>,
      %parallel_loop3A_1029 = vector.shape_cast %parallel_loop3A_1028 : vector<1x16xf32> to vector<16xf32>
      %parallel_loop3A_1030 = vector.shape_cast %parallel_loop3A_1021 : vector<16xf32> to vector<1x16xf32>
      tpu.vector_store %parallel_loop3A_1025[%parallel_loop3A_1026, %parallel_loop3A_1027], %parallel_loop3A_1030 {add = true, strides = array<i32>} : memref<16x1024xf32, #tpu.memory_space<vmem>>, vector<1x16xf32>,
    } {sc.loop_unroll_factor = 8 : i64, sc.parallel_access}
    %add3A_878 = arith.constant 16 : i32
    %add3A_879 = arith.addi %mul3A_2, %add3A_878 : i32
    %dma_start3A_880 = arith.constant 1 : i32
    %dma_start3A_881 = arith.constant 3 : i32
    %dma_start3A_882 = arith.constant 0 : i32
    %dma_start3A_883 = arith.constant 0 : i32
    %dma_start3A_884 = tpu.memref_slice %arg7[%dma_start3A_880, %dma_start3A_882, %dma_start3A_883] : memref<3x16x1024xf32, #tpu.memory_space<vmem>> -> memref<1x16x1024xf32, #tpu.memory_space<vmem>>
    %dma_start3A_885 = tpu.memref_squeeze %dma_start3A_884 : memref<1x16x1024xf32, #tpu.memory_space<vmem>> -> memref<16x1024xf32, #tpu.memory_space<vmem>>
    %dma_start3A_886 = arith.constant 0 : i32
    %dma_start3A_887 = tpu.memref_slice %arg5[%dma_start3A_881, %add3A_879, %dma_start3A_886] : memref<4x2048x1024xf32, #tpu.memory_space<hbm>> -> memref<1x16x1024xf32, #tpu.memory_space<hbm>>
    %dma_start3A_888 = tpu.memref_squeeze %dma_start3A_887 : memref<1x16x1024xf32, #tpu.memory_space<hbm>> -> memref<16x1024xf32, #tpu.memory_space<hbm>>
    %dma_start3A_889 = arith.constant 0 : i32
    %dma_start3A_890 = tpu.memref_slice %arg5[%dma_start3A_881, %add3A_879, %dma_start3A_889] : memref<4x2048x1024xf32, #tpu.memory_space<hbm>> -> memref<1x16x1024xf32, #tpu.memory_space<hbm>>
    %dma_start3A_891 = tpu.memref_squeeze %dma_start3A_890 : memref<1x16x1024xf32, #tpu.memory_space<hbm>> -> memref<16x1024xf32, #tpu.memory_space<hbm>>
    %dma_start3A_892 = arith.constant 0 : i32
    %dma_start3A_893 = arith.constant 0 : i32
    %dma_start3A_894 = tpu.memref_slice %arg7[%dma_start3A_880, %dma_start3A_892, %dma_start3A_893] : memref<3x16x1024xf32, #tpu.memory_space<vmem>> -> memref<1x16x1024xf32, #tpu.memory_space<vmem>>
    %dma_start3A_895 = tpu.memref_squeeze %dma_start3A_894 : memref<1x16x1024xf32, #tpu.memory_space<vmem>> -> memref<16x1024xf32, #tpu.memory_space<vmem>>
    tpu.enqueue_dma source(%dma_start3A_895 : memref<16x1024xf32, #tpu.memory_space<vmem>>) target(%dma_start3A_891 : memref<16x1024xf32, #tpu.memory_space<hbm>>) target_semaphore(%arg13 : memref<!tpu.dma_semaphore, #tpu.memory_space<semaphore_mem>>)
    %dma_wait3A_896 = arith.constant 2 : i32
    %dma_wait3A_897 = arith.constant 0 : i32
    %dma_wait3A_898 = arith.constant 0 : i32
    %dma_wait3A_899 = tpu.memref_slice %arg7[%dma_wait3A_896, %dma_wait3A_897, %dma_wait3A_898] : memref<3x16x1024xf32, #tpu.memory_space<vmem>> -> memref<1x16x1024xf32, #tpu.memory_space<vmem>>
    %dma_wait3A_900 = tpu.memref_squeeze %dma_wait3A_899 : memref<1x16x1024xf32, #tpu.memory_space<vmem>> -> memref<16x1024xf32, #tpu.memory_space<vmem>>
    %dma_wait3A_901 = arith.constant 224 : i32
    %dma_wait3A_902 = tpu.memref_slice %arg6[%dma_wait3A_901] : memref<256xi32, #tpu.memory_space<vmem>> -> memref<16xi32, #tpu.memory_space<vmem>>
    %dma_wait3A_903 = arith.constant 0 : i32
    %dma_wait3A_904 = arith.constant 0 : i32
    %dma_wait3A_905 = tpu.memref_slice %arg3[%dma_wait3A_903, %dma_wait3A_904] : memref<100000x1024xf32, #tpu.memory_space<hbm>> -> memref<100000x1024xf32, #tpu.memory_space<hbm>>
    tpu.wait_indirect_dma semaphore(%arg11 : memref<!tpu.dma_semaphore, #tpu.memory_space<semaphore_mem>>) src(%dma_wait3A_905 : memref<100000x1024xf32, #tpu.memory_space<hbm>>) dst(%dma_wait3A_900 : memref<16x1024xf32, #tpu.memory_space<vmem>>)
    %parallel_loop3A_906 = arith.constant 0 : i32
    %parallel_loop3A_907 = arith.constant 1024 : i32
    %parallel_loop3A_908 = arith.constant 1 : i32
    %parallel_loop3A_909 = arith.constant 2 : i32
    scf.for %parallel_loop3A_1008 = %parallel_loop3A_906 to %parallel_loop3A_907 step %parallel_loop3A_908  : i32 {
      %parallel_loop3A_1009 = arith.constant 6 : i32
      %parallel_loop3A_1010 = arith.shrsi %parallel_loop3A_1008, %parallel_loop3A_1009 : i32
      %parallel_loop3A_1011 = arith.constant 63 : i32
      %parallel_loop3A_1012 = arith.andi %parallel_loop3A_1008, %parallel_loop3A_1011 : i32
      %parallel_loop3A_1013 = arith.constant 4 : i32
      %parallel_loop3A_1014 = arith.shli %parallel_loop3A_1012, %parallel_loop3A_1013 : i32
      %parallel_loop3A_1015 = tpu.assume_multiple %parallel_loop3A_1014, 16 : i32
      %parallel_loop3A_1016 = arith.constant 32 : i32
      %parallel_loop3A_1017 = arith.addi %parallel_loop3A_1016, %parallel_loop3A_1010 : i32
      %parallel_loop3A_1018 = arith.index_cast %parallel_loop3A_1017 : i32 to index
      %parallel_loop3A_1019 = arith.index_cast %parallel_loop3A_1015 : i32 to index
      %parallel_loop3A_1020 = tpu.vector_load %arg8[%parallel_loop3A_1018, %parallel_loop3A_1019] {strides = array<i32>} : memref<64x1024xf32, #tpu.memory_space<vmem>>, vector<1x16xf32>,
      %parallel_loop3A_1021 = vector.shape_cast %parallel_loop3A_1020 : vector<1x16xf32> to vector<16xf32>
      %parallel_loop3A_1022 = arith.constant 0 : i32
      %parallel_loop3A_1023 = arith.constant 0 : i32
      %parallel_loop3A_1024 = tpu.memref_slice %arg7[%parallel_loop3A_909, %parallel_loop3A_1022, %parallel_loop3A_1023] : memref<3x16x1024xf32, #tpu.memory_space<vmem>> -> memref<1x16x1024xf32, #tpu.memory_space<vmem>>
      %parallel_loop3A_1025 = tpu.memref_squeeze %parallel_loop3A_1024 : memref<1x16x1024xf32, #tpu.memory_space<vmem>> -> memref<16x1024xf32, #tpu.memory_space<vmem>>
      %parallel_loop3A_1026 = arith.index_cast %parallel_loop3A_1010 : i32 to index
      %parallel_loop3A_1027 = arith.index_cast %parallel_loop3A_1015 : i32 to index
      %parallel_loop3A_1028 = tpu.vector_load %parallel_loop3A_1025[%parallel_loop3A_1026, %parallel_loop3A_1027] {strides = array<i32>} : memref<16x1024xf32, #tpu.memory_space<vmem>>, vector<1x16xf32>,
      %parallel_loop3A_1029 = vector.shape_cast %parallel_loop3A_1028 : vector<1x16xf32> to vector<16xf32>
      %parallel_loop3A_1030 = vector.shape_cast %parallel_loop3A_1021 : vector<16xf32> to vector<1x16xf32>
      tpu.vector_store %parallel_loop3A_1025[%parallel_loop3A_1026, %parallel_loop3A_1027], %parallel_loop3A_1030 {add = true, strides = array<i32>} : memref<16x1024xf32, #tpu.memory_space<vmem>>, vector<1x16xf32>,
    } {sc.loop_unroll_factor = 8 : i64, sc.parallel_access}
    %add3A_910 = arith.constant 32 : i32
    %add3A_911 = arith.addi %mul3A_2, %add3A_910 : i32
    %dma_start3A_912 = arith.constant 2 : i32
    %dma_start3A_913 = arith.constant 3 : i32
    %dma_start3A_914 = arith.constant 0 : i32
    %dma_start3A_915 = arith.constant 0 : i32
    %dma_start3A_916 = tpu.memref_slice %arg7[%dma_start3A_912, %dma_start3A_914, %dma_start3A_915] : memref<3x16x1024xf32, #tpu.memory_space<vmem>> -> memref<1x16x1024xf32, #tpu.memory_space<vmem>>
    %dma_start3A_917 = tpu.memref_squeeze %dma_start3A_916 : memref<1x16x1024xf32, #tpu.memory_space<vmem>> -> memref<16x1024xf32, #tpu.memory_space<vmem>>
    %dma_start3A_918 = arith.constant 0 : i32
    %dma_start3A_919 = tpu.memref_slice %arg5[%dma_start3A_913, %add3A_911, %dma_start3A_918] : memref<4x2048x1024xf32, #tpu.memory_space<hbm>> -> memref<1x16x1024xf32, #tpu.memory_space<hbm>>
    %dma_start3A_920 = tpu.memref_squeeze %dma_start3A_919 : memref<1x16x1024xf32, #tpu.memory_space<hbm>> -> memref<16x1024xf32, #tpu.memory_space<hbm>>
    %dma_start3A_921 = arith.constant 0 : i32
    %dma_start3A_922 = tpu.memref_slice %arg5[%dma_start3A_913, %add3A_911, %dma_start3A_921] : memref<4x2048x1024xf32, #tpu.memory_space<hbm>> -> memref<1x16x1024xf32, #tpu.memory_space<hbm>>
    %dma_start3A_923 = tpu.memref_squeeze %dma_start3A_922 : memref<1x16x1024xf32, #tpu.memory_space<hbm>> -> memref<16x1024xf32, #tpu.memory_space<hbm>>
    %dma_start3A_924 = arith.constant 0 : i32
    %dma_start3A_925 = arith.constant 0 : i32
    %dma_start3A_926 = tpu.memref_slice %arg7[%dma_start3A_912, %dma_start3A_924, %dma_start3A_925] : memref<3x16x1024xf32, #tpu.memory_space<vmem>> -> memref<1x16x1024xf32, #tpu.memory_space<vmem>>
    %dma_start3A_927 = tpu.memref_squeeze %dma_start3A_926 : memref<1x16x1024xf32, #tpu.memory_space<vmem>> -> memref<16x1024xf32, #tpu.memory_space<vmem>>
    tpu.enqueue_dma source(%dma_start3A_927 : memref<16x1024xf32, #tpu.memory_space<vmem>>) target(%dma_start3A_923 : memref<16x1024xf32, #tpu.memory_space<hbm>>) target_semaphore(%arg14 : memref<!tpu.dma_semaphore, #tpu.memory_space<semaphore_mem>>)
    %dma_wait3A_928 = arith.constant 0 : i32
    %dma_wait3A_929 = arith.constant 0 : i32
    %dma_wait3A_930 = arith.constant 0 : i32
    %dma_wait3A_931 = tpu.memref_slice %arg7[%dma_wait3A_928, %dma_wait3A_929, %dma_wait3A_930] : memref<3x16x1024xf32, #tpu.memory_space<vmem>> -> memref<1x16x1024xf32, #tpu.memory_space<vmem>>
    %dma_wait3A_932 = tpu.memref_squeeze %dma_wait3A_931 : memref<1x16x1024xf32, #tpu.memory_space<vmem>> -> memref<16x1024xf32, #tpu.memory_space<vmem>>
    %dma_wait3A_933 = arith.constant 240 : i32
    %dma_wait3A_934 = tpu.memref_slice %arg6[%dma_wait3A_933] : memref<256xi32, #tpu.memory_space<vmem>> -> memref<16xi32, #tpu.memory_space<vmem>>
    %dma_wait3A_935 = arith.constant 0 : i32
    %dma_wait3A_936 = arith.constant 0 : i32
    %dma_wait3A_937 = tpu.memref_slice %arg3[%dma_wait3A_935, %dma_wait3A_936] : memref<100000x1024xf32, #tpu.memory_space<hbm>> -> memref<100000x1024xf32, #tpu.memory_space<hbm>>
    tpu.wait_indirect_dma semaphore(%arg9 : memref<!tpu.dma_semaphore, #tpu.memory_space<semaphore_mem>>) src(%dma_wait3A_937 : memref<100000x1024xf32, #tpu.memory_space<hbm>>) dst(%dma_wait3A_932 : memref<16x1024xf32, #tpu.memory_space<vmem>>)
    %parallel_loop3A_938 = arith.constant 0 : i32
    %parallel_loop3A_939 = arith.constant 1024 : i32
    %parallel_loop3A_940 = arith.constant 1 : i32
    %parallel_loop3A_941 = arith.constant 0 : i32
    scf.for %parallel_loop3A_1008 = %parallel_loop3A_938 to %parallel_loop3A_939 step %parallel_loop3A_940  : i32 {
      %parallel_loop3A_1009 = arith.constant 6 : i32
      %parallel_loop3A_1010 = arith.shrsi %parallel_loop3A_1008, %parallel_loop3A_1009 : i32
      %parallel_loop3A_1011 = arith.constant 63 : i32
      %parallel_loop3A_1012 = arith.andi %parallel_loop3A_1008, %parallel_loop3A_1011 : i32
      %parallel_loop3A_1013 = arith.constant 4 : i32
      %parallel_loop3A_1014 = arith.shli %parallel_loop3A_1012, %parallel_loop3A_1013 : i32
      %parallel_loop3A_1015 = tpu.assume_multiple %parallel_loop3A_1014, 16 : i32
      %parallel_loop3A_1016 = arith.constant 48 : i32
      %parallel_loop3A_1017 = arith.addi %parallel_loop3A_1016, %parallel_loop3A_1010 : i32
      %parallel_loop3A_1018 = arith.index_cast %parallel_loop3A_1017 : i32 to index
      %parallel_loop3A_1019 = arith.index_cast %parallel_loop3A_1015 : i32 to index
      %parallel_loop3A_1020 = tpu.vector_load %arg8[%parallel_loop3A_1018, %parallel_loop3A_1019] {strides = array<i32>} : memref<64x1024xf32, #tpu.memory_space<vmem>>, vector<1x16xf32>,
      %parallel_loop3A_1021 = vector.shape_cast %parallel_loop3A_1020 : vector<1x16xf32> to vector<16xf32>
      %parallel_loop3A_1022 = arith.constant 0 : i32
      %parallel_loop3A_1023 = arith.constant 0 : i32
      %parallel_loop3A_1024 = tpu.memref_slice %arg7[%parallel_loop3A_941, %parallel_loop3A_1022, %parallel_loop3A_1023] : memref<3x16x1024xf32, #tpu.memory_space<vmem>> -> memref<1x16x1024xf32, #tpu.memory_space<vmem>>
      %parallel_loop3A_1025 = tpu.memref_squeeze %parallel_loop3A_1024 : memref<1x16x1024xf32, #tpu.memory_space<vmem>> -> memref<16x1024xf32, #tpu.memory_space<vmem>>
      %parallel_loop3A_1026 = arith.index_cast %parallel_loop3A_1010 : i32 to index
      %parallel_loop3A_1027 = arith.index_cast %parallel_loop3A_1015 : i32 to index
      %parallel_loop3A_1028 = tpu.vector_load %parallel_loop3A_1025[%parallel_loop3A_1026, %parallel_loop3A_1027] {strides = array<i32>} : memref<16x1024xf32, #tpu.memory_space<vmem>>, vector<1x16xf32>,
      %parallel_loop3A_1029 = vector.shape_cast %parallel_loop3A_1028 : vector<1x16xf32> to vector<16xf32>
      %parallel_loop3A_1030 = vector.shape_cast %parallel_loop3A_1021 : vector<16xf32> to vector<1x16xf32>
      tpu.vector_store %parallel_loop3A_1025[%parallel_loop3A_1026, %parallel_loop3A_1027], %parallel_loop3A_1030 {add = true, strides = array<i32>} : memref<16x1024xf32, #tpu.memory_space<vmem>>, vector<1x16xf32>,
    } {sc.loop_unroll_factor = 8 : i64, sc.parallel_access}
    %add3A_942 = arith.constant 48 : i32
    %add3A_943 = arith.addi %mul3A_2, %add3A_942 : i32
    %dma_start3A_944 = arith.constant 0 : i32
    %dma_start3A_945 = arith.constant 3 : i32
    %dma_start3A_946 = arith.constant 0 : i32
    %dma_start3A_947 = arith.constant 0 : i32
    %dma_start3A_948 = tpu.memref_slice %arg7[%dma_start3A_944, %dma_start3A_946, %dma_start3A_947] : memref<3x16x1024xf32, #tpu.memory_space<vmem>> -> memref<1x16x1024xf32, #tpu.memory_space<vmem>>
    %dma_start3A_949 = tpu.memref_squeeze %dma_start3A_948 : memref<1x16x1024xf32, #tpu.memory_space<vmem>> -> memref<16x1024xf32, #tpu.memory_space<vmem>>
    %dma_start3A_950 = arith.constant 0 : i32
    %dma_start3A_951 = tpu.memref_slice %arg5[%dma_start3A_945, %add3A_943, %dma_start3A_950] : memref<4x2048x1024xf32, #tpu.memory_space<hbm>> -> memref<1x16x1024xf32, #tpu.memory_space<hbm>>
    %dma_start3A_952 = tpu.memref_squeeze %dma_start3A_951 : memref<1x16x1024xf32, #tpu.memory_space<hbm>> -> memref<16x1024xf32, #tpu.memory_space<hbm>>
    %dma_start3A_953 = arith.constant 0 : i32
    %dma_start3A_954 = tpu.memref_slice %arg5[%dma_start3A_945, %add3A_943, %dma_start3A_953] : memref<4x2048x1024xf32, #tpu.memory_space<hbm>> -> memref<1x16x1024xf32, #tpu.memory_space<hbm>>
    %dma_start3A_955 = tpu.memref_squeeze %dma_start3A_954 : memref<1x16x1024xf32, #tpu.memory_space<hbm>> -> memref<16x1024xf32, #tpu.memory_space<hbm>>
    %dma_start3A_956 = arith.constant 0 : i32
    %dma_start3A_957 = arith.constant 0 : i32
    %dma_start3A_958 = tpu.memref_slice %arg7[%dma_start3A_944, %dma_start3A_956, %dma_start3A_957] : memref<3x16x1024xf32, #tpu.memory_space<vmem>> -> memref<1x16x1024xf32, #tpu.memory_space<vmem>>
    %dma_start3A_959 = tpu.memref_squeeze %dma_start3A_958 : memref<1x16x1024xf32, #tpu.memory_space<vmem>> -> memref<16x1024xf32, #tpu.memory_space<vmem>>
    tpu.enqueue_dma source(%dma_start3A_959 : memref<16x1024xf32, #tpu.memory_space<vmem>>) target(%dma_start3A_955 : memref<16x1024xf32, #tpu.memory_space<hbm>>) target_semaphore(%arg12 : memref<!tpu.dma_semaphore, #tpu.memory_space<semaphore_mem>>)
    %dma_wait3A_960 = arith.constant 1 : i32
    %dma_wait3A_961 = arith.constant 3 : i32
    %dma_wait3A_962 = arith.constant 0 : i32
    %dma_wait3A_963 = arith.constant 0 : i32
    %dma_wait3A_964 = tpu.memref_slice %arg7[%dma_wait3A_960, %dma_wait3A_962, %dma_wait3A_963] : memref<3x16x1024xf32, #tpu.memory_space<vmem>> -> memref<1x16x1024xf32, #tpu.memory_space<vmem>>
    %dma_wait3A_965 = tpu.memref_squeeze %dma_wait3A_964 : memref<1x16x1024xf32, #tpu.memory_space<vmem>> -> memref<16x1024xf32, #tpu.memory_space<vmem>>
    %dma_wait3A_966 = arith.constant 0 : i32
    %dma_wait3A_967 = tpu.memref_slice %arg5[%dma_wait3A_961, %add3A_879, %dma_wait3A_966] : memref<4x2048x1024xf32, #tpu.memory_space<hbm>> -> memref<1x16x1024xf32, #tpu.memory_space<hbm>>
    %dma_wait3A_968 = tpu.memref_squeeze %dma_wait3A_967 : memref<1x16x1024xf32, #tpu.memory_space<hbm>> -> memref<16x1024xf32, #tpu.memory_space<hbm>>
    %dma_wait3A_969 = arith.constant 0 : i32
    %dma_wait3A_970 = tpu.memref_slice %arg5[%dma_wait3A_961, %add3A_879, %dma_wait3A_969] : memref<4x2048x1024xf32, #tpu.memory_space<hbm>> -> memref<1x16x1024xf32, #tpu.memory_space<hbm>>
    %dma_wait3A_971 = tpu.memref_squeeze %dma_wait3A_970 : memref<1x16x1024xf32, #tpu.memory_space<hbm>> -> memref<16x1024xf32, #tpu.memory_space<hbm>>
    %dma_wait3A_972 = arith.constant 0 : i32
    %dma_wait3A_973 = arith.constant 0 : i32
    %dma_wait3A_974 = tpu.memref_slice %arg7[%dma_wait3A_960, %dma_wait3A_972, %dma_wait3A_973] : memref<3x16x1024xf32, #tpu.memory_space<vmem>> -> memref<1x16x1024xf32, #tpu.memory_space<vmem>>
    %dma_wait3A_975 = tpu.memref_squeeze %dma_wait3A_974 : memref<1x16x1024xf32, #tpu.memory_space<vmem>> -> memref<16x1024xf32, #tpu.memory_space<vmem>>
    tpu.wait_dma2 semaphore(%arg13 : memref<!tpu.dma_semaphore, #tpu.memory_space<semaphore_mem>>) src(%dma_wait3A_975 : memref<16x1024xf32, #tpu.memory_space<vmem>>) dst(%dma_wait3A_971 : memref<16x1024xf32, #tpu.memory_space<hbm>>)
    %dma_wait3A_976 = arith.constant 2 : i32
    %dma_wait3A_977 = arith.constant 3 : i32
    %dma_wait3A_978 = arith.constant 0 : i32
    %dma_wait3A_979 = arith.constant 0 : i32
    %dma_wait3A_980 = tpu.memref_slice %arg7[%dma_wait3A_976, %dma_wait3A_978, %dma_wait3A_979] : memref<3x16x1024xf32, #tpu.memory_space<vmem>> -> memref<1x16x1024xf32, #tpu.memory_space<vmem>>
    %dma_wait3A_981 = tpu.memref_squeeze %dma_wait3A_980 : memref<1x16x1024xf32, #tpu.memory_space<vmem>> -> memref<16x1024xf32, #tpu.memory_space<vmem>>
    %dma_wait3A_982 = arith.constant 0 : i32
    %dma_wait3A_983 = tpu.memref_slice %arg5[%dma_wait3A_977, %add3A_911, %dma_wait3A_982] : memref<4x2048x1024xf32, #tpu.memory_space<hbm>> -> memref<1x16x1024xf32, #tpu.memory_space<hbm>>
    %dma_wait3A_984 = tpu.memref_squeeze %dma_wait3A_983 : memref<1x16x1024xf32, #tpu.memory_space<hbm>> -> memref<16x1024xf32, #tpu.memory_space<hbm>>
    %dma_wait3A_985 = arith.constant 0 : i32
    %dma_wait3A_986 = tpu.memref_slice %arg5[%dma_wait3A_977, %add3A_911, %dma_wait3A_985] : memref<4x2048x1024xf32, #tpu.memory_space<hbm>> -> memref<1x16x1024xf32, #tpu.memory_space<hbm>>
    %dma_wait3A_987 = tpu.memref_squeeze %dma_wait3A_986 : memref<1x16x1024xf32, #tpu.memory_space<hbm>> -> memref<16x1024xf32, #tpu.memory_space<hbm>>
    %dma_wait3A_988 = arith.constant 0 : i32
    %dma_wait3A_989 = arith.constant 0 : i32
    %dma_wait3A_990 = tpu.memref_slice %arg7[%dma_wait3A_976, %dma_wait3A_988, %dma_wait3A_989] : memref<3x16x1024xf32, #tpu.memory_space<vmem>> -> memref<1x16x1024xf32, #tpu.memory_space<vmem>>
    %dma_wait3A_991 = tpu.memref_squeeze %dma_wait3A_990 : memref<1x16x1024xf32, #tpu.memory_space<vmem>> -> memref<16x1024xf32, #tpu.memory_space<vmem>>
    tpu.wait_dma2 semaphore(%arg14 : memref<!tpu.dma_semaphore, #tpu.memory_space<semaphore_mem>>) src(%dma_wait3A_991 : memref<16x1024xf32, #tpu.memory_space<vmem>>) dst(%dma_wait3A_987 : memref<16x1024xf32, #tpu.memory_space<hbm>>)
    %dma_wait3A_992 = arith.constant 0 : i32
    %dma_wait3A_993 = arith.constant 3 : i32
    %dma_wait3A_994 = arith.constant 0 : i32
    %dma_wait3A_995 = arith.constant 0 : i32
    %dma_wait3A_996 = tpu.memref_slice %arg7[%dma_wait3A_992, %dma_wait3A_994, %dma_wait3A_995] : memref<3x16x1024xf32, #tpu.memory_space<vmem>> -> memref<1x16x1024xf32, #tpu.memory_space<vmem>>
    %dma_wait3A_997 = tpu.memref_squeeze %dma_wait3A_996 : memref<1x16x1024xf32, #tpu.memory_space<vmem>> -> memref<16x1024xf32, #tpu.memory_space<vmem>>
    %dma_wait3A_998 = arith.constant 0 : i32
    %dma_wait3A_999 = tpu.memref_slice %arg5[%dma_wait3A_993, %add3A_943, %dma_wait3A_998] : memref<4x2048x1024xf32, #tpu.memory_space<hbm>> -> memref<1x16x1024xf32, #tpu.memory_space<hbm>>
    %dma_wait3A_1000 = tpu.memref_squeeze %dma_wait3A_999 : memref<1x16x1024xf32, #tpu.memory_space<hbm>> -> memref<16x1024xf32, #tpu.memory_space<hbm>>
    %dma_wait3A_1001 = arith.constant 0 : i32
    %dma_wait3A_1002 = tpu.memref_slice %arg5[%dma_wait3A_993, %add3A_943, %dma_wait3A_1001] : memref<4x2048x1024xf32, #tpu.memory_space<hbm>> -> memref<1x16x1024xf32, #tpu.memory_space<hbm>>
    %dma_wait3A_1003 = tpu.memref_squeeze %dma_wait3A_1002 : memref<1x16x1024xf32, #tpu.memory_space<hbm>> -> memref<16x1024xf32, #tpu.memory_space<hbm>>
    %dma_wait3A_1004 = arith.constant 0 : i32
    %dma_wait3A_1005 = arith.constant 0 : i32
    %dma_wait3A_1006 = tpu.memref_slice %arg7[%dma_wait3A_992, %dma_wait3A_1004, %dma_wait3A_1005] : memref<3x16x1024xf32, #tpu.memory_space<vmem>> -> memref<1x16x1024xf32, #tpu.memory_space<vmem>>
    %dma_wait3A_1007 = tpu.memref_squeeze %dma_wait3A_1006 : memref<1x16x1024xf32, #tpu.memory_space<vmem>> -> memref<16x1024xf32, #tpu.memory_space<vmem>>
    tpu.wait_dma2 semaphore(%arg12 : memref<!tpu.dma_semaphore, #tpu.memory_space<semaphore_mem>>) src(%dma_wait3A_1007 : memref<16x1024xf32, #tpu.memory_space<vmem>>) dst(%dma_wait3A_1003 : memref<16x1024xf32, #tpu.memory_space<hbm>>)
    return
  }
}

</mosaic_0001>

<sc_bundles>
// kernel: kernel.3.cloned.1.call-start
scs
__scs_entry_jumppad:
0x0: {  	(pc) =	sbr.rel $0x88, $3  }
0x1: {  	(tag) =	ssettag $0x0;
	lr =	simm.s32 $0x1  }
0x2: {  	[smem:$0x3F9E] =	sst lr;
	_ =	strace $0xD0000000  }
0x3: {  	_ = 	snop  }
0x4: {  	_ = 	snop  }
0x5: {  	_ = 	snop  }
0x6: {  	_ = 	snop  }
0x7: {  	_ = 	snop  }
__scs_overlays_trampoline_lowered:
0x8: {  	[smem:$0x3FAD] =	sst s0  }
0x9: {  	[smem:$0x3FAE] =	sst s1  }
0xa: {  	[smem:$0x3FAF] =	sst s2  }
0xb: {  	[smem:$0x3FB0] =	sst s3  }
0xc: {  	[smem:$0x3FB1] =	sst s4  }
0xd: {  	[smem:$0x3FB2] =	sst s5  }
0xe: {  	[smem:$0x3FB3] =	sst s6  }
0xf: {  	[smem:$0x3FB4] =	sst s7  }
0x10: {  	[smem:$0x3FB5] =	sst s8  }
0x11: {  	[smem:$0x3FB6] =	sst s9;
	s0 =	simm.s32 @!p0 $0x0  }
0x12: {  	s1 =	sld [smem:$0x3F9C];
	s0 =	simm.s32 @p0 $0x1  }
0x13: {  	[smem:$0x3FB7] =	sst s0;
	s0 =	simm.s32 @!p1 $0x0  }
0x14: {  	s2 =	sld [smem:$0x3F9B];
	s0 =	simm.s32 @p1 $0x1  }
0x15: {  	[smem:$0x3FB8] =	sst s0;
	s0 =	simm.s32 @!p2 $0x0  }
0x16: {  	s3 =	sld [smem:$0x3FDB];
	s0 =	simm.s32 @p2 $0x1  }
0x17: {  	s4 =	simm.s32 $0x1BF5;
	[smem:$0x3FBA] =	sst s0  }
0x18: {  	s0 =	sld [smem:$0x3F9D];
	_ =	swait.ge [sflag:s4], $0x0  }
0x19: {  	s7 =	sld [smem:$0x3F9E]  }
0x1a: {  	s8 =	sadd.s32 $0xFFFFE003, lr  }
0x1b: {  	s9 =	sadd.s32 $0xFFFFFEF7, lr;
	s5 =	simm.s32 $0xFFFFFFFF;
	p2 =	slt.u32 s8, $0xFFFFF086  }
0x1c: {  	p1 =	slt.u32 s9, $0xF7A;
	s5 =	simm.s32 @!p2 $0x0  }
0x1d: {  	s5 =	simm.s32 @p1 $0x1;
	p0 =	seq.s32 s7, s2  }
0x1e: {  	s7 =	smul.u32 @!p0 $0xF7A, s2;
	p2 =	seq.s32 @!p0 s5, $0x0  }
0x1f: {  	s9 =	smul.u32 $0xF7A, s1;
	s8 =	simm.s32 @!p0 $0x1BF5;
	p2 =	por !p2, p0  }
0x20: {  	[sflag:s8] =	ssyncset.s32 @!p0 $0xFFFFF086;
	s6 =	sadd.s32 @!p0 s3, s7;
	s7 =	simm.s32 @!p0 $0x108  }
0x21: {  	s3 =	sadd.s32 s3, s9;
	s6 =	sadd.s32 @!p0 $0x88, s6;
	s7 =	simm.s32 @p2 $0x1082  }
0x22: {  	[simem:s7], [sflag:s8] =	dma.local @!p0 [hbm:s6], $0xF7A  }
0x23: {  	s9 =	sor.u32 $0xD0000000, s2;
	s6 =	simm.s32 $0x108;
	_ =	swait.ge @!p0 [sflag:s8], $0x0  }
0x24: {  	s3 =	sadd.s32 $0x88, s3;
	s6 =	simm.s32 @!p1 $0x1082;
	[sflag:s4] =	ssyncset.s32 $0xFFFFF086  }
0x25: {  	[simem:s6], [sflag:s4] =	dma.local [hbm:s3], $0xF7A  }
0x26: {  	[smem:$0x3F9E] =	sst s1;
	(tag) =	ssettag s2;
	_ =	strace s9  }
0x27: {  	s1 =	sld [smem:$0x3FAE]  }
0x28: {  	s2 =	sld [smem:$0x3FAF]  }
0x29: {  	s4 =	sld [smem:$0x3FB1]  }
0x2a: {  	p0 =	seq.s32 s5, $0x0;
	s5 =	sld [smem:$0x3FB2]  }
0x2b: {  	s6 =	sld [smem:$0x3FB3]  }
0x2c: {  	s7 =	sld [smem:$0x3FB4]  }
0x2d: {  	s3 =	simm.s32 $0x108;
	s8 =	sld [smem:$0x3FB5]  }
0x2e: {  	s3 =	simm.s32 @!p0 $0x1082;
	s9 =	sld [smem:$0x3FB6]  }
0x2f: {  	lr =	sadd.s32 s0, s3;
	s0 =	sld [smem:$0x3FAD]  }
0x30: {  	s3 =	sld [smem:$0x3FB0]  }
0x31: {  	[smem:$0x3FB9] =	sst s10  }
0x32: {  	s10 =	sld [smem:$0x3FB7];
	_ =	sdelay $0x3  }
0x33: {  	p0 =	seq.s32 s10, $0x1;
	s10 =	sld [smem:$0x3FB9];
	_ =	sdelay $0x3  }
0x34: {  	[smem:$0x3FB9] =	sst s10  }
0x35: {  	s10 =	sld [smem:$0x3FB8];
	_ =	sdelay $0x3  }
0x36: {  	p1 =	seq.s32 s10, $0x1;
	s10 =	sld [smem:$0x3FB9];
	_ =	sdelay $0x3  }
0x37: {  	[smem:$0x3FB9] =	sst s10  }
0x38: {  	s10 =	sld [smem:$0x3FBA]  }
0x39: {  	_ = 	snop;
	(pc) =	sbr.ind lr, $3  }
0x3a: {  	_ = 	snop  }
0x3b: {  	_ = 	snop  }
0x3c: {  	p2 =	seq.s32 s10, $0x1;
	s10 =	sld [smem:$0x3FB9]  }
0x3d: {  	_ =	shalt  }
0x3e: {  	_ =	shalt  }
0x3f: {  	_ =	shalt  }
0x40: {  	_ =	shalt  }
0x41: {  	_ =	shalt  }
0x42: {  	_ =	shalt  }
0x43: {  	_ =	shalt  }
0x44: {  	_ =	shalt  }
0x45: {  	_ =	shalt  }
0x46: {  	_ =	shalt  }
0x47: {  	_ =	shalt  }
0x48: {  	_ =	shalt  }
0x49: {  	_ =	shalt  }
0x4a: {  	_ =	shalt  }
0x4b: {  	_ =	shalt  }
0x4c: {  	_ =	shalt  }
0x4d: {  	_ =	shalt  }
0x4e: {  	_ =	shalt  }
0x4f: {  	_ =	shalt  }
0x50: {  	_ =	shalt  }
0x51: {  	_ =	shalt  }
0x52: {  	_ =	shalt  }
0x53: {  	_ =	shalt  }
0x54: {  	_ =	shalt  }
0x55: {  	_ =	shalt  }
0x56: {  	_ =	shalt  }
0x57: {  	_ =	shalt  }
0x58: {  	_ =	shalt  }
0x59: {  	_ =	shalt  }
0x5a: {  	_ =	shalt  }
0x5b: {  	_ =	shalt  }
0x5c: {  	_ =	shalt  }
0x5d: {  	_ =	shalt  }
0x5e: {  	_ =	shalt  }
0x5f: {  	_ =	shalt  }
0x60: {  	_ =	shalt  }
0x61: {  	_ =	shalt  }
0x62: {  	_ =	shalt  }
0x63: {  	_ =	shalt  }
0x64: {  	_ =	shalt  }
0x65: {  	_ =	shalt  }
0x66: {  	_ =	shalt  }
0x67: {  	_ =	shalt  }
0x68: {  	_ =	shalt  }
0x69: {  	_ =	shalt  }
0x6a: {  	_ =	shalt  }
0x6b: {  	_ =	shalt  }
0x6c: {  	_ =	shalt  }
0x6d: {  	_ =	shalt  }
0x6e: {  	_ =	shalt  }
0x6f: {  	_ =	shalt  }
0x70: {  	_ =	shalt  }
0x71: {  	_ =	shalt  }
0x72: {  	_ =	shalt  }
0x73: {  	_ =	shalt  }
0x74: {  	_ =	shalt  }
0x75: {  	_ =	shalt  }
0x76: {  	_ =	shalt  }
0x77: {  	_ =	shalt  }
0x78: {  	_ =	shalt  }
0x79: {  	_ =	shalt  }
0x7a: {  	_ =	shalt  }
0x7b: {  	_ =	shalt  }
0x7c: {  	_ =	shalt  }
0x7d: {  	_ =	shalt  }
0x7e: {  	_ =	shalt  }
0x7f: {  	_ =	shalt  }
0x80: {  	_ =	shalt  }
0x81: {  	_ =	shalt  }
0x82: {  	_ =	shalt  }
0x83: {  	_ =	shalt  }
0x84: {  	_ =	shalt  }
0x85: {  	_ =	shalt  }
0x86: {  	_ =	shalt  }
0x87: {  	_ =	shalt  }
.Lfunc_end0:
.L_simem_size_0:
called_computation_lowered:
.L_overlay_start_0:
0x88: {  	s2 =	sld [smem:$0x3FD9]  }
0x89: {  	s3 =	sld [smem:$0x3FFE];
	_ =	sdelay $0x1  }
0x8a: {  	s1 =	srdreg.scid  }
0x8b: {  	s0 =	sand.u32 $0x1, s1  }
0x8c: {  	s18 =	sshll.u32 s0, $0xA;
	s2 =	sadd.s32 s3, s2  }
0x8d: {  	s2 =	sadd.s32 s2, s18  }
0x8e: {  	[smem:$0x3FC5] =	sst s2  }
0x8f: {  	_ = 	snop  }
0x90: {  	s2 =	sld [smem:$0x3FC9]  }
0x91: {  	s19 =	sld [smem:$0x3FC8]  }
0x92: {  	s4 =	sld [smem:$0x3FC7]  }
0x93: {  	s5 =	sld [smem:$0x3FD0];
	(tm) =	ssettm $0x1  }
0x94: {  	s6 =	sld [smem:$0x3FFB];
	_ =	sdelay $0x3  }
0x95: {  	_ =	strace s6  }
0x96: {  	s6 =	sld [smem:$0x3FFC];
	_ =	sdelay $0x3  }
0x97: {  	_ =	strace s6  }
0x98: {  	s6 =	sld [smem:$0x3FFD];
	_ =	sdelay $0x3  }
0x99: {  	_ =	strace s6  }
0x9a: {  	_ =	strace $0x8FFFFFFF  }
0x9b: {  	s20 =	sld [smem:$0x3FDB];
	_ =	sdelay $0x1  }
0x9c: {  	s7 =	simm.s32 $_scs_section_size  }
0x9d: {  	s8 =	simm.s32 $_size__tile_overlayer_lowered;
	s9 =	simm.s32 $_tile_overlayer_lowered  }
0x9e: {  	s23 =	simm.s32 $0x1BFF;
	s22 =	sshll.u32 s9, $0x1;
	s6 =	sadd.s32 s7, s20  }
0x9f: {  	s10 =	simm.s32 $0x0;
	s21 =	sshll.u32 s8, $0x1;
	s8 =	sadd.s32 s22, s6  }
0xa0: {  	[timem:s10], [sflag:s23] =	dma.local [hbm:s8], s21  }
0xa1: {  	_ =	swait.ge [sflag:s23], s21  }
0xa2: {  	s7 =	ssub.s32 $0x0, s21;
	[sflag:s23] =	ssyncset.done $0x0  }
0xa3: {  	[sflag:s23] =	ssyncadd.s32 s7;
	_ =	sdelay $0x1  }
0xa4: {  	s24 =	simm.s32 $0x1B8B  }
0xa5: {  	_ =	swait.ge [sflag:s24], $0x1  }
0xa6: {  	[sflag:s24] =	ssyncset.done $0x0  }
0xa7: {  	s25 =	simm.s32 $0x1B8E;
	[sflag:s24] =	ssyncadd.s32 $0xFFFFFFFF  }
0xa8: {  	s26 =	simm.s32 $execute0_lowered;
	[smem:$0x3FD2] =	sst s25  }
0xa9: {  	s7 =	sshll.u32 s26, $0x1;
	_ =	strace $0x80000046;
	[dreg:$0x1] =	wrdreg $0xFFFFFFFF  }
0xaa: {  	s28 =	simm.s32 $_size_execute0_lowered;
	s6 =	sadd.s32 s6, s7;
	[dreg:$0x0] =	wrdreg $0x0  }
0xab: {  	s7 =	sshll.u32 s28, $0x1;
	[dreg:$0x2] =	wrdreg s6  }
0xac: {  	[dreg:$0x3] =	wrdreg s7  }
0xad: {  	[dreg:$0x4] =	wrdreg $0xC0  }
0xae: {  	_ =	task [dreg:s10], $0x5FFFF  }
0xaf: {  	[dreg:$0x1] =	wrdreg $0xFFFFFFFF  }
0xb0: {  	[dreg:$0x0] =	wrdreg $0x60  }
0xb1: {  	[dreg:$0x2] =	wrdreg s2  }
0xb2: {  	[dreg:$0x3] =	wrdreg s19  }
0xb3: {  	[dreg:$0x4] =	wrdreg s4  }
0xb4: {  	[dreg:$0x5] =	wrdreg s5  }
0xb5: {  	[dreg:$0x6] =	wrdreg $0x9  }
0xb6: {  	_ =	task.clear_ibuf [dreg:s10], $0x7FFFF;
	_ =	strace $0x90000046  }
0xb7: {  	s29 =	simm.s32 $0x9;
	_ =	strace $0x80000048  }
0xb8: {  	_ =	swait.ge [sflag:s29], $0x1  }
0xb9: {  	[sflag:s29] =	ssyncadd.s32 $0xFFFFFFFF  }
0xba: {  	_ =	strace $0x90000048  }
0xbb: {  	_ =	sfence  }
0xbc: {  	s30 =	sld [smem:$0x0];
	_ =	sdelay $0x2  }
0xbd: {  	s31 =	sshll.u32 s1, $0xD;
	s1 =	sshrl.u32 s1, $0x2  }
0xbe: {  	s3 =	sand.u32 $0x4000, s31;
	s1 =	sadd.s32 s1, s30  }
0xbf: {  	s0 =	sor.u32 s3, s0;
	s1 =	sshll.u32 s1, $0x11  }
0xc0: {  	s0 =	sor.u32 s1, s0  }
0xc1: {  	s0 =	sadd.s32 $0x8F2B, s0  }
0xc2: {  	[sflag:s0] =	ssyncadd.remote.s32 $0x1  }
0xc3: {  	_ =	sfence.sel $0xFFFF  }
0xc4: {  	[dreg:$0x0] =	wrdreg $0xFFFFFFFF;
	(pc) =	sbr.abs _section_cstart, $3  }
0xc5: {  	[dreg:$0x1] =	wrdreg $0xFFFFFFFF  }
0xc6: {  	_ =	task.clear_ibuf [dreg:s10], $0x2FFFF;
	_ =	strace $0x9FFFFFFF  }
0xc7: {  	(tm) =	ssettm $0x7FFFFFFF  }
tec
execute0_lowered:
.L_overlay_start_1:
0x0: {  	(tag) =	ssettag $0x1  }
0x1: {  	s0 =	rddreg [dreg:$0x0]  }
0x2: {  	s2 =	rddreg [dreg:$0x1];
	s3 =	srdreg.scid  }
0x3: {  	s1 =	rddreg [dreg:$0x2];
	s6 =	stileid.u32;
	s5 =	sand.u32 $0x1, s3  }
0x4: {  	s4 =	rddreg [dreg:$0x3];
	s6 =	sshll.u32 s6, $0x7;
	s7 =	sshll.u32 s5, $0x6  }
0x5: {  	s3 =	simm.s32 $0x0;
	s5 =	ssub.s32 $0x2, s5;
	s6 =	sor.u32 s7, s6  }
0x6: {  	s8 =	sshrl.u32 s5, $0x1;
	s9 =	sshll.u32 s6, $0x2;
	s6 =	sshll.u32 s6, $0x7  }
0x7: {  	[smem:$0x7FF] =	sst s3;
	s5 =	ssub.s32 s5, s8;
	s1 =	sadd.s32 s1, s6  }
0x8: {  	_ =	strace $0x80000047;
	s26 =	smax.u32 s5, $0x1;
	[dreg:$0x5] =	wrdreg s1  }
0x9: {  	s13 =	sadd.s32 s4, s6;
	[dreg:$0x17] =	wrdreg s26  }
0xa: {  	s14 =	sadd.s32 $0x800, s13;
	[dreg:$0xa] =	wrdreg s13  }
0xb: {  	s15 =	sadd.s32 $0x1000, s13;
	[dreg:$0xb] =	wrdreg s14  }
0xc: {  	s16 =	sadd.s32 $0x1800, s13;
	[dreg:$0xc] =	wrdreg s15  }
0xd: {  	s30 =	simm.s32 $0x8;
	s17 =	sadd.s32 $0x40000, s13;
	[dreg:$0xd] =	wrdreg s16  }
0xe: {  	s31 =	simm.s32 $0x100;
	s18 =	sadd.s32 $0x40800, s13;
	[dreg:$0xe] =	wrdreg s17  }
0xf: {  	s10 =	sand.u32 $0x1E00, s9;
	s19 =	sadd.s32 $0x41000, s13;
	[dreg:$0xf] =	wrdreg s18  }
0x10: {  	s4 =	simm.s32 $0x1900;
	s20 =	sadd.s32 $0x41800, s13;
	[dreg:$0x10] =	wrdreg s19  }
0x11: {  	s6 =	simm.s32 $0x2100;
	s21 =	sadd.s32 $0x80000, s13;
	[dreg:$0x11] =	wrdreg s20  }
0x12: {  	s5 =	simm.s32 $0xB100;
	s22 =	sadd.s32 $0x80800, s13;
	[dreg:$0x12] =	wrdreg s21  }
0x13: {  	s8 =	sor.u32 s7, s10;
	s23 =	sadd.s32 $0x81000, s13;
	[dreg:$0x13] =	wrdreg s22  }
0x14: {  	s7 =	sor.u32 s7, s9;
	s24 =	sadd.s32 $0x81800, s13;
	[dreg:$0x14] =	wrdreg s23  }
0x15: {  	s9 =	sadd.s32 $0x100, s2;
	s25 =	sadd.s32 $0xC0000, s13;
	[dreg:$0x15] =	wrdreg s24  }
0x16: {  	s10 =	sadd.s32 $0x200, s2;
	s28 =	sadd.s32 $0xC0800, s13;
	[dreg:$0x16] =	wrdreg s25  }
0x17: {  	s29 =	sadd.s32 $0xC1000, s13;
	s11 =	sshrl.u32 s8, $0x3;
	[dreg:$0x18] =	wrdreg s28  }
0x18: {  	s7 =	sshrl.u32 s7, $0x3;
	[dreg:$0x19] =	wrdreg s29;
	s14 =	simm.s32 $0x4100  }
0x19: {  	s23 =	simm.s32 $0x8100;
	s22 =	simm.s32 $0x1;
	s15 =	simm.s32 $0x4  }
0x1a: {  	s16 =	simm.s32 $0x2;
	s17 =	simm.s32 $0x5;
	s18 =	simm.s32 $0x3  }
0x1b: {  	s19 =	simm.s32 $0x6;
	s20 =	simm.s32 $0x0;
	s8 =	sadd.s32 s0, s11  }
0x1c: {  	s12 =	sor.u32 $0x20, s7;
	[dreg:$0x6] =	wrdreg s8;
	s8 =	sadd.s32 $0x10, s8  }
0x1d: {  	s7 =	sor.u32 $0x30, s7;
	s1 =	sadd.s32 s0, s12;
	[dreg:$0x7] =	wrdreg s8  }
0x1e: {  	s11 =	simm.s32 $0xB900;
	s0 =	sadd.s32 s0, s7;
	[dreg:$0x8] =	wrdreg s1  }
0x1f: {  	v2 =	vlaneseq.u32;
	s12 =	sadd.s32 $0x300, s2;
	s7 =	simm.s32 $0x2900;
	[dreg:$0x9] =	wrdreg s0  }
0x20: {  	vm0 =	vmmov $0xffff;
	v1 =	vshrl.u32 v2, $0x3;
	s0 =	sadd.s32 $0xC1800, s13;
	s1 =	simm.s32 $0x1100;
	s8 =	simm.s32 $0x3100  }
0x21: {  	v0 =	vand.u32 $0x7, v2;
	v2 =	vor.u32 $0x8, v2;
	v1 =	vmul.u32 $0x8, v1;
	s13 =	simm.s32 $0x3900;
	[dreg:$0x1a] =	wrdreg s0;
	s0 =	simm.s32 $0x900  }
.LBB2_1:
0x22: {  	s21 =	rddreg [dreg:$0x5];
	s24 =	simm.s32 $0xC100  }
0x23: {  	[tilespmem:s24], [sflag:$0x7] =	stream.linear.gather [hbm4b:s21+s3], $0x10000, $0x38;
	[tilespmem:$0x1C100] =	vst v63  }
0x24: {  	s26 =	rddreg [dreg:$0x6]  }
0x25: {  	[tilespmem:s3], [sflag:$0x8] =	stream.linear.gather [hbm4b:s26+s3], $0x40, $0x38;
	[tilespmem:$0x1C100] =	vst v63  }
0x26: {  	s28 =	rddreg [dreg:$0x7];
	s29 =	simm.s32 $0x40  }
0x27: {  	[tilespmem:s29], [sflag:$0x8] =	stream.linear.gather [hbm4b:s28+s3], $0x40, $0x38;
	[tilespmem:$0x1C100] =	vst v63  }
0x28: {  	s25 =	simm.s32 $0x80;
	s24 =	rddreg [dreg:$0x8]  }
0x29: {  	[tilespmem:s25], [sflag:$0x8] =	stream.linear.gather [hbm4b:s24+s3], $0x40, $0x38;
	[tilespmem:$0x1C100] =	vst v63  }
0x2a: {  	s26 =	rddreg [dreg:$0x9];
	s28 =	simm.s32 $0xC0  }
0x2b: {  	[tilespmem:s28], [sflag:$0x8] =	stream.linear.gather [hbm4b:s26+s3], $0x40, $0x38;
	[tilespmem:$0x1C100] =	vst v63  }
0x2c: {  	_ =	swait.ge [sflag:s30], $0x40  }
0x2d: {  	[sflag:s30] =	ssyncset.done $0x0  }
0x2e: {  	[sflag:s30] =	ssyncadd.s32 $0xFFFFFFC0  }
0x2f: {  	_ =	swait.ge [sflag:s30], $0x40  }
0x30: {  	[sflag:s30] =	ssyncset.done $0x0  }
0x31: {  	[sflag:s30] =	ssyncadd.s32 $0xFFFFFFC0  }
0x32: {  	_ =	swait.ge [sflag:s30], $0x40  }
0x33: {  	[sflag:s30] =	ssyncset.done $0x0  }
0x34: {  	[sflag:s30] =	ssyncadd.s32 $0xFFFFFFC0  }
0x35: {  	_ =	swait.ge [sflag:s30], $0x40  }
0x36: {  	[sflag:s30] =	ssyncset.done $0x0  }
0x37: {  	[sflag:s30] =	ssyncadd.s32 $0xFFFFFFC0  }
0x38: {  	v3 =	vld [tilespmem:$0x0];
	_ =	sdelay $0x4  }
0x39: {  	v4 =	vshll.u32 v3, $0x3  }
0x3a: {  	v3 =	vand.u32 $0x7, v3;
	v4 =	vand.u32 $0xFFFFFFC0, v4  }
0x3b: {  	v3 =	vor.u32 v3, v4  }
0x3c: {  	v4 =	vperm.xlane v3, v0;
	_ =	sdelay $0x1  }
0x3d: {  	v4 =	vadd.s32 v1, v4;
	_ =	sdelay $0x4  }
0x3e: {  	[tilespmem:s31], [sflag:$0x1] =	stream.indirect_vreg.gather [hbm4b:s2+s3], $0x80, v4, vm0, $0xb8;
	[tilespmem:$0x1C100] =	vst v63  }
0x3f: {  	v3 =	vperm.xlane v3, v2  }
0x40: {  	[tilespmem:s0], [sflag:$0x1] =	stream.indirect_vreg.gather [hbm4b:s9+s3], $0x80, v4, vm0, $0xb8;
	[tilespmem:$0x1C100] =	vst v63  }
0x41: {  	v3 =	vadd.s32 v1, v3  }
0x42: {  	[tilespmem:s1], [sflag:$0x1] =	stream.indirect_vreg.gather [hbm4b:s10+s3], $0x80, v4, vm0, $0xb8;
	[tilespmem:$0x1C100] =	vst v63  }
0x43: {  	_ = 	snop  }
0x44: {  	[tilespmem:s4], [sflag:$0x1] =	stream.indirect_vreg.gather [hbm4b:s12+s3], $0x80, v4, vm0, $0xb8;
	[tilespmem:$0x1C100] =	vst v63  }
0x45: {  	_ = 	snop  }
0x46: {  	[tilespmem:s6], [sflag:$0x1] =	stream.indirect_vreg.gather [hbm4b:s2+s3], $0x80, v3, vm0, $0xb8;
	[tilespmem:$0x1C100] =	vst v63  }
0x47: {  	_ = 	snop  }
0x48: {  	[tilespmem:s7], [sflag:$0x1] =	stream.indirect_vreg.gather [hbm4b:s9+s3], $0x80, v3, vm0, $0xb8;
	[tilespmem:$0x1C100] =	vst v63  }
0x49: {  	_ = 	snop  }
0x4a: {  	[tilespmem:s8], [sflag:$0x1] =	stream.indirect_vreg.gather [hbm4b:s10+s3], $0x80, v3, vm0, $0xb8;
	[tilespmem:$0x1C100] =	vst v63  }
0x4b: {  	_ = 	snop  }
0x4c: {  	[tilespmem:s13], [sflag:$0x1] =	stream.indirect_vreg.gather [hbm4b:s12+s3], $0x80, v3, vm0, $0xb8;
	[tilespmem:$0x1C100] =	vst v63  }
0x4d: {  	v3 =	vld [tilespmem:$0x10];
	_ =	sdelay $0x4  }
0x4e: {  	v4 =	vshll.u32 v3, $0x3  }
0x4f: {  	v3 =	vand.u32 $0x7, v3;
	v4 =	vand.u32 $0xFFFFFFC0, v4  }
0x50: {  	v3 =	vor.u32 v3, v4  }
0x51: {  	v4 =	vperm.xlane v3, v0;
	_ =	sdelay $0x1  }
0x52: {  	v4 =	vadd.s32 v1, v4;
	_ =	sdelay $0x4  }
0x53: {  	[tilespmem:s14], [sflag:$0x2] =	stream.indirect_vreg.gather [hbm4b:s2+s3], $0x80, v4, vm0, $0xb8;
	[tilespmem:$0x1C100] =	vst v63  }
0x54: {  	s29 =	simm.s32 $0x4900;
	v3 =	vperm.xlane v3, v2  }
0x55: {  	[tilespmem:s29], [sflag:$0x2] =	stream.indirect_vreg.gather [hbm4b:s9+s3], $0x80, v4, vm0, $0xb8;
	[tilespmem:$0x1C100] =	vst v63  }
0x56: {  	s24 =	simm.s32 $0x5100;
	v3 =	vadd.s32 v1, v3  }
0x57: {  	[tilespmem:s24], [sflag:$0x2] =	stream.indirect_vreg.gather [hbm4b:s10+s3], $0x80, v4, vm0, $0xb8;
	[tilespmem:$0x1C100] =	vst v63  }
0x58: {  	s25 =	simm.s32 $0x5900  }
0x59: {  	[tilespmem:s25], [sflag:$0x2] =	stream.indirect_vreg.gather [hbm4b:s12+s3], $0x80, v4, vm0, $0xb8;
	[tilespmem:$0x1C100] =	vst v63  }
0x5a: {  	s26 =	simm.s32 $0x6100  }
0x5b: {  	[tilespmem:s26], [sflag:$0x2] =	stream.indirect_vreg.gather [hbm4b:s2+s3], $0x80, v3, vm0, $0xb8;
	[tilespmem:$0x1C100] =	vst v63  }
0x5c: {  	s28 =	simm.s32 $0x6900  }
0x5d: {  	[tilespmem:s28], [sflag:$0x2] =	stream.indirect_vreg.gather [hbm4b:s9+s3], $0x80, v3, vm0, $0xb8;
	[tilespmem:$0x1C100] =	vst v63  }
0x5e: {  	s29 =	simm.s32 $0x7100  }
0x5f: {  	[tilespmem:s29], [sflag:$0x2] =	stream.indirect_vreg.gather [hbm4b:s10+s3], $0x80, v3, vm0, $0xb8;
	[tilespmem:$0x1C100] =	vst v63  }
0x60: {  	s24 =	simm.s32 $0x7900;
	s25 =	simm.s32 $0x7  }
0x61: {  	[tilespmem:s24], [sflag:$0x2] =	stream.indirect_vreg.gather [hbm4b:s12+s3], $0x80, v3, vm0, $0xb8;
	[tilespmem:$0x1C100] =	vst v63  }
0x62: {  	_ =	swait.ge [sflag:s25], $0x10000  }
0x63: {  	[sflag:s25] =	ssyncset.done $0x0  }
0x64: {  	[sflag:s25] =	ssyncadd.s32 $0xFFFF0000  }
0x65: {  	v3 =	vld [tilespmem:$0x20];
	_ =	sdelay $0x4  }
0x66: {  	v4 =	vshll.u32 v3, $0x3  }
0x67: {  	v3 =	vand.u32 $0x7, v3;
	v4 =	vand.u32 $0xFFFFFFC0, v4  }
0x68: {  	v3 =	vor.u32 v3, v4  }
0x69: {  	v4 =	vperm.xlane v3, v0;
	_ =	sdelay $0x1  }
0x6a: {  	v4 =	vadd.s32 v1, v4;
	_ =	sdelay $0x4  }
0x6b: {  	[tilespmem:s23], [sflag:$0x3] =	stream.indirect_vreg.gather [hbm4b:s2+s3], $0x80, v4, vm0, $0xb8;
	[tilespmem:$0x1C100] =	vst v63  }
0x6c: {  	s26 =	simm.s32 $0x8900;
	v3 =	vperm.xlane v3, v2  }
0x6d: {  	[tilespmem:s26], [sflag:$0x3] =	stream.indirect_vreg.gather [hbm4b:s9+s3], $0x80, v4, vm0, $0xb8;
	[tilespmem:$0x1C100] =	vst v63  }
0x6e: {  	s28 =	simm.s32 $0x9100;
	v3 =	vadd.s32 v1, v3  }
0x6f: {  	[tilespmem:s28], [sflag:$0x3] =	stream.indirect_vreg.gather [hbm4b:s10+s3], $0x80, v4, vm0, $0xb8;
	[tilespmem:$0x1C100] =	vst v63  }
0x70: {  	s29 =	simm.s32 $0x9900  }
0x71: {  	[tilespmem:s29], [sflag:$0x3] =	stream.indirect_vreg.gather [hbm4b:s12+s3], $0x80, v4, vm0, $0xb8;
	[tilespmem:$0x1C100] =	vst v63  }
0x72: {  	s24 =	simm.s32 $0xA100  }
0x73: {  	[tilespmem:s24], [sflag:$0x3] =	stream.indirect_vreg.gather [hbm4b:s2+s3], $0x80, v3, vm0, $0xb8;
	[tilespmem:$0x1C100] =	vst v63  }
0x74: {  	s25 =	simm.s32 $0xA900  }
0x75: {  	[tilespmem:s25], [sflag:$0x3] =	stream.indirect_vreg.gather [hbm4b:s9+s3], $0x80, v3, vm0, $0xb8;
	[tilespmem:$0x1C100] =	vst v63  }
0x76: {  	s26 =	simm.s32 $0x0  }
0x77: {  	[tilespmem:s5], [sflag:$0x3] =	stream.indirect_vreg.gather [hbm4b:s10+s3], $0x80, v3, vm0, $0xb8;
	[tilespmem:$0x1C100] =	vst v63  }
0x78: {  	s21 =	sand.u32 $0x2000, s26  }
0x79: {  	[tilespmem:s11], [sflag:$0x3] =	stream.indirect_vreg.gather [hbm4b:s12+s3], $0x80, v3, vm0, $0xb8;
	[tilespmem:$0x1C100] =	vst v63  }
0x7a: {  	s28 =	sand.u32 $0x1C00, s3;
	s25 =	simm.s32 $0x0;
	_ =	swait.ge [sflag:s22], $0x4000  }
0x7b: {  	s21 =	sor.u32 s28, s21;
	s29 =	sand.u32 $0x380, s25;
	[sflag:s22] =	ssyncset.done $0x0  }
0x7c: {  	s21 =	sor.u32 s29, s21;
	[sflag:s22] =	ssyncadd.s32 $0xFFFFC000  }
0x7d: {  	v3 =	vld [tilespmem:s21+$0xC170]  }
0x7e: {  	v8 =	vld [tilespmem:s21+$0xC100]  }
0x7f: {  	v9 =	vld [tilespmem:s21+$0xC110]  }
0x80: {  	v7 =	vld [tilespmem:s21+$0xC120]  }
0x81: {  	v6 =	vld [tilespmem:s21+$0xC130]  }
0x82: {  	v5 =	vld [tilespmem:s21+$0xC140]  }
0x83: {  	v4 =	vld [tilespmem:s21+$0xC160]  }
0x84: {  	[tilespmem:s21+$0x170] =	vst.add.f32.msk $0xffff, v3  }
0x85: {  	v3 =	vld [tilespmem:s21+$0xC150]  }
0x86: {  	[tilespmem:s21+$0x100] =	vst.add.f32.msk $0xffff, v8  }
0x87: {  	s24 =	simm.s32 $0x0;
	s25 =	simm.s32 $0x0;
	[tilespmem:s21+$0x110] =	vst.add.f32.msk $0xffff, v9  }
.LBB2_2:
0x88: {  	s24 =	sadd.s32 $0x8, s24;
	[tilespmem:s21+$0x120] =	vst.add.f32.msk $0xffff, v7  }
0x89: {  	s25 =	sadd.s32 $0x400, s25;
	s26 =	sshll.u32 s24, $0x4;
	p0 =	slt.u32 s24, $0x3F8;
	[tilespmem:s21+$0x130] =	vst.add.f32.msk $0xffff, v6  }
0x8a: {  	s28 =	sand.u32 $0x1C00, s25;
	s29 =	sshll.u32 s24, $0x1;
	s26 =	sand.u32 $0x2000, s26;
	[tilespmem:s21+$0x140] =	vst.add.f32.msk $0xffff, v5  }
0x8b: {  	s26 =	sor.u32 s28, s26;
	s28 =	sand.u32 $0x380, s29;
	[tilespmem:s21+$0x150] =	vst.add.f32.msk $0xffff, v3  }
0x8c: {  	[tilespmem:s21+$0x160] =	vst.add.f32.msk $0xffff, v4;
	s21 =	sor.u32 s28, s26  }
0x8d: {  	v3 =	vld [tilespmem:s21+$0xC170]  }
0x8e: {  	v8 =	vld [tilespmem:s21+$0xC100]  }
0x8f: {  	v9 =	vld [tilespmem:s21+$0xC110]  }
0x90: {  	v7 =	vld [tilespmem:s21+$0xC120]  }
0x91: {  	v6 =	vld [tilespmem:s21+$0xC130]  }
0x92: {  	[tilespmem:s21+$0x170] =	vst.add.f32.msk $0xffff, v3  }
.Ltmp0:
0x93: {  	v5 =	vld [tilespmem:s21+$0xC140];
	(pc) =	sbr.rel @p0 .LBB2_2-.Ltmp0, $4  }
0x94: {  	v3 =	vld [tilespmem:s21+$0xC150]  }
0x95: {  	v4 =	vld [tilespmem:s21+$0xC160]  }
0x96: {  	[tilespmem:s21+$0x100] =	vst.add.f32.msk $0xffff, v8  }
0x97: {  	[tilespmem:s21+$0x110] =	vst.add.f32.msk $0xffff, v9  }
0x98: {  	[tilespmem:s21+$0x120] =	vst.add.f32.msk $0xffff, v7  }
0x99: {  	[tilespmem:s21+$0x130] =	vst.add.f32.msk $0xffff, v6  }
0x9a: {  	[tilespmem:s21+$0x140] =	vst.add.f32.msk $0xffff, v5  }
0x9b: {  	[tilespmem:s21+$0x150] =	vst.add.f32.msk $0xffff, v3  }
0x9c: {  	[tilespmem:s21+$0x160] =	vst.add.f32.msk $0xffff, v4  }
0x9d: {  	s21 =	simm.s32 $0x0;
	s24 =	rddreg [dreg:$0xa]  }
0x9e: {  	[hbm4b:s24+s21] =	stream.linear.scatter [tilespmem:s31], [sflag:$0x4], $0x4000, $0x38;
	[tilespmem:$0x1C100] =	vst v63  }
0x9f: {  	_ =	swait.ge [sflag:s15], $0x4000  }
0xa0: {  	[sflag:s15] =	ssyncset.done $0x0  }
0xa1: {  	[sflag:s15] =	ssyncadd.s32 $0xFFFFC000  }
0xa2: {  	v3 =	vld [tilespmem:$0x30];
	_ =	sdelay $0x4  }
0xa3: {  	v4 =	vshll.u32 v3, $0x3  }
0xa4: {  	v3 =	vand.u32 $0x7, v3;
	v4 =	vand.u32 $0xFFFFFFC0, v4  }
0xa5: {  	v3 =	vor.u32 v3, v4  }
0xa6: {  	v4 =	vperm.xlane v3, v0;
	_ =	sdelay $0x1  }
0xa7: {  	v4 =	vadd.s32 v1, v4;
	_ =	sdelay $0x4  }
0xa8: {  	[tilespmem:s31], [sflag:$0x1] =	stream.indirect_vreg.gather [hbm4b:s2+s21], $0x80, v4, vm0, $0xb8;
	[tilespmem:$0x1C100] =	vst v63  }
0xa9: {  	v3 =	vperm.xlane v3, v2  }
0xaa: {  	[tilespmem:s0], [sflag:$0x1] =	stream.indirect_vreg.gather [hbm4b:s9+s21], $0x80, v4, vm0, $0xb8;
	[tilespmem:$0x1C100] =	vst v63  }
0xab: {  	v3 =	vadd.s32 v1, v3  }
0xac: {  	[tilespmem:s1], [sflag:$0x1] =	stream.indirect_vreg.gather [hbm4b:s10+s21], $0x80, v4, vm0, $0xb8;
	[tilespmem:$0x1C100] =	vst v63  }
0xad: {  	_ = 	snop  }
0xae: {  	[tilespmem:s4], [sflag:$0x1] =	stream.indirect_vreg.gather [hbm4b:s12+s21], $0x80, v4, vm0, $0xb8;
	[tilespmem:$0x1C100] =	vst v63  }
0xaf: {  	_ = 	snop  }
0xb0: {  	[tilespmem:s6], [sflag:$0x1] =	stream.indirect_vreg.gather [hbm4b:s2+s21], $0x80, v3, vm0, $0xb8;
	[tilespmem:$0x1C100] =	vst v63  }
0xb1: {  	_ = 	snop  }
0xb2: {  	[tilespmem:s7], [sflag:$0x1] =	stream.indirect_vreg.gather [hbm4b:s9+s21], $0x80, v3, vm0, $0xb8;
	[tilespmem:$0x1C100] =	vst v63  }
0xb3: {  	_ = 	snop  }
0xb4: {  	[tilespmem:s8], [sflag:$0x1] =	stream.indirect_vreg.gather [hbm4b:s10+s21], $0x80, v3, vm0, $0xb8;
	[tilespmem:$0x1C100] =	vst v63  }
0xb5: {  	s28 =	simm.s32 $0x0;
	s25 =	simm.s32 $0x0  }
0xb6: {  	[tilespmem:s13], [sflag:$0x1] =	stream.indirect_vreg.gather [hbm4b:s12+s21], $0x80, v3, vm0, $0xb8;
	[tilespmem:$0x1C100] =	vst v63  }
0xb7: {  	s25 =	sand.u32 $0x380, s25;
	s24 =	sand.u32 $0x2000, s28;
	_ =	swait.ge [sflag:s16], $0x4000  }
0xb8: {  	s26 =	sand.u32 $0x1C00, s21;
	s24 =	sor.u32 s25, s24;
	[sflag:s16] =	ssyncset.done $0x0  }
0xb9: {  	s24 =	sor.u32 s26, s24;
	[sflag:s16] =	ssyncadd.s32 $0xFFFFC000  }
0xba: {  	s29 =	sadd.s32 $0xC100, s24;
	v3 =	vld [tilespmem:s24+$0x10100]  }
0xbb: {  	v4 =	vld [tilespmem:s29+$0x4070]  }
0xbc: {  	v8 =	vld [tilespmem:s29+$0x4010]  }
0xbd: {  	v9 =	vld [tilespmem:s29+$0x4020]  }
0xbe: {  	v7 =	vld [tilespmem:s29+$0x4030]  }
0xbf: {  	v5 =	vld [tilespmem:s29+$0x4040]  }
0xc0: {  	v6 =	vld [tilespmem:s29+$0x4050]  }
0xc1: {  	[tilespmem:s24+$0x4170] =	vst.add.f32.msk $0xffff, v4  }
0xc2: {  	v4 =	vld [tilespmem:s29+$0x4060]  }
0xc3: {  	[tilespmem:s24+$0x4110] =	vst.add.f32.msk $0xffff, v8  }
0xc4: {  	s25 =	simm.s32 $0x0;
	[tilespmem:s24+$0x4120] =	vst.add.f32.msk $0xffff, v9  }
.LBB2_4:
0xc5: {  	s25 =	sadd.s32 $0x8, s25;
	[tilespmem:s24+$0x4130] =	vst.add.f32.msk $0xffff, v7  }
0xc6: {  	s26 =	sshll.u32 s25, $0x4;
	s28 =	sshll.u32 s25, $0x1;
	p0 =	slt.u32 s25, $0x3F8;
	[tilespmem:s24+$0x4140] =	vst.add.f32.msk $0xffff, v5  }
0xc7: {  	s21 =	sadd.s32 $0x400, s21;
	s26 =	sand.u32 $0x2000, s26;
	s28 =	sand.u32 $0x380, s28;
	[tilespmem:s24+$0x4150] =	vst.add.f32.msk $0xffff, v6  }
0xc8: {  	s29 =	sand.u32 $0x1C00, s21;
	s26 =	sor.u32 s28, s26;
	[tilespmem:s24+$0x4160] =	vst.add.f32.msk $0xffff, v4  }
0xc9: {  	[tilespmem:s24+$0x4100] =	vst.add.f32.msk $0xffff, v3;
	s24 =	sor.u32 s29, s26  }
0xca: {  	v3 =	vld [tilespmem:s24+$0x10100];
	s26 =	sadd.s32 $0xC100, s24  }
0xcb: {  	v4 =	vld [tilespmem:s26+$0x4070]  }
0xcc: {  	v8 =	vld [tilespmem:s26+$0x4010]  }
0xcd: {  	v9 =	vld [tilespmem:s26+$0x4020]  }
0xce: {  	v7 =	vld [tilespmem:s26+$0x4030]  }
0xcf: {  	v5 =	vld [tilespmem:s26+$0x4040]  }
.Ltmp1:
0xd0: {  	[tilespmem:s24+$0x4170] =	vst.add.f32.msk $0xffff, v4;
	(pc) =	sbr.rel @p0 .LBB2_4-.Ltmp1, $4  }
0xd1: {  	v6 =	vld [tilespmem:s26+$0x4050]  }
0xd2: {  	v4 =	vld [tilespmem:s26+$0x4060]  }
0xd3: {  	[tilespmem:s24+$0x4110] =	vst.add.f32.msk $0xffff, v8  }
0xd4: {  	[tilespmem:s24+$0x4120] =	vst.add.f32.msk $0xffff, v9  }
0xd5: {  	[tilespmem:s24+$0x4130] =	vst.add.f32.msk $0xffff, v7  }
0xd6: {  	[tilespmem:s24+$0x4140] =	vst.add.f32.msk $0xffff, v5  }
0xd7: {  	[tilespmem:s24+$0x4100] =	vst.add.f32.msk $0xffff, v3  }
0xd8: {  	[tilespmem:s24+$0x4150] =	vst.add.f32.msk $0xffff, v6  }
0xd9: {  	[tilespmem:s24+$0x4160] =	vst.add.f32.msk $0xffff, v4  }
0xda: {  	s21 =	simm.s32 $0x0;
	s24 =	rddreg [dreg:$0xb]  }
0xdb: {  	[hbm4b:s24+s21] =	stream.linear.scatter [tilespmem:s14], [sflag:$0x5], $0x4000, $0x38;
	[tilespmem:$0x1C100] =	vst v63  }
0xdc: {  	_ =	swait.ge [sflag:s17], $0x4000  }
0xdd: {  	[sflag:s17] =	ssyncset.done $0x0  }
0xde: {  	[sflag:s17] =	ssyncadd.s32 $0xFFFFC000  }
0xdf: {  	v3 =	vld [tilespmem:$0x40];
	_ =	sdelay $0x4  }
0xe0: {  	v4 =	vshll.u32 v3, $0x3  }
0xe1: {  	v3 =	vand.u32 $0x7, v3;
	v4 =	vand.u32 $0xFFFFFFC0, v4  }
0xe2: {  	v3 =	vor.u32 v3, v4  }
0xe3: {  	v4 =	vperm.xlane v3, v0;
	_ =	sdelay $0x1  }
0xe4: {  	v4 =	vadd.s32 v1, v4;
	_ =	sdelay $0x4  }
0xe5: {  	[tilespmem:s14], [sflag:$0x2] =	stream.indirect_vreg.gather [hbm4b:s2+s21], $0x80, v4, vm0, $0xb8;
	[tilespmem:$0x1C100] =	vst v63  }
0xe6: {  	s29 =	simm.s32 $0x4900;
	v3 =	vperm.xlane v3, v2  }
0xe7: {  	[tilespmem:s29], [sflag:$0x2] =	stream.indirect_vreg.gather [hbm4b:s9+s21], $0x80, v4, vm0, $0xb8;
	[tilespmem:$0x1C100] =	vst v63  }
0xe8: {  	s25 =	simm.s32 $0x5100;
	v3 =	vadd.s32 v1, v3  }
0xe9: {  	[tilespmem:s25], [sflag:$0x2] =	stream.indirect_vreg.gather [hbm4b:s10+s21], $0x80, v4, vm0, $0xb8;
	[tilespmem:$0x1C100] =	vst v63  }
0xea: {  	s26 =	simm.s32 $0x5900  }
0xeb: {  	[tilespmem:s26], [sflag:$0x2] =	stream.indirect_vreg.gather [hbm4b:s12+s21], $0x80, v4, vm0, $0xb8;
	[tilespmem:$0x1C100] =	vst v63  }
0xec: {  	s28 =	simm.s32 $0x6100  }
0xed: {  	[tilespmem:s28], [sflag:$0x2] =	stream.indirect_vreg.gather [hbm4b:s2+s21], $0x80, v3, vm0, $0xb8;
	[tilespmem:$0x1C100] =	vst v63  }
0xee: {  	s29 =	simm.s32 $0x6900  }
0xef: {  	[tilespmem:s29], [sflag:$0x2] =	stream.indirect_vreg.gather [hbm4b:s9+s21], $0x80, v3, vm0, $0xb8;
	[tilespmem:$0x1C100] =	vst v63  }
0xf0: {  	s25 =	simm.s32 $0x7100  }
0xf1: {  	[tilespmem:s25], [sflag:$0x2] =	stream.indirect_vreg.gather [hbm4b:s10+s21], $0x80, v3, vm0, $0xb8;
	[tilespmem:$0x1C100] =	vst v63  }
0xf2: {  	s26 =	simm.s32 $0x7900;
	s28 =	simm.s32 $0x0;
	s25 =	simm.s32 $0x0  }
0xf3: {  	[tilespmem:s26], [sflag:$0x2] =	stream.indirect_vreg.gather [hbm4b:s12+s21], $0x80, v3, vm0, $0xb8;
	[tilespmem:$0x1C100] =	vst v63  }
0xf4: {  	s24 =	sand.u32 $0x2000, s28;
	s25 =	sand.u32 $0x380, s25;
	_ =	swait.ge [sflag:s18], $0x4000  }
0xf5: {  	s26 =	sand.u32 $0x1C00, s21;
	s24 =	sor.u32 s25, s24;
	[sflag:s18] =	ssyncset.done $0x0  }
0xf6: {  	s24 =	sor.u32 s26, s24;
	[sflag:s18] =	ssyncadd.s32 $0xFFFFC000  }
0xf7: {  	s29 =	sadd.s32 $0xC100, s24;
	v3 =	vld [tilespmem:s24+$0x14100]  }
0xf8: {  	v4 =	vld [tilespmem:s29+$0x8070]  }
0xf9: {  	v8 =	vld [tilespmem:s29+$0x8010]  }
0xfa: {  	v9 =	vld [tilespmem:s29+$0x8020]  }
0xfb: {  	v7 =	vld [tilespmem:s29+$0x8030]  }
0xfc: {  	v5 =	vld [tilespmem:s29+$0x8040]  }
0xfd: {  	v6 =	vld [tilespmem:s29+$0x8050]  }
0xfe: {  	[tilespmem:s24+$0x8170] =	vst.add.f32.msk $0xffff, v4  }
0xff: {  	v4 =	vld [tilespmem:s29+$0x8060]  }
0x100: {  	[tilespmem:s24+$0x8110] =	vst.add.f32.msk $0xffff, v8  }
0x101: {  	s25 =	simm.s32 $0x0;
	[tilespmem:s24+$0x8120] =	vst.add.f32.msk $0xffff, v9  }
.LBB2_6:
0x102: {  	s25 =	sadd.s32 $0x8, s25;
	[tilespmem:s24+$0x8130] =	vst.add.f32.msk $0xffff, v7  }
0x103: {  	s26 =	sshll.u32 s25, $0x4;
	s28 =	sshll.u32 s25, $0x1;
	p0 =	slt.u32 s25, $0x3F8;
	[tilespmem:s24+$0x8140] =	vst.add.f32.msk $0xffff, v5  }
0x104: {  	s21 =	sadd.s32 $0x400, s21;
	s26 =	sand.u32 $0x2000, s26;
	s28 =	sand.u32 $0x380, s28;
	[tilespmem:s24+$0x8150] =	vst.add.f32.msk $0xffff, v6  }
0x105: {  	s29 =	sand.u32 $0x1C00, s21;
	s26 =	sor.u32 s28, s26;
	[tilespmem:s24+$0x8160] =	vst.add.f32.msk $0xffff, v4  }
0x106: {  	[tilespmem:s24+$0x8100] =	vst.add.f32.msk $0xffff, v3;
	s24 =	sor.u32 s29, s26  }
0x107: {  	v3 =	vld [tilespmem:s24+$0x14100];
	s26 =	sadd.s32 $0xC100, s24  }
0x108: {  	v4 =	vld [tilespmem:s26+$0x8070]  }
0x109: {  	v8 =	vld [tilespmem:s26+$0x8010]  }
0x10a: {  	v9 =	vld [tilespmem:s26+$0x8020]  }
0x10b: {  	v7 =	vld [tilespmem:s26+$0x8030]  }
0x10c: {  	v5 =	vld [tilespmem:s26+$0x8040]  }
.Ltmp2:
0x10d: {  	[tilespmem:s24+$0x8170] =	vst.add.f32.msk $0xffff, v4;
	(pc) =	sbr.rel @p0 .LBB2_6-.Ltmp2, $4  }
0x10e: {  	v6 =	vld [tilespmem:s26+$0x8050]  }
0x10f: {  	v4 =	vld [tilespmem:s26+$0x8060]  }
0x110: {  	[tilespmem:s24+$0x8110] =	vst.add.f32.msk $0xffff, v8  }
0x111: {  	[tilespmem:s24+$0x8120] =	vst.add.f32.msk $0xffff, v9  }
0x112: {  	[tilespmem:s24+$0x8130] =	vst.add.f32.msk $0xffff, v7  }
0x113: {  	[tilespmem:s24+$0x8140] =	vst.add.f32.msk $0xffff, v5  }
0x114: {  	[tilespmem:s24+$0x8100] =	vst.add.f32.msk $0xffff, v3  }
0x115: {  	[tilespmem:s24+$0x8150] =	vst.add.f32.msk $0xffff, v6  }
0x116: {  	[tilespmem:s24+$0x8160] =	vst.add.f32.msk $0xffff, v4  }
0x117: {  	s21 =	simm.s32 $0x0;
	s24 =	rddreg [dreg:$0xc]  }
0x118: {  	[hbm4b:s24+s21] =	stream.linear.scatter [tilespmem:s23], [sflag:$0x6], $0x4000, $0x38;
	[tilespmem:$0x1C100] =	vst v63  }
0x119: {  	_ =	swait.ge [sflag:s19], $0x4000  }
0x11a: {  	[sflag:s19] =	ssyncset.done $0x0  }
0x11b: {  	[sflag:s19] =	ssyncadd.s32 $0xFFFFC000  }
0x11c: {  	v3 =	vld [tilespmem:$0x50];
	_ =	sdelay $0x4  }
0x11d: {  	v4 =	vshll.u32 v3, $0x3  }
0x11e: {  	v3 =	vand.u32 $0x7, v3;
	v4 =	vand.u32 $0xFFFFFFC0, v4  }
0x11f: {  	v3 =	vor.u32 v3, v4  }
0x120: {  	v4 =	vperm.xlane v3, v0;
	_ =	sdelay $0x1  }
0x121: {  	v4 =	vadd.s32 v1, v4;
	_ =	sdelay $0x4  }
0x122: {  	[tilespmem:s23], [sflag:$0x3] =	stream.indirect_vreg.gather [hbm4b:s2+s21], $0x80, v4, vm0, $0xb8;
	[tilespmem:$0x1C100] =	vst v63  }
0x123: {  	s26 =	simm.s32 $0x8900;
	v3 =	vperm.xlane v3, v2  }
0x124: {  	[tilespmem:s26], [sflag:$0x3] =	stream.indirect_vreg.gather [hbm4b:s9+s21], $0x80, v4, vm0, $0xb8;
	[tilespmem:$0x1C100] =	vst v63  }
0x125: {  	s28 =	simm.s32 $0x9100;
	v3 =	vadd.s32 v1, v3  }
0x126: {  	[tilespmem:s28], [sflag:$0x3] =	stream.indirect_vreg.gather [hbm4b:s10+s21], $0x80, v4, vm0, $0xb8;
	[tilespmem:$0x1C100] =	vst v63  }
0x127: {  	s29 =	simm.s32 $0x9900  }
0x128: {  	[tilespmem:s29], [sflag:$0x3] =	stream.indirect_vreg.gather [hbm4b:s12+s21], $0x80, v4, vm0, $0xb8;
	[tilespmem:$0x1C100] =	vst v63  }
0x129: {  	s25 =	simm.s32 $0xA100  }
0x12a: {  	[tilespmem:s25], [sflag:$0x3] =	stream.indirect_vreg.gather [hbm4b:s2+s21], $0x80, v3, vm0, $0xb8;
	[tilespmem:$0x1C100] =	vst v63  }
0x12b: {  	s26 =	simm.s32 $0xA900  }
0x12c: {  	[tilespmem:s26], [sflag:$0x3] =	stream.indirect_vreg.gather [hbm4b:s9+s21], $0x80, v3, vm0, $0xb8;
	[tilespmem:$0x1C100] =	vst v63  }
0x12d: {  	_ = 	snop  }
0x12e: {  	[tilespmem:s5], [sflag:$0x3] =	stream.indirect_vreg.gather [hbm4b:s10+s21], $0x80, v3, vm0, $0xb8;
	[tilespmem:$0x1C100] =	vst v63  }
0x12f: {  	s28 =	simm.s32 $0x0;
	s25 =	simm.s32 $0x0  }
0x130: {  	[tilespmem:s11], [sflag:$0x3] =	stream.indirect_vreg.gather [hbm4b:s12+s21], $0x80, v3, vm0, $0xb8;
	[tilespmem:$0x1C100] =	vst v63  }
0x131: {  	s24 =	sand.u32 $0x2000, s28;
	s25 =	sand.u32 $0x380, s25;
	_ =	swait.ge [sflag:s22], $0x4000  }
0x132: {  	s26 =	sand.u32 $0x1C00, s21;
	s24 =	sor.u32 s25, s24;
	[sflag:s22] =	ssyncset.done $0x0  }
0x133: {  	s24 =	sor.u32 s26, s24;
	[sflag:s22] =	ssyncadd.s32 $0xFFFFC000  }
0x134: {  	s29 =	sadd.s32 $0xC100, s24;
	v3 =	vld [tilespmem:s24+$0x18100]  }
0x135: {  	v4 =	vld [tilespmem:s29+$0xC070]  }
0x136: {  	v8 =	vld [tilespmem:s29+$0xC010]  }
0x137: {  	v9 =	vld [tilespmem:s29+$0xC020]  }
0x138: {  	v7 =	vld [tilespmem:s29+$0xC030]  }
0x139: {  	v5 =	vld [tilespmem:s29+$0xC040]  }
0x13a: {  	v6 =	vld [tilespmem:s29+$0xC050]  }
0x13b: {  	[tilespmem:s24+$0x170] =	vst.add.f32.msk $0xffff, v4  }
0x13c: {  	v4 =	vld [tilespmem:s29+$0xC060]  }
0x13d: {  	[tilespmem:s24+$0x110] =	vst.add.f32.msk $0xffff, v8  }
0x13e: {  	s25 =	simm.s32 $0x0;
	[tilespmem:s24+$0x120] =	vst.add.f32.msk $0xffff, v9  }
.LBB2_8:
0x13f: {  	s25 =	sadd.s32 $0x8, s25;
	[tilespmem:s24+$0x130] =	vst.add.f32.msk $0xffff, v7  }
0x140: {  	s26 =	sshll.u32 s25, $0x4;
	s28 =	sshll.u32 s25, $0x1;
	p0 =	slt.u32 s25, $0x3F8;
	[tilespmem:s24+$0x140] =	vst.add.f32.msk $0xffff, v5  }
0x141: {  	s21 =	sadd.s32 $0x400, s21;
	s26 =	sand.u32 $0x2000, s26;
	s28 =	sand.u32 $0x380, s28;
	[tilespmem:s24+$0x150] =	vst.add.f32.msk $0xffff, v6  }
0x142: {  	s29 =	sand.u32 $0x1C00, s21;
	s26 =	sor.u32 s28, s26;
	[tilespmem:s24+$0x160] =	vst.add.f32.msk $0xffff, v4  }
0x143: {  	[tilespmem:s24+$0x100] =	vst.add.f32.msk $0xffff, v3;
	s24 =	sor.u32 s29, s26  }
0x144: {  	v3 =	vld [tilespmem:s24+$0x18100];
	s26 =	sadd.s32 $0xC100, s24  }
0x145: {  	v4 =	vld [tilespmem:s26+$0xC070]  }
0x146: {  	v8 =	vld [tilespmem:s26+$0xC010]  }
0x147: {  	v9 =	vld [tilespmem:s26+$0xC020]  }
0x148: {  	v7 =	vld [tilespmem:s26+$0xC030]  }
0x149: {  	v5 =	vld [tilespmem:s26+$0xC040]  }
.Ltmp3:
0x14a: {  	[tilespmem:s24+$0x170] =	vst.add.f32.msk $0xffff, v4;
	(pc) =	sbr.rel @p0 .LBB2_8-.Ltmp3, $4  }
0x14b: {  	v6 =	vld [tilespmem:s26+$0xC050]  }
0x14c: {  	v4 =	vld [tilespmem:s26+$0xC060]  }
0x14d: {  	[tilespmem:s24+$0x110] =	vst.add.f32.msk $0xffff, v8  }
0x14e: {  	[tilespmem:s24+$0x120] =	vst.add.f32.msk $0xffff, v9  }
0x14f: {  	[tilespmem:s24+$0x130] =	vst.add.f32.msk $0xffff, v7  }
0x150: {  	[tilespmem:s24+$0x140] =	vst.add.f32.msk $0xffff, v5  }
0x151: {  	[tilespmem:s24+$0x100] =	vst.add.f32.msk $0xffff, v3  }
0x152: {  	[tilespmem:s24+$0x150] =	vst.add.f32.msk $0xffff, v6  }
0x153: {  	[tilespmem:s24+$0x160] =	vst.add.f32.msk $0xffff, v4  }
0x154: {  	s21 =	simm.s32 $0x0;
	s24 =	rddreg [dreg:$0xd]  }
0x155: {  	[hbm4b:s24+s21] =	stream.linear.scatter [tilespmem:s31], [sflag:$0x4], $0x4000, $0x38;
	[tilespmem:$0x1C100] =	vst v63  }
0x156: {  	_ =	swait.ge [sflag:s15], $0x4000  }
0x157: {  	[sflag:s15] =	ssyncset.done $0x0  }
0x158: {  	[sflag:s15] =	ssyncadd.s32 $0xFFFFC000  }
0x159: {  	v3 =	vld [tilespmem:$0x60];
	_ =	sdelay $0x4  }
0x15a: {  	v4 =	vshll.u32 v3, $0x3  }
0x15b: {  	v3 =	vand.u32 $0x7, v3;
	v4 =	vand.u32 $0xFFFFFFC0, v4  }
0x15c: {  	v3 =	vor.u32 v3, v4  }
0x15d: {  	v4 =	vperm.xlane v3, v0;
	_ =	sdelay $0x1  }
0x15e: {  	v4 =	vadd.s32 v1, v4;
	_ =	sdelay $0x4  }
0x15f: {  	[tilespmem:s31], [sflag:$0x1] =	stream.indirect_vreg.gather [hbm4b:s2+s21], $0x80, v4, vm0, $0xb8;
	[tilespmem:$0x1C100] =	vst v63  }
0x160: {  	v3 =	vperm.xlane v3, v2  }
0x161: {  	[tilespmem:s0], [sflag:$0x1] =	stream.indirect_vreg.gather [hbm4b:s9+s21], $0x80, v4, vm0, $0xb8;
	[tilespmem:$0x1C100] =	vst v63  }
0x162: {  	v3 =	vadd.s32 v1, v3  }
0x163: {  	[tilespmem:s1], [sflag:$0x1] =	stream.indirect_vreg.gather [hbm4b:s10+s21], $0x80, v4, vm0, $0xb8;
	[tilespmem:$0x1C100] =	vst v63  }
0x164: {  	_ = 	snop  }
0x165: {  	[tilespmem:s4], [sflag:$0x1] =	stream.indirect_vreg.gather [hbm4b:s12+s21], $0x80, v4, vm0, $0xb8;
	[tilespmem:$0x1C100] =	vst v63  }
0x166: {  	_ = 	snop  }
0x167: {  	[tilespmem:s6], [sflag:$0x1] =	stream.indirect_vreg.gather [hbm4b:s2+s21], $0x80, v3, vm0, $0xb8;
	[tilespmem:$0x1C100] =	vst v63  }
0x168: {  	_ = 	snop  }
0x169: {  	[tilespmem:s7], [sflag:$0x1] =	stream.indirect_vreg.gather [hbm4b:s9+s21], $0x80, v3, vm0, $0xb8;
	[tilespmem:$0x1C100] =	vst v63  }
0x16a: {  	_ = 	snop  }
0x16b: {  	[tilespmem:s8], [sflag:$0x1] =	stream.indirect_vreg.gather [hbm4b:s10+s21], $0x80, v3, vm0, $0xb8;
	[tilespmem:$0x1C100] =	vst v63  }
0x16c: {  	s28 =	simm.s32 $0x0;
	s26 =	simm.s32 $0x0  }
0x16d: {  	[tilespmem:s13], [sflag:$0x1] =	stream.indirect_vreg.gather [hbm4b:s12+s21], $0x80, v3, vm0, $0xb8;
	[tilespmem:$0x1C100] =	vst v63  }
0x16e: {  	s25 =	sand.u32 $0x1C00, s21;
	s24 =	sand.u32 $0x2000, s28;
	_ =	swait.ge [sflag:s16], $0x4000  }
0x16f: {  	s29 =	sand.u32 $0x380, s26;
	s24 =	sor.u32 s25, s24;
	[sflag:s16] =	ssyncset.done $0x0  }
0x170: {  	s24 =	sor.u32 s29, s24;
	[sflag:s16] =	ssyncadd.s32 $0xFFFFC000  }
0x171: {  	v3 =	vld [tilespmem:s24+$0xC170]  }
0x172: {  	v8 =	vld [tilespmem:s24+$0xC100]  }
0x173: {  	v9 =	vld [tilespmem:s24+$0xC110]  }
0x174: {  	v7 =	vld [tilespmem:s24+$0xC120]  }
0x175: {  	v6 =	vld [tilespmem:s24+$0xC130]  }
0x176: {  	v5 =	vld [tilespmem:s24+$0xC140]  }
0x177: {  	v4 =	vld [tilespmem:s24+$0xC160]  }
0x178: {  	[tilespmem:s24+$0x4170] =	vst.add.f32.msk $0xffff, v3  }
0x179: {  	v3 =	vld [tilespmem:s24+$0xC150]  }
0x17a: {  	[tilespmem:s24+$0x4100] =	vst.add.f32.msk $0xffff, v8  }
0x17b: {  	s25 =	simm.s32 $0x0;
	[tilespmem:s24+$0x4110] =	vst.add.f32.msk $0xffff, v9  }
.LBB2_10:
0x17c: {  	s25 =	sadd.s32 $0x8, s25;
	[tilespmem:s24+$0x4120] =	vst.add.f32.msk $0xffff, v7  }
0x17d: {  	s21 =	sadd.s32 $0x400, s21;
	s26 =	sshll.u32 s25, $0x4;
	p0 =	slt.u32 s25, $0x3F8;
	[tilespmem:s24+$0x4130] =	vst.add.f32.msk $0xffff, v6  }
0x17e: {  	s28 =	sand.u32 $0x1C00, s21;
	s29 =	sshll.u32 s25, $0x1;
	s26 =	sand.u32 $0x2000, s26;
	[tilespmem:s24+$0x4140] =	vst.add.f32.msk $0xffff, v5  }
0x17f: {  	s26 =	sor.u32 s28, s26;
	s28 =	sand.u32 $0x380, s29;
	[tilespmem:s24+$0x4150] =	vst.add.f32.msk $0xffff, v3  }
0x180: {  	[tilespmem:s24+$0x4160] =	vst.add.f32.msk $0xffff, v4;
	s24 =	sor.u32 s28, s26  }
0x181: {  	v3 =	vld [tilespmem:s24+$0xC170]  }
0x182: {  	v8 =	vld [tilespmem:s24+$0xC100]  }
0x183: {  	v9 =	vld [tilespmem:s24+$0xC110]  }
0x184: {  	v7 =	vld [tilespmem:s24+$0xC120]  }
0x185: {  	v6 =	vld [tilespmem:s24+$0xC130]  }
0x186: {  	[tilespmem:s24+$0x4170] =	vst.add.f32.msk $0xffff, v3  }
.Ltmp4:
0x187: {  	v5 =	vld [tilespmem:s24+$0xC140];
	(pc) =	sbr.rel @p0 .LBB2_10-.Ltmp4, $4  }
0x188: {  	v3 =	vld [tilespmem:s24+$0xC150]  }
0x189: {  	v4 =	vld [tilespmem:s24+$0xC160]  }
0x18a: {  	[tilespmem:s24+$0x4100] =	vst.add.f32.msk $0xffff, v8  }
0x18b: {  	[tilespmem:s24+$0x4110] =	vst.add.f32.msk $0xffff, v9  }
0x18c: {  	[tilespmem:s24+$0x4120] =	vst.add.f32.msk $0xffff, v7  }
0x18d: {  	[tilespmem:s24+$0x4130] =	vst.add.f32.msk $0xffff, v6  }
0x18e: {  	[tilespmem:s24+$0x4140] =	vst.add.f32.msk $0xffff, v5  }
0x18f: {  	[tilespmem:s24+$0x4150] =	vst.add.f32.msk $0xffff, v3  }
0x190: {  	[tilespmem:s24+$0x4160] =	vst.add.f32.msk $0xffff, v4  }
0x191: {  	s21 =	simm.s32 $0x0;
	s24 =	rddreg [dreg:$0xe]  }
0x192: {  	[hbm4b:s24+s21] =	stream.linear.scatter [tilespmem:s14], [sflag:$0x5], $0x4000, $0x38;
	[tilespmem:$0x1C100] =	vst v63  }
0x193: {  	_ =	swait.ge [sflag:s17], $0x4000  }
0x194: {  	[sflag:s17] =	ssyncset.done $0x0  }
0x195: {  	[sflag:s17] =	ssyncadd.s32 $0xFFFFC000  }
0x196: {  	v3 =	vld [tilespmem:$0x70];
	_ =	sdelay $0x4  }
0x197: {  	v4 =	vshll.u32 v3, $0x3  }
0x198: {  	v3 =	vand.u32 $0x7, v3;
	v4 =	vand.u32 $0xFFFFFFC0, v4  }
0x199: {  	v3 =	vor.u32 v3, v4  }
0x19a: {  	v4 =	vperm.xlane v3, v0;
	_ =	sdelay $0x1  }
0x19b: {  	v4 =	vadd.s32 v1, v4;
	_ =	sdelay $0x4  }
0x19c: {  	[tilespmem:s14], [sflag:$0x2] =	stream.indirect_vreg.gather [hbm4b:s2+s21], $0x80, v4, vm0, $0xb8;
	[tilespmem:$0x1C100] =	vst v63  }
0x19d: {  	s29 =	simm.s32 $0x4900;
	v3 =	vperm.xlane v3, v2  }
0x19e: {  	[tilespmem:s29], [sflag:$0x2] =	stream.indirect_vreg.gather [hbm4b:s9+s21], $0x80, v4, vm0, $0xb8;
	[tilespmem:$0x1C100] =	vst v63  }
0x19f: {  	s25 =	simm.s32 $0x5100;
	v3 =	vadd.s32 v1, v3  }
0x1a0: {  	[tilespmem:s25], [sflag:$0x2] =	stream.indirect_vreg.gather [hbm4b:s10+s21], $0x80, v4, vm0, $0xb8;
	[tilespmem:$0x1C100] =	vst v63  }
0x1a1: {  	s26 =	simm.s32 $0x5900  }
0x1a2: {  	[tilespmem:s26], [sflag:$0x2] =	stream.indirect_vreg.gather [hbm4b:s12+s21], $0x80, v4, vm0, $0xb8;
	[tilespmem:$0x1C100] =	vst v63  }
0x1a3: {  	s28 =	simm.s32 $0x6100  }
0x1a4: {  	[tilespmem:s28], [sflag:$0x2] =	stream.indirect_vreg.gather [hbm4b:s2+s21], $0x80, v3, vm0, $0xb8;
	[tilespmem:$0x1C100] =	vst v63  }
0x1a5: {  	s29 =	simm.s32 $0x6900  }
0x1a6: {  	[tilespmem:s29], [sflag:$0x2] =	stream.indirect_vreg.gather [hbm4b:s9+s21], $0x80, v3, vm0, $0xb8;
	[tilespmem:$0x1C100] =	vst v63  }
0x1a7: {  	s25 =	simm.s32 $0x7100  }
0x1a8: {  	[tilespmem:s25], [sflag:$0x2] =	stream.indirect_vreg.gather [hbm4b:s10+s21], $0x80, v3, vm0, $0xb8;
	[tilespmem:$0x1C100] =	vst v63  }
0x1a9: {  	s26 =	simm.s32 $0x7900;
	s28 =	simm.s32 $0x0;
	s25 =	simm.s32 $0x0  }
0x1aa: {  	[tilespmem:s26], [sflag:$0x2] =	stream.indirect_vreg.gather [hbm4b:s12+s21], $0x80, v3, vm0, $0xb8;
	[tilespmem:$0x1C100] =	vst v63  }
0x1ab: {  	s24 =	sand.u32 $0x2000, s28;
	s25 =	sand.u32 $0x380, s25;
	_ =	swait.ge [sflag:s18], $0x4000  }
0x1ac: {  	s26 =	sand.u32 $0x1C00, s21;
	s24 =	sor.u32 s25, s24;
	[sflag:s18] =	ssyncset.done $0x0  }
0x1ad: {  	s24 =	sor.u32 s26, s24;
	[sflag:s18] =	ssyncadd.s32 $0xFFFFC000  }
0x1ae: {  	s29 =	sadd.s32 $0xC100, s24;
	v3 =	vld [tilespmem:s24+$0x10100]  }
0x1af: {  	v4 =	vld [tilespmem:s29+$0x4070]  }
0x1b0: {  	v8 =	vld [tilespmem:s29+$0x4010]  }
0x1b1: {  	v9 =	vld [tilespmem:s29+$0x4020]  }
0x1b2: {  	v7 =	vld [tilespmem:s29+$0x4030]  }
0x1b3: {  	v5 =	vld [tilespmem:s29+$0x4040]  }
0x1b4: {  	v6 =	vld [tilespmem:s29+$0x4050]  }
0x1b5: {  	[tilespmem:s24+$0x8170] =	vst.add.f32.msk $0xffff, v4  }
0x1b6: {  	v4 =	vld [tilespmem:s29+$0x4060]  }
0x1b7: {  	[tilespmem:s24+$0x8110] =	vst.add.f32.msk $0xffff, v8  }
0x1b8: {  	s25 =	simm.s32 $0x0;
	[tilespmem:s24+$0x8120] =	vst.add.f32.msk $0xffff, v9  }
.LBB2_12:
0x1b9: {  	s25 =	sadd.s32 $0x8, s25;
	[tilespmem:s24+$0x8130] =	vst.add.f32.msk $0xffff, v7  }
0x1ba: {  	s26 =	sshll.u32 s25, $0x4;
	s28 =	sshll.u32 s25, $0x1;
	p0 =	slt.u32 s25, $0x3F8;
	[tilespmem:s24+$0x8140] =	vst.add.f32.msk $0xffff, v5  }
0x1bb: {  	s21 =	sadd.s32 $0x400, s21;
	s26 =	sand.u32 $0x2000, s26;
	s28 =	sand.u32 $0x380, s28;
	[tilespmem:s24+$0x8150] =	vst.add.f32.msk $0xffff, v6  }
0x1bc: {  	s29 =	sand.u32 $0x1C00, s21;
	s26 =	sor.u32 s28, s26;
	[tilespmem:s24+$0x8160] =	vst.add.f32.msk $0xffff, v4  }
0x1bd: {  	[tilespmem:s24+$0x8100] =	vst.add.f32.msk $0xffff, v3;
	s24 =	sor.u32 s29, s26  }
0x1be: {  	v3 =	vld [tilespmem:s24+$0x10100];
	s26 =	sadd.s32 $0xC100, s24  }
0x1bf: {  	v4 =	vld [tilespmem:s26+$0x4070]  }
0x1c0: {  	v8 =	vld [tilespmem:s26+$0x4010]  }
0x1c1: {  	v9 =	vld [tilespmem:s26+$0x4020]  }
0x1c2: {  	v7 =	vld [tilespmem:s26+$0x4030]  }
0x1c3: {  	v5 =	vld [tilespmem:s26+$0x4040]  }
.Ltmp5:
0x1c4: {  	[tilespmem:s24+$0x8170] =	vst.add.f32.msk $0xffff, v4;
	(pc) =	sbr.rel @p0 .LBB2_12-.Ltmp5, $4  }
0x1c5: {  	v6 =	vld [tilespmem:s26+$0x4050]  }
0x1c6: {  	v4 =	vld [tilespmem:s26+$0x4060]  }
0x1c7: {  	[tilespmem:s24+$0x8110] =	vst.add.f32.msk $0xffff, v8  }
0x1c8: {  	[tilespmem:s24+$0x8120] =	vst.add.f32.msk $0xffff, v9  }
0x1c9: {  	[tilespmem:s24+$0x8130] =	vst.add.f32.msk $0xffff, v7  }
0x1ca: {  	[tilespmem:s24+$0x8140] =	vst.add.f32.msk $0xffff, v5  }
0x1cb: {  	[tilespmem:s24+$0x8100] =	vst.add.f32.msk $0xffff, v3  }
0x1cc: {  	[tilespmem:s24+$0x8150] =	vst.add.f32.msk $0xffff, v6  }
0x1cd: {  	[tilespmem:s24+$0x8160] =	vst.add.f32.msk $0xffff, v4  }
0x1ce: {  	s21 =	simm.s32 $0x0;
	s24 =	rddreg [dreg:$0xf]  }
0x1cf: {  	[hbm4b:s24+s21] =	stream.linear.scatter [tilespmem:s23], [sflag:$0x6], $0x4000, $0x38;
	[tilespmem:$0x1C100] =	vst v63  }
0x1d0: {  	_ =	swait.ge [sflag:s19], $0x4000  }
0x1d1: {  	[sflag:s19] =	ssyncset.done $0x0  }
0x1d2: {  	[sflag:s19] =	ssyncadd.s32 $0xFFFFC000  }
0x1d3: {  	v3 =	vld [tilespmem:$0x80];
	_ =	sdelay $0x4  }
0x1d4: {  	v4 =	vshll.u32 v3, $0x3  }
0x1d5: {  	v3 =	vand.u32 $0x7, v3;
	v4 =	vand.u32 $0xFFFFFFC0, v4  }
0x1d6: {  	v3 =	vor.u32 v3, v4  }
0x1d7: {  	v4 =	vperm.xlane v3, v0;
	_ =	sdelay $0x1  }
0x1d8: {  	v4 =	vadd.s32 v1, v4;
	_ =	sdelay $0x4  }
0x1d9: {  	[tilespmem:s23], [sflag:$0x3] =	stream.indirect_vreg.gather [hbm4b:s2+s21], $0x80, v4, vm0, $0xb8;
	[tilespmem:$0x1C100] =	vst v63  }
0x1da: {  	s26 =	simm.s32 $0x8900;
	v3 =	vperm.xlane v3, v2  }
0x1db: {  	[tilespmem:s26], [sflag:$0x3] =	stream.indirect_vreg.gather [hbm4b:s9+s21], $0x80, v4, vm0, $0xb8;
	[tilespmem:$0x1C100] =	vst v63  }
0x1dc: {  	s28 =	simm.s32 $0x9100;
	v3 =	vadd.s32 v1, v3  }
0x1dd: {  	[tilespmem:s28], [sflag:$0x3] =	stream.indirect_vreg.gather [hbm4b:s10+s21], $0x80, v4, vm0, $0xb8;
	[tilespmem:$0x1C100] =	vst v63  }
0x1de: {  	s29 =	simm.s32 $0x9900  }
0x1df: {  	[tilespmem:s29], [sflag:$0x3] =	stream.indirect_vreg.gather [hbm4b:s12+s21], $0x80, v4, vm0, $0xb8;
	[tilespmem:$0x1C100] =	vst v63  }
0x1e0: {  	s25 =	simm.s32 $0xA100  }
0x1e1: {  	[tilespmem:s25], [sflag:$0x3] =	stream.indirect_vreg.gather [hbm4b:s2+s21], $0x80, v3, vm0, $0xb8;
	[tilespmem:$0x1C100] =	vst v63  }
0x1e2: {  	s26 =	simm.s32 $0xA900  }
0x1e3: {  	[tilespmem:s26], [sflag:$0x3] =	stream.indirect_vreg.gather [hbm4b:s9+s21], $0x80, v3, vm0, $0xb8;
	[tilespmem:$0x1C100] =	vst v63  }
0x1e4: {  	_ = 	snop  }
0x1e5: {  	[tilespmem:s5], [sflag:$0x3] =	stream.indirect_vreg.gather [hbm4b:s10+s21], $0x80, v3, vm0, $0xb8;
	[tilespmem:$0x1C100] =	vst v63  }
0x1e6: {  	s28 =	simm.s32 $0x0;
	s25 =	simm.s32 $0x0  }
0x1e7: {  	[tilespmem:s11], [sflag:$0x3] =	stream.indirect_vreg.gather [hbm4b:s12+s21], $0x80, v3, vm0, $0xb8;
	[tilespmem:$0x1C100] =	vst v63  }
0x1e8: {  	s24 =	sand.u32 $0x2000, s28;
	s25 =	sand.u32 $0x380, s25;
	_ =	swait.ge [sflag:s22], $0x4000  }
0x1e9: {  	s26 =	sand.u32 $0x1C00, s21;
	s24 =	sor.u32 s25, s24;
	[sflag:s22] =	ssyncset.done $0x0  }
0x1ea: {  	s24 =	sor.u32 s26, s24;
	[sflag:s22] =	ssyncadd.s32 $0xFFFFC000  }
0x1eb: {  	s29 =	sadd.s32 $0xC100, s24;
	v3 =	vld [tilespmem:s24+$0x14100]  }
0x1ec: {  	v4 =	vld [tilespmem:s29+$0x8070]  }
0x1ed: {  	v8 =	vld [tilespmem:s29+$0x8010]  }
0x1ee: {  	v9 =	vld [tilespmem:s29+$0x8020]  }
0x1ef: {  	v7 =	vld [tilespmem:s29+$0x8030]  }
0x1f0: {  	v5 =	vld [tilespmem:s29+$0x8040]  }
0x1f1: {  	v6 =	vld [tilespmem:s29+$0x8050]  }
0x1f2: {  	[tilespmem:s24+$0x170] =	vst.add.f32.msk $0xffff, v4  }
0x1f3: {  	v4 =	vld [tilespmem:s29+$0x8060]  }
0x1f4: {  	[tilespmem:s24+$0x110] =	vst.add.f32.msk $0xffff, v8  }
0x1f5: {  	s25 =	simm.s32 $0x0;
	[tilespmem:s24+$0x120] =	vst.add.f32.msk $0xffff, v9  }
.LBB2_14:
0x1f6: {  	s25 =	sadd.s32 $0x8, s25;
	[tilespmem:s24+$0x130] =	vst.add.f32.msk $0xffff, v7  }
0x1f7: {  	s26 =	sshll.u32 s25, $0x4;
	s28 =	sshll.u32 s25, $0x1;
	p0 =	slt.u32 s25, $0x3F8;
	[tilespmem:s24+$0x140] =	vst.add.f32.msk $0xffff, v5  }
0x1f8: {  	s21 =	sadd.s32 $0x400, s21;
	s26 =	sand.u32 $0x2000, s26;
	s28 =	sand.u32 $0x380, s28;
	[tilespmem:s24+$0x150] =	vst.add.f32.msk $0xffff, v6  }
0x1f9: {  	s29 =	sand.u32 $0x1C00, s21;
	s26 =	sor.u32 s28, s26;
	[tilespmem:s24+$0x160] =	vst.add.f32.msk $0xffff, v4  }
0x1fa: {  	[tilespmem:s24+$0x100] =	vst.add.f32.msk $0xffff, v3;
	s24 =	sor.u32 s29, s26  }
0x1fb: {  	v3 =	vld [tilespmem:s24+$0x14100];
	s26 =	sadd.s32 $0xC100, s24  }
0x1fc: {  	v4 =	vld [tilespmem:s26+$0x8070]  }
0x1fd: {  	v8 =	vld [tilespmem:s26+$0x8010]  }
0x1fe: {  	v9 =	vld [tilespmem:s26+$0x8020]  }
0x1ff: {  	v7 =	vld [tilespmem:s26+$0x8030]  }
0x200: {  	v5 =	vld [tilespmem:s26+$0x8040]  }
.Ltmp6:
0x201: {  	[tilespmem:s24+$0x170] =	vst.add.f32.msk $0xffff, v4;
	(pc) =	sbr.rel @p0 .LBB2_14-.Ltmp6, $4  }
0x202: {  	v6 =	vld [tilespmem:s26+$0x8050]  }
0x203: {  	v4 =	vld [tilespmem:s26+$0x8060]  }
0x204: {  	[tilespmem:s24+$0x110] =	vst.add.f32.msk $0xffff, v8  }
0x205: {  	[tilespmem:s24+$0x120] =	vst.add.f32.msk $0xffff, v9  }
0x206: {  	[tilespmem:s24+$0x130] =	vst.add.f32.msk $0xffff, v7  }
0x207: {  	[tilespmem:s24+$0x140] =	vst.add.f32.msk $0xffff, v5  }
0x208: {  	[tilespmem:s24+$0x100] =	vst.add.f32.msk $0xffff, v3  }
0x209: {  	[tilespmem:s24+$0x150] =	vst.add.f32.msk $0xffff, v6  }
0x20a: {  	[tilespmem:s24+$0x160] =	vst.add.f32.msk $0xffff, v4  }
0x20b: {  	s21 =	simm.s32 $0x0;
	s24 =	rddreg [dreg:$0x10]  }
0x20c: {  	[hbm4b:s24+s21] =	stream.linear.scatter [tilespmem:s31], [sflag:$0x4], $0x4000, $0x38;
	[tilespmem:$0x1C100] =	vst v63  }
0x20d: {  	_ =	swait.ge [sflag:s15], $0x4000  }
0x20e: {  	[sflag:s15] =	ssyncset.done $0x0  }
0x20f: {  	[sflag:s15] =	ssyncadd.s32 $0xFFFFC000  }
0x210: {  	v3 =	vld [tilespmem:$0x90];
	_ =	sdelay $0x4  }
0x211: {  	v4 =	vshll.u32 v3, $0x3  }
0x212: {  	v3 =	vand.u32 $0x7, v3;
	v4 =	vand.u32 $0xFFFFFFC0, v4  }
0x213: {  	v3 =	vor.u32 v3, v4  }
0x214: {  	v4 =	vperm.xlane v3, v0;
	_ =	sdelay $0x1  }
0x215: {  	v4 =	vadd.s32 v1, v4;
	_ =	sdelay $0x4  }
0x216: {  	[tilespmem:s31], [sflag:$0x1] =	stream.indirect_vreg.gather [hbm4b:s2+s21], $0x80, v4, vm0, $0xb8;
	[tilespmem:$0x1C100] =	vst v63  }
0x217: {  	v3 =	vperm.xlane v3, v2  }
0x218: {  	[tilespmem:s0], [sflag:$0x1] =	stream.indirect_vreg.gather [hbm4b:s9+s21], $0x80, v4, vm0, $0xb8;
	[tilespmem:$0x1C100] =	vst v63  }
0x219: {  	v3 =	vadd.s32 v1, v3  }
0x21a: {  	[tilespmem:s1], [sflag:$0x1] =	stream.indirect_vreg.gather [hbm4b:s10+s21], $0x80, v4, vm0, $0xb8;
	[tilespmem:$0x1C100] =	vst v63  }
0x21b: {  	_ = 	snop  }
0x21c: {  	[tilespmem:s4], [sflag:$0x1] =	stream.indirect_vreg.gather [hbm4b:s12+s21], $0x80, v4, vm0, $0xb8;
	[tilespmem:$0x1C100] =	vst v63  }
0x21d: {  	_ = 	snop  }
0x21e: {  	[tilespmem:s6], [sflag:$0x1] =	stream.indirect_vreg.gather [hbm4b:s2+s21], $0x80, v3, vm0, $0xb8;
	[tilespmem:$0x1C100] =	vst v63  }
0x21f: {  	_ = 	snop  }
0x220: {  	[tilespmem:s7], [sflag:$0x1] =	stream.indirect_vreg.gather [hbm4b:s9+s21], $0x80, v3, vm0, $0xb8;
	[tilespmem:$0x1C100] =	vst v63  }
0x221: {  	_ = 	snop  }
0x222: {  	[tilespmem:s8], [sflag:$0x1] =	stream.indirect_vreg.gather [hbm4b:s10+s21], $0x80, v3, vm0, $0xb8;
	[tilespmem:$0x1C100] =	vst v63  }
0x223: {  	s28 =	simm.s32 $0x0;
	s25 =	simm.s32 $0x0  }
0x224: {  	[tilespmem:s13], [sflag:$0x1] =	stream.indirect_vreg.gather [hbm4b:s12+s21], $0x80, v3, vm0, $0xb8;
	[tilespmem:$0x1C100] =	vst v63  }
0x225: {  	s25 =	sand.u32 $0x380, s25;
	s24 =	sand.u32 $0x2000, s28;
	_ =	swait.ge [sflag:s16], $0x4000  }
0x226: {  	s26 =	sand.u32 $0x1C00, s21;
	s24 =	sor.u32 s25, s24;
	[sflag:s16] =	ssyncset.done $0x0  }
0x227: {  	s24 =	sor.u32 s26, s24;
	[sflag:s16] =	ssyncadd.s32 $0xFFFFC000  }
0x228: {  	s29 =	sadd.s32 $0xC100, s24;
	v3 =	vld [tilespmem:s24+$0x18100]  }
0x229: {  	v4 =	vld [tilespmem:s29+$0xC070]  }
0x22a: {  	v8 =	vld [tilespmem:s29+$0xC010]  }
0x22b: {  	v9 =	vld [tilespmem:s29+$0xC020]  }
0x22c: {  	v7 =	vld [tilespmem:s29+$0xC030]  }
0x22d: {  	v5 =	vld [tilespmem:s29+$0xC040]  }
0x22e: {  	v6 =	vld [tilespmem:s29+$0xC050]  }
0x22f: {  	[tilespmem:s24+$0x4170] =	vst.add.f32.msk $0xffff, v4  }
0x230: {  	v4 =	vld [tilespmem:s29+$0xC060]  }
0x231: {  	[tilespmem:s24+$0x4110] =	vst.add.f32.msk $0xffff, v8  }
0x232: {  	s25 =	simm.s32 $0x0;
	[tilespmem:s24+$0x4120] =	vst.add.f32.msk $0xffff, v9  }
.LBB2_16:
0x233: {  	s25 =	sadd.s32 $0x8, s25;
	[tilespmem:s24+$0x4130] =	vst.add.f32.msk $0xffff, v7  }
0x234: {  	s26 =	sshll.u32 s25, $0x4;
	s28 =	sshll.u32 s25, $0x1;
	p0 =	slt.u32 s25, $0x3F8;
	[tilespmem:s24+$0x4140] =	vst.add.f32.msk $0xffff, v5  }
0x235: {  	s21 =	sadd.s32 $0x400, s21;
	s26 =	sand.u32 $0x2000, s26;
	s28 =	sand.u32 $0x380, s28;
	[tilespmem:s24+$0x4150] =	vst.add.f32.msk $0xffff, v6  }
0x236: {  	s29 =	sand.u32 $0x1C00, s21;
	s26 =	sor.u32 s28, s26;
	[tilespmem:s24+$0x4160] =	vst.add.f32.msk $0xffff, v4  }
0x237: {  	[tilespmem:s24+$0x4100] =	vst.add.f32.msk $0xffff, v3;
	s24 =	sor.u32 s29, s26  }
0x238: {  	v3 =	vld [tilespmem:s24+$0x18100];
	s26 =	sadd.s32 $0xC100, s24  }
0x239: {  	v4 =	vld [tilespmem:s26+$0xC070]  }
0x23a: {  	v8 =	vld [tilespmem:s26+$0xC010]  }
0x23b: {  	v9 =	vld [tilespmem:s26+$0xC020]  }
0x23c: {  	v7 =	vld [tilespmem:s26+$0xC030]  }
0x23d: {  	v5 =	vld [tilespmem:s26+$0xC040]  }
.Ltmp7:
0x23e: {  	[tilespmem:s24+$0x4170] =	vst.add.f32.msk $0xffff, v4;
	(pc) =	sbr.rel @p0 .LBB2_16-.Ltmp7, $4  }
0x23f: {  	v6 =	vld [tilespmem:s26+$0xC050]  }
0x240: {  	v4 =	vld [tilespmem:s26+$0xC060]  }
0x241: {  	[tilespmem:s24+$0x4110] =	vst.add.f32.msk $0xffff, v8  }
0x242: {  	[tilespmem:s24+$0x4120] =	vst.add.f32.msk $0xffff, v9  }
0x243: {  	[tilespmem:s24+$0x4130] =	vst.add.f32.msk $0xffff, v7  }
0x244: {  	[tilespmem:s24+$0x4140] =	vst.add.f32.msk $0xffff, v5  }
0x245: {  	[tilespmem:s24+$0x4100] =	vst.add.f32.msk $0xffff, v3  }
0x246: {  	[tilespmem:s24+$0x4150] =	vst.add.f32.msk $0xffff, v6  }
0x247: {  	[tilespmem:s24+$0x4160] =	vst.add.f32.msk $0xffff, v4  }
0x248: {  	s21 =	simm.s32 $0x0;
	s24 =	rddreg [dreg:$0x11]  }
0x249: {  	[hbm4b:s24+s21] =	stream.linear.scatter [tilespmem:s14], [sflag:$0x5], $0x4000, $0x38;
	[tilespmem:$0x1C100] =	vst v63  }
0x24a: {  	_ =	swait.ge [sflag:s17], $0x4000  }
0x24b: {  	[sflag:s17] =	ssyncset.done $0x0  }
0x24c: {  	[sflag:s17] =	ssyncadd.s32 $0xFFFFC000  }
0x24d: {  	v3 =	vld [tilespmem:$0xA0];
	_ =	sdelay $0x4  }
0x24e: {  	v4 =	vshll.u32 v3, $0x3  }
0x24f: {  	v3 =	vand.u32 $0x7, v3;
	v4 =	vand.u32 $0xFFFFFFC0, v4  }
0x250: {  	v3 =	vor.u32 v3, v4  }
0x251: {  	v4 =	vperm.xlane v3, v0;
	_ =	sdelay $0x1  }
0x252: {  	v4 =	vadd.s32 v1, v4;
	_ =	sdelay $0x4  }
0x253: {  	[tilespmem:s14], [sflag:$0x2] =	stream.indirect_vreg.gather [hbm4b:s2+s21], $0x80, v4, vm0, $0xb8;
	[tilespmem:$0x1C100] =	vst v63  }
0x254: {  	s29 =	simm.s32 $0x4900;
	v3 =	vperm.xlane v3, v2  }
0x255: {  	[tilespmem:s29], [sflag:$0x2] =	stream.indirect_vreg.gather [hbm4b:s9+s21], $0x80, v4, vm0, $0xb8;
	[tilespmem:$0x1C100] =	vst v63  }
0x256: {  	s25 =	simm.s32 $0x5100;
	v3 =	vadd.s32 v1, v3  }
0x257: {  	[tilespmem:s25], [sflag:$0x2] =	stream.indirect_vreg.gather [hbm4b:s10+s21], $0x80, v4, vm0, $0xb8;
	[tilespmem:$0x1C100] =	vst v63  }
0x258: {  	s26 =	simm.s32 $0x5900  }
0x259: {  	[tilespmem:s26], [sflag:$0x2] =	stream.indirect_vreg.gather [hbm4b:s12+s21], $0x80, v4, vm0, $0xb8;
	[tilespmem:$0x1C100] =	vst v63  }
0x25a: {  	s28 =	simm.s32 $0x6100  }
0x25b: {  	[tilespmem:s28], [sflag:$0x2] =	stream.indirect_vreg.gather [hbm4b:s2+s21], $0x80, v3, vm0, $0xb8;
	[tilespmem:$0x1C100] =	vst v63  }
0x25c: {  	s29 =	simm.s32 $0x6900  }
0x25d: {  	[tilespmem:s29], [sflag:$0x2] =	stream.indirect_vreg.gather [hbm4b:s9+s21], $0x80, v3, vm0, $0xb8;
	[tilespmem:$0x1C100] =	vst v63  }
0x25e: {  	s25 =	simm.s32 $0x7100;
	s28 =	simm.s32 $0x0  }
0x25f: {  	[tilespmem:s25], [sflag:$0x2] =	stream.indirect_vreg.gather [hbm4b:s10+s21], $0x80, v3, vm0, $0xb8;
	[tilespmem:$0x1C100] =	vst v63  }
0x260: {  	s26 =	simm.s32 $0x7900;
	s24 =	sand.u32 $0x2000, s28  }
0x261: {  	[tilespmem:s26], [sflag:$0x2] =	stream.indirect_vreg.gather [hbm4b:s12+s21], $0x80, v3, vm0, $0xb8;
	[tilespmem:$0x1C100] =	vst v63  }
0x262: {  	s25 =	sand.u32 $0x1C00, s21;
	s26 =	simm.s32 $0x0;
	_ =	swait.ge [sflag:s18], $0x4000  }
0x263: {  	s24 =	sor.u32 s25, s24;
	s29 =	sand.u32 $0x380, s26;
	[sflag:s18] =	ssyncset.done $0x0  }
0x264: {  	s24 =	sor.u32 s29, s24;
	[sflag:s18] =	ssyncadd.s32 $0xFFFFC000  }
0x265: {  	v3 =	vld [tilespmem:s24+$0xC170]  }
0x266: {  	v8 =	vld [tilespmem:s24+$0xC100]  }
0x267: {  	v9 =	vld [tilespmem:s24+$0xC110]  }
0x268: {  	v7 =	vld [tilespmem:s24+$0xC120]  }
0x269: {  	v6 =	vld [tilespmem:s24+$0xC130]  }
0x26a: {  	v5 =	vld [tilespmem:s24+$0xC140]  }
0x26b: {  	v4 =	vld [tilespmem:s24+$0xC160]  }
0x26c: {  	[tilespmem:s24+$0x8170] =	vst.add.f32.msk $0xffff, v3  }
0x26d: {  	v3 =	vld [tilespmem:s24+$0xC150]  }
0x26e: {  	[tilespmem:s24+$0x8100] =	vst.add.f32.msk $0xffff, v8  }
0x26f: {  	s25 =	simm.s32 $0x0;
	[tilespmem:s24+$0x8110] =	vst.add.f32.msk $0xffff, v9  }
.LBB2_18:
0x270: {  	s25 =	sadd.s32 $0x8, s25;
	[tilespmem:s24+$0x8120] =	vst.add.f32.msk $0xffff, v7  }
0x271: {  	s21 =	sadd.s32 $0x400, s21;
	s26 =	sshll.u32 s25, $0x4;
	p0 =	slt.u32 s25, $0x3F8;
	[tilespmem:s24+$0x8130] =	vst.add.f32.msk $0xffff, v6  }
0x272: {  	s28 =	sand.u32 $0x1C00, s21;
	s29 =	sshll.u32 s25, $0x1;
	s26 =	sand.u32 $0x2000, s26;
	[tilespmem:s24+$0x8140] =	vst.add.f32.msk $0xffff, v5  }
0x273: {  	s26 =	sor.u32 s28, s26;
	s28 =	sand.u32 $0x380, s29;
	[tilespmem:s24+$0x8150] =	vst.add.f32.msk $0xffff, v3  }
0x274: {  	[tilespmem:s24+$0x8160] =	vst.add.f32.msk $0xffff, v4;
	s24 =	sor.u32 s28, s26  }
0x275: {  	v3 =	vld [tilespmem:s24+$0xC170]  }
0x276: {  	v8 =	vld [tilespmem:s24+$0xC100]  }
0x277: {  	v9 =	vld [tilespmem:s24+$0xC110]  }
0x278: {  	v7 =	vld [tilespmem:s24+$0xC120]  }
0x279: {  	v6 =	vld [tilespmem:s24+$0xC130]  }
0x27a: {  	[tilespmem:s24+$0x8170] =	vst.add.f32.msk $0xffff, v3  }
.Ltmp8:
0x27b: {  	v5 =	vld [tilespmem:s24+$0xC140];
	(pc) =	sbr.rel @p0 .LBB2_18-.Ltmp8, $4  }
0x27c: {  	v3 =	vld [tilespmem:s24+$0xC150]  }
0x27d: {  	v4 =	vld [tilespmem:s24+$0xC160]  }
0x27e: {  	[tilespmem:s24+$0x8100] =	vst.add.f32.msk $0xffff, v8  }
0x27f: {  	[tilespmem:s24+$0x8110] =	vst.add.f32.msk $0xffff, v9  }
0x280: {  	[tilespmem:s24+$0x8120] =	vst.add.f32.msk $0xffff, v7  }
0x281: {  	[tilespmem:s24+$0x8130] =	vst.add.f32.msk $0xffff, v6  }
0x282: {  	[tilespmem:s24+$0x8140] =	vst.add.f32.msk $0xffff, v5  }
0x283: {  	[tilespmem:s24+$0x8150] =	vst.add.f32.msk $0xffff, v3  }
0x284: {  	[tilespmem:s24+$0x8160] =	vst.add.f32.msk $0xffff, v4  }
0x285: {  	s21 =	simm.s32 $0x0;
	s24 =	rddreg [dreg:$0x12]  }
0x286: {  	[hbm4b:s24+s21] =	stream.linear.scatter [tilespmem:s23], [sflag:$0x6], $0x4000, $0x38;
	[tilespmem:$0x1C100] =	vst v63  }
0x287: {  	_ =	swait.ge [sflag:s19], $0x4000  }
0x288: {  	[sflag:s19] =	ssyncset.done $0x0  }
0x289: {  	[sflag:s19] =	ssyncadd.s32 $0xFFFFC000  }
0x28a: {  	v3 =	vld [tilespmem:$0xB0];
	_ =	sdelay $0x4  }
0x28b: {  	v4 =	vshll.u32 v3, $0x3  }
0x28c: {  	v3 =	vand.u32 $0x7, v3;
	v4 =	vand.u32 $0xFFFFFFC0, v4  }
0x28d: {  	v3 =	vor.u32 v3, v4  }
0x28e: {  	v4 =	vperm.xlane v3, v0;
	_ =	sdelay $0x1  }
0x28f: {  	v4 =	vadd.s32 v1, v4;
	_ =	sdelay $0x4  }
0x290: {  	[tilespmem:s23], [sflag:$0x3] =	stream.indirect_vreg.gather [hbm4b:s2+s21], $0x80, v4, vm0, $0xb8;
	[tilespmem:$0x1C100] =	vst v63  }
0x291: {  	s26 =	simm.s32 $0x8900;
	v3 =	vperm.xlane v3, v2  }
0x292: {  	[tilespmem:s26], [sflag:$0x3] =	stream.indirect_vreg.gather [hbm4b:s9+s21], $0x80, v4, vm0, $0xb8;
	[tilespmem:$0x1C100] =	vst v63  }
0x293: {  	s28 =	simm.s32 $0x9100;
	v3 =	vadd.s32 v1, v3  }
0x294: {  	[tilespmem:s28], [sflag:$0x3] =	stream.indirect_vreg.gather [hbm4b:s10+s21], $0x80, v4, vm0, $0xb8;
	[tilespmem:$0x1C100] =	vst v63  }
0x295: {  	s29 =	simm.s32 $0x9900  }
0x296: {  	[tilespmem:s29], [sflag:$0x3] =	stream.indirect_vreg.gather [hbm4b:s12+s21], $0x80, v4, vm0, $0xb8;
	[tilespmem:$0x1C100] =	vst v63  }
0x297: {  	s25 =	simm.s32 $0xA100  }
0x298: {  	[tilespmem:s25], [sflag:$0x3] =	stream.indirect_vreg.gather [hbm4b:s2+s21], $0x80, v3, vm0, $0xb8;
	[tilespmem:$0x1C100] =	vst v63  }
0x299: {  	s26 =	simm.s32 $0xA900  }
0x29a: {  	[tilespmem:s26], [sflag:$0x3] =	stream.indirect_vreg.gather [hbm4b:s9+s21], $0x80, v3, vm0, $0xb8;
	[tilespmem:$0x1C100] =	vst v63  }
0x29b: {  	_ = 	snop  }
0x29c: {  	[tilespmem:s5], [sflag:$0x3] =	stream.indirect_vreg.gather [hbm4b:s10+s21], $0x80, v3, vm0, $0xb8;
	[tilespmem:$0x1C100] =	vst v63  }
0x29d: {  	s28 =	simm.s32 $0x0;
	s25 =	simm.s32 $0x0  }
0x29e: {  	[tilespmem:s11], [sflag:$0x3] =	stream.indirect_vreg.gather [hbm4b:s12+s21], $0x80, v3, vm0, $0xb8;
	[tilespmem:$0x1C100] =	vst v63  }
0x29f: {  	s24 =	sand.u32 $0x2000, s28;
	s25 =	sand.u32 $0x380, s25;
	_ =	swait.ge [sflag:s22], $0x4000  }
0x2a0: {  	s26 =	sand.u32 $0x1C00, s21;
	s24 =	sor.u32 s25, s24;
	[sflag:s22] =	ssyncset.done $0x0  }
0x2a1: {  	s24 =	sor.u32 s26, s24;
	[sflag:s22] =	ssyncadd.s32 $0xFFFFC000  }
0x2a2: {  	s29 =	sadd.s32 $0xC100, s24;
	v3 =	vld [tilespmem:s24+$0x10100]  }
0x2a3: {  	v4 =	vld [tilespmem:s29+$0x4070]  }
0x2a4: {  	v8 =	vld [tilespmem:s29+$0x4010]  }
0x2a5: {  	v9 =	vld [tilespmem:s29+$0x4020]  }
0x2a6: {  	v7 =	vld [tilespmem:s29+$0x4030]  }
0x2a7: {  	v5 =	vld [tilespmem:s29+$0x4040]  }
0x2a8: {  	v6 =	vld [tilespmem:s29+$0x4050]  }
0x2a9: {  	[tilespmem:s24+$0x170] =	vst.add.f32.msk $0xffff, v4  }
0x2aa: {  	v4 =	vld [tilespmem:s29+$0x4060]  }
0x2ab: {  	[tilespmem:s24+$0x110] =	vst.add.f32.msk $0xffff, v8  }
0x2ac: {  	s25 =	simm.s32 $0x0;
	[tilespmem:s24+$0x120] =	vst.add.f32.msk $0xffff, v9  }
.LBB2_20:
0x2ad: {  	s25 =	sadd.s32 $0x8, s25;
	[tilespmem:s24+$0x130] =	vst.add.f32.msk $0xffff, v7  }
0x2ae: {  	s26 =	sshll.u32 s25, $0x4;
	s28 =	sshll.u32 s25, $0x1;
	p0 =	slt.u32 s25, $0x3F8;
	[tilespmem:s24+$0x140] =	vst.add.f32.msk $0xffff, v5  }
0x2af: {  	s21 =	sadd.s32 $0x400, s21;
	s26 =	sand.u32 $0x2000, s26;
	s28 =	sand.u32 $0x380, s28;
	[tilespmem:s24+$0x150] =	vst.add.f32.msk $0xffff, v6  }
0x2b0: {  	s29 =	sand.u32 $0x1C00, s21;
	s26 =	sor.u32 s28, s26;
	[tilespmem:s24+$0x160] =	vst.add.f32.msk $0xffff, v4  }
0x2b1: {  	[tilespmem:s24+$0x100] =	vst.add.f32.msk $0xffff, v3;
	s24 =	sor.u32 s29, s26  }
0x2b2: {  	v3 =	vld [tilespmem:s24+$0x10100];
	s26 =	sadd.s32 $0xC100, s24  }
0x2b3: {  	v4 =	vld [tilespmem:s26+$0x4070]  }
0x2b4: {  	v8 =	vld [tilespmem:s26+$0x4010]  }
0x2b5: {  	v9 =	vld [tilespmem:s26+$0x4020]  }
0x2b6: {  	v7 =	vld [tilespmem:s26+$0x4030]  }
0x2b7: {  	v5 =	vld [tilespmem:s26+$0x4040]  }
.Ltmp9:
0x2b8: {  	[tilespmem:s24+$0x170] =	vst.add.f32.msk $0xffff, v4;
	(pc) =	sbr.rel @p0 .LBB2_20-.Ltmp9, $4  }
0x2b9: {  	v6 =	vld [tilespmem:s26+$0x4050]  }
0x2ba: {  	v4 =	vld [tilespmem:s26+$0x4060]  }
0x2bb: {  	[tilespmem:s24+$0x110] =	vst.add.f32.msk $0xffff, v8  }
0x2bc: {  	[tilespmem:s24+$0x120] =	vst.add.f32.msk $0xffff, v9  }
0x2bd: {  	[tilespmem:s24+$0x130] =	vst.add.f32.msk $0xffff, v7  }
0x2be: {  	[tilespmem:s24+$0x140] =	vst.add.f32.msk $0xffff, v5  }
0x2bf: {  	[tilespmem:s24+$0x100] =	vst.add.f32.msk $0xffff, v3  }
0x2c0: {  	[tilespmem:s24+$0x150] =	vst.add.f32.msk $0xffff, v6  }
0x2c1: {  	[tilespmem:s24+$0x160] =	vst.add.f32.msk $0xffff, v4  }
0x2c2: {  	s21 =	simm.s32 $0x0;
	s24 =	rddreg [dreg:$0x13]  }
0x2c3: {  	[hbm4b:s24+s21] =	stream.linear.scatter [tilespmem:s31], [sflag:$0x4], $0x4000, $0x38;
	[tilespmem:$0x1C100] =	vst v63  }
0x2c4: {  	_ =	swait.ge [sflag:s15], $0x4000  }
0x2c5: {  	[sflag:s15] =	ssyncset.done $0x0  }
0x2c6: {  	[sflag:s15] =	ssyncadd.s32 $0xFFFFC000  }
0x2c7: {  	v3 =	vld [tilespmem:$0xC0];
	_ =	sdelay $0x4  }
0x2c8: {  	v4 =	vshll.u32 v3, $0x3  }
0x2c9: {  	v3 =	vand.u32 $0x7, v3;
	v4 =	vand.u32 $0xFFFFFFC0, v4  }
0x2ca: {  	v3 =	vor.u32 v3, v4  }
0x2cb: {  	v4 =	vperm.xlane v3, v0;
	_ =	sdelay $0x1  }
0x2cc: {  	v4 =	vadd.s32 v1, v4;
	_ =	sdelay $0x4  }
0x2cd: {  	[tilespmem:s31], [sflag:$0x1] =	stream.indirect_vreg.gather [hbm4b:s2+s21], $0x80, v4, vm0, $0xb8;
	[tilespmem:$0x1C100] =	vst v63  }
0x2ce: {  	v3 =	vperm.xlane v3, v2  }
0x2cf: {  	[tilespmem:s0], [sflag:$0x1] =	stream.indirect_vreg.gather [hbm4b:s9+s21], $0x80, v4, vm0, $0xb8;
	[tilespmem:$0x1C100] =	vst v63  }
0x2d0: {  	v3 =	vadd.s32 v1, v3  }
0x2d1: {  	[tilespmem:s1], [sflag:$0x1] =	stream.indirect_vreg.gather [hbm4b:s10+s21], $0x80, v4, vm0, $0xb8;
	[tilespmem:$0x1C100] =	vst v63  }
0x2d2: {  	_ = 	snop  }
0x2d3: {  	[tilespmem:s4], [sflag:$0x1] =	stream.indirect_vreg.gather [hbm4b:s12+s21], $0x80, v4, vm0, $0xb8;
	[tilespmem:$0x1C100] =	vst v63  }
0x2d4: {  	_ = 	snop  }
0x2d5: {  	[tilespmem:s6], [sflag:$0x1] =	stream.indirect_vreg.gather [hbm4b:s2+s21], $0x80, v3, vm0, $0xb8;
	[tilespmem:$0x1C100] =	vst v63  }
0x2d6: {  	_ = 	snop  }
0x2d7: {  	[tilespmem:s7], [sflag:$0x1] =	stream.indirect_vreg.gather [hbm4b:s9+s21], $0x80, v3, vm0, $0xb8;
	[tilespmem:$0x1C100] =	vst v63  }
0x2d8: {  	_ = 	snop  }
0x2d9: {  	[tilespmem:s8], [sflag:$0x1] =	stream.indirect_vreg.gather [hbm4b:s10+s21], $0x80, v3, vm0, $0xb8;
	[tilespmem:$0x1C100] =	vst v63  }
0x2da: {  	s28 =	simm.s32 $0x0;
	s25 =	simm.s32 $0x0  }
0x2db: {  	[tilespmem:s13], [sflag:$0x1] =	stream.indirect_vreg.gather [hbm4b:s12+s21], $0x80, v3, vm0, $0xb8;
	[tilespmem:$0x1C100] =	vst v63  }
0x2dc: {  	s25 =	sand.u32 $0x380, s25;
	s24 =	sand.u32 $0x2000, s28;
	_ =	swait.ge [sflag:s16], $0x4000  }
0x2dd: {  	s26 =	sand.u32 $0x1C00, s21;
	s24 =	sor.u32 s25, s24;
	[sflag:s16] =	ssyncset.done $0x0  }
0x2de: {  	s24 =	sor.u32 s26, s24;
	[sflag:s16] =	ssyncadd.s32 $0xFFFFC000  }
0x2df: {  	s29 =	sadd.s32 $0xC100, s24;
	v3 =	vld [tilespmem:s24+$0x14100]  }
0x2e0: {  	v4 =	vld [tilespmem:s29+$0x8070]  }
0x2e1: {  	v8 =	vld [tilespmem:s29+$0x8010]  }
0x2e2: {  	v9 =	vld [tilespmem:s29+$0x8020]  }
0x2e3: {  	v7 =	vld [tilespmem:s29+$0x8030]  }
0x2e4: {  	v5 =	vld [tilespmem:s29+$0x8040]  }
0x2e5: {  	v6 =	vld [tilespmem:s29+$0x8050]  }
0x2e6: {  	[tilespmem:s24+$0x4170] =	vst.add.f32.msk $0xffff, v4  }
0x2e7: {  	v4 =	vld [tilespmem:s29+$0x8060]  }
0x2e8: {  	[tilespmem:s24+$0x4110] =	vst.add.f32.msk $0xffff, v8  }
0x2e9: {  	s25 =	simm.s32 $0x0;
	[tilespmem:s24+$0x4120] =	vst.add.f32.msk $0xffff, v9  }
.LBB2_22:
0x2ea: {  	s25 =	sadd.s32 $0x8, s25;
	[tilespmem:s24+$0x4130] =	vst.add.f32.msk $0xffff, v7  }
0x2eb: {  	s26 =	sshll.u32 s25, $0x4;
	s28 =	sshll.u32 s25, $0x1;
	p0 =	slt.u32 s25, $0x3F8;
	[tilespmem:s24+$0x4140] =	vst.add.f32.msk $0xffff, v5  }
0x2ec: {  	s21 =	sadd.s32 $0x400, s21;
	s26 =	sand.u32 $0x2000, s26;
	s28 =	sand.u32 $0x380, s28;
	[tilespmem:s24+$0x4150] =	vst.add.f32.msk $0xffff, v6  }
0x2ed: {  	s29 =	sand.u32 $0x1C00, s21;
	s26 =	sor.u32 s28, s26;
	[tilespmem:s24+$0x4160] =	vst.add.f32.msk $0xffff, v4  }
0x2ee: {  	[tilespmem:s24+$0x4100] =	vst.add.f32.msk $0xffff, v3;
	s24 =	sor.u32 s29, s26  }
0x2ef: {  	v3 =	vld [tilespmem:s24+$0x14100];
	s26 =	sadd.s32 $0xC100, s24  }
0x2f0: {  	v4 =	vld [tilespmem:s26+$0x8070]  }
0x2f1: {  	v8 =	vld [tilespmem:s26+$0x8010]  }
0x2f2: {  	v9 =	vld [tilespmem:s26+$0x8020]  }
0x2f3: {  	v7 =	vld [tilespmem:s26+$0x8030]  }
0x2f4: {  	v5 =	vld [tilespmem:s26+$0x8040]  }
.Ltmp10:
0x2f5: {  	[tilespmem:s24+$0x4170] =	vst.add.f32.msk $0xffff, v4;
	(pc) =	sbr.rel @p0 .LBB2_22-.Ltmp10, $4  }
0x2f6: {  	v6 =	vld [tilespmem:s26+$0x8050]  }
0x2f7: {  	v4 =	vld [tilespmem:s26+$0x8060]  }
0x2f8: {  	[tilespmem:s24+$0x4110] =	vst.add.f32.msk $0xffff, v8  }
0x2f9: {  	[tilespmem:s24+$0x4120] =	vst.add.f32.msk $0xffff, v9  }
0x2fa: {  	[tilespmem:s24+$0x4130] =	vst.add.f32.msk $0xffff, v7  }
0x2fb: {  	[tilespmem:s24+$0x4140] =	vst.add.f32.msk $0xffff, v5  }
0x2fc: {  	[tilespmem:s24+$0x4100] =	vst.add.f32.msk $0xffff, v3  }
0x2fd: {  	[tilespmem:s24+$0x4150] =	vst.add.f32.msk $0xffff, v6  }
0x2fe: {  	[tilespmem:s24+$0x4160] =	vst.add.f32.msk $0xffff, v4  }
0x2ff: {  	s21 =	simm.s32 $0x0;
	s24 =	rddreg [dreg:$0x14]  }
0x300: {  	[hbm4b:s24+s21] =	stream.linear.scatter [tilespmem:s14], [sflag:$0x5], $0x4000, $0x38;
	[tilespmem:$0x1C100] =	vst v63  }
0x301: {  	_ =	swait.ge [sflag:s17], $0x4000  }
0x302: {  	[sflag:s17] =	ssyncset.done $0x0  }
0x303: {  	[sflag:s17] =	ssyncadd.s32 $0xFFFFC000  }
0x304: {  	v3 =	vld [tilespmem:$0xD0];
	_ =	sdelay $0x4  }
0x305: {  	v4 =	vshll.u32 v3, $0x3  }
0x306: {  	v3 =	vand.u32 $0x7, v3;
	v4 =	vand.u32 $0xFFFFFFC0, v4  }
0x307: {  	v3 =	vor.u32 v3, v4  }
0x308: {  	v4 =	vperm.xlane v3, v0;
	_ =	sdelay $0x1  }
0x309: {  	v4 =	vadd.s32 v1, v4;
	_ =	sdelay $0x4  }
0x30a: {  	[tilespmem:s14], [sflag:$0x2] =	stream.indirect_vreg.gather [hbm4b:s2+s21], $0x80, v4, vm0, $0xb8;
	[tilespmem:$0x1C100] =	vst v63  }
0x30b: {  	s29 =	simm.s32 $0x4900;
	v3 =	vperm.xlane v3, v2  }
0x30c: {  	[tilespmem:s29], [sflag:$0x2] =	stream.indirect_vreg.gather [hbm4b:s9+s21], $0x80, v4, vm0, $0xb8;
	[tilespmem:$0x1C100] =	vst v63  }
0x30d: {  	s25 =	simm.s32 $0x5100;
	v3 =	vadd.s32 v1, v3  }
0x30e: {  	[tilespmem:s25], [sflag:$0x2] =	stream.indirect_vreg.gather [hbm4b:s10+s21], $0x80, v4, vm0, $0xb8;
	[tilespmem:$0x1C100] =	vst v63  }
0x30f: {  	s26 =	simm.s32 $0x5900  }
0x310: {  	[tilespmem:s26], [sflag:$0x2] =	stream.indirect_vreg.gather [hbm4b:s12+s21], $0x80, v4, vm0, $0xb8;
	[tilespmem:$0x1C100] =	vst v63  }
0x311: {  	s28 =	simm.s32 $0x6100  }
0x312: {  	[tilespmem:s28], [sflag:$0x2] =	stream.indirect_vreg.gather [hbm4b:s2+s21], $0x80, v3, vm0, $0xb8;
	[tilespmem:$0x1C100] =	vst v63  }
0x313: {  	s29 =	simm.s32 $0x6900  }
0x314: {  	[tilespmem:s29], [sflag:$0x2] =	stream.indirect_vreg.gather [hbm4b:s9+s21], $0x80, v3, vm0, $0xb8;
	[tilespmem:$0x1C100] =	vst v63  }
0x315: {  	s25 =	simm.s32 $0x7100  }
0x316: {  	[tilespmem:s25], [sflag:$0x2] =	stream.indirect_vreg.gather [hbm4b:s10+s21], $0x80, v3, vm0, $0xb8;
	[tilespmem:$0x1C100] =	vst v63  }
0x317: {  	s26 =	simm.s32 $0x7900;
	s28 =	simm.s32 $0x0;
	s25 =	simm.s32 $0x0  }
0x318: {  	[tilespmem:s26], [sflag:$0x2] =	stream.indirect_vreg.gather [hbm4b:s12+s21], $0x80, v3, vm0, $0xb8;
	[tilespmem:$0x1C100] =	vst v63  }
0x319: {  	s24 =	sand.u32 $0x2000, s28;
	s25 =	sand.u32 $0x380, s25;
	_ =	swait.ge [sflag:s18], $0x4000  }
0x31a: {  	s26 =	sand.u32 $0x1C00, s21;
	s24 =	sor.u32 s25, s24;
	[sflag:s18] =	ssyncset.done $0x0  }
0x31b: {  	s24 =	sor.u32 s26, s24;
	[sflag:s18] =	ssyncadd.s32 $0xFFFFC000  }
0x31c: {  	s29 =	sadd.s32 $0xC100, s24;
	v3 =	vld [tilespmem:s24+$0x18100]  }
0x31d: {  	v4 =	vld [tilespmem:s29+$0xC070]  }
0x31e: {  	v8 =	vld [tilespmem:s29+$0xC010]  }
0x31f: {  	v9 =	vld [tilespmem:s29+$0xC020]  }
0x320: {  	v7 =	vld [tilespmem:s29+$0xC030]  }
0x321: {  	v5 =	vld [tilespmem:s29+$0xC040]  }
0x322: {  	v6 =	vld [tilespmem:s29+$0xC050]  }
0x323: {  	[tilespmem:s24+$0x8170] =	vst.add.f32.msk $0xffff, v4  }
0x324: {  	v4 =	vld [tilespmem:s29+$0xC060]  }
0x325: {  	[tilespmem:s24+$0x8110] =	vst.add.f32.msk $0xffff, v8  }
0x326: {  	s25 =	simm.s32 $0x0;
	[tilespmem:s24+$0x8120] =	vst.add.f32.msk $0xffff, v9  }
.LBB2_24:
0x327: {  	s25 =	sadd.s32 $0x8, s25;
	[tilespmem:s24+$0x8130] =	vst.add.f32.msk $0xffff, v7  }
0x328: {  	s26 =	sshll.u32 s25, $0x4;
	s28 =	sshll.u32 s25, $0x1;
	p0 =	slt.u32 s25, $0x3F8;
	[tilespmem:s24+$0x8140] =	vst.add.f32.msk $0xffff, v5  }
0x329: {  	s21 =	sadd.s32 $0x400, s21;
	s26 =	sand.u32 $0x2000, s26;
	s28 =	sand.u32 $0x380, s28;
	[tilespmem:s24+$0x8150] =	vst.add.f32.msk $0xffff, v6  }
0x32a: {  	s29 =	sand.u32 $0x1C00, s21;
	s26 =	sor.u32 s28, s26;
	[tilespmem:s24+$0x8160] =	vst.add.f32.msk $0xffff, v4  }
0x32b: {  	[tilespmem:s24+$0x8100] =	vst.add.f32.msk $0xffff, v3;
	s24 =	sor.u32 s29, s26  }
0x32c: {  	v3 =	vld [tilespmem:s24+$0x18100];
	s26 =	sadd.s32 $0xC100, s24  }
0x32d: {  	v4 =	vld [tilespmem:s26+$0xC070]  }
0x32e: {  	v8 =	vld [tilespmem:s26+$0xC010]  }
0x32f: {  	v9 =	vld [tilespmem:s26+$0xC020]  }
0x330: {  	v7 =	vld [tilespmem:s26+$0xC030]  }
0x331: {  	v5 =	vld [tilespmem:s26+$0xC040]  }
.Ltmp11:
0x332: {  	[tilespmem:s24+$0x8170] =	vst.add.f32.msk $0xffff, v4;
	(pc) =	sbr.rel @p0 .LBB2_24-.Ltmp11, $4  }
0x333: {  	v6 =	vld [tilespmem:s26+$0xC050]  }
0x334: {  	v4 =	vld [tilespmem:s26+$0xC060]  }
0x335: {  	[tilespmem:s24+$0x8110] =	vst.add.f32.msk $0xffff, v8  }
0x336: {  	[tilespmem:s24+$0x8120] =	vst.add.f32.msk $0xffff, v9  }
0x337: {  	[tilespmem:s24+$0x8130] =	vst.add.f32.msk $0xffff, v7  }
0x338: {  	[tilespmem:s24+$0x8140] =	vst.add.f32.msk $0xffff, v5  }
0x339: {  	[tilespmem:s24+$0x8100] =	vst.add.f32.msk $0xffff, v3  }
0x33a: {  	[tilespmem:s24+$0x8150] =	vst.add.f32.msk $0xffff, v6  }
0x33b: {  	[tilespmem:s24+$0x8160] =	vst.add.f32.msk $0xffff, v4  }
0x33c: {  	s21 =	simm.s32 $0x0;
	s24 =	rddreg [dreg:$0x15]  }
0x33d: {  	[hbm4b:s24+s21] =	stream.linear.scatter [tilespmem:s23], [sflag:$0x6], $0x4000, $0x38;
	[tilespmem:$0x1C100] =	vst v63  }
0x33e: {  	_ =	swait.ge [sflag:s19], $0x4000  }
0x33f: {  	[sflag:s19] =	ssyncset.done $0x0  }
0x340: {  	[sflag:s19] =	ssyncadd.s32 $0xFFFFC000  }
0x341: {  	v3 =	vld [tilespmem:$0xE0];
	_ =	sdelay $0x4  }
0x342: {  	v4 =	vshll.u32 v3, $0x3  }
0x343: {  	v3 =	vand.u32 $0x7, v3;
	v4 =	vand.u32 $0xFFFFFFC0, v4  }
0x344: {  	v3 =	vor.u32 v3, v4  }
0x345: {  	v4 =	vperm.xlane v3, v0;
	_ =	sdelay $0x1  }
0x346: {  	v4 =	vadd.s32 v1, v4;
	_ =	sdelay $0x4  }
0x347: {  	[tilespmem:s23], [sflag:$0x3] =	stream.indirect_vreg.gather [hbm4b:s2+s21], $0x80, v4, vm0, $0xb8;
	[tilespmem:$0x1C100] =	vst v63  }
0x348: {  	s26 =	simm.s32 $0x8900;
	v3 =	vperm.xlane v3, v2  }
0x349: {  	[tilespmem:s26], [sflag:$0x3] =	stream.indirect_vreg.gather [hbm4b:s9+s21], $0x80, v4, vm0, $0xb8;
	[tilespmem:$0x1C100] =	vst v63  }
0x34a: {  	s28 =	simm.s32 $0x9100;
	v3 =	vadd.s32 v1, v3  }
0x34b: {  	[tilespmem:s28], [sflag:$0x3] =	stream.indirect_vreg.gather [hbm4b:s10+s21], $0x80, v4, vm0, $0xb8;
	[tilespmem:$0x1C100] =	vst v63  }
0x34c: {  	s29 =	simm.s32 $0x9900  }
0x34d: {  	[tilespmem:s29], [sflag:$0x3] =	stream.indirect_vreg.gather [hbm4b:s12+s21], $0x80, v4, vm0, $0xb8;
	[tilespmem:$0x1C100] =	vst v63  }
0x34e: {  	s25 =	simm.s32 $0xA100  }
0x34f: {  	[tilespmem:s25], [sflag:$0x3] =	stream.indirect_vreg.gather [hbm4b:s2+s21], $0x80, v3, vm0, $0xb8;
	[tilespmem:$0x1C100] =	vst v63  }
0x350: {  	s26 =	simm.s32 $0xA900  }
0x351: {  	[tilespmem:s26], [sflag:$0x3] =	stream.indirect_vreg.gather [hbm4b:s9+s21], $0x80, v3, vm0, $0xb8;
	[tilespmem:$0x1C100] =	vst v63  }
0x352: {  	s28 =	simm.s32 $0x0  }
0x353: {  	[tilespmem:s5], [sflag:$0x3] =	stream.indirect_vreg.gather [hbm4b:s10+s21], $0x80, v3, vm0, $0xb8;
	[tilespmem:$0x1C100] =	vst v63  }
0x354: {  	s24 =	sand.u32 $0x2000, s28  }
0x355: {  	[tilespmem:s11], [sflag:$0x3] =	stream.indirect_vreg.gather [hbm4b:s12+s21], $0x80, v3, vm0, $0xb8;
	[tilespmem:$0x1C100] =	vst v63  }
0x356: {  	s25 =	sand.u32 $0x1C00, s21;
	s26 =	simm.s32 $0x0;
	_ =	swait.ge [sflag:s22], $0x4000  }
0x357: {  	s24 =	sor.u32 s25, s24;
	s29 =	sand.u32 $0x380, s26;
	[sflag:s22] =	ssyncset.done $0x0  }
0x358: {  	s24 =	sor.u32 s29, s24;
	[sflag:s22] =	ssyncadd.s32 $0xFFFFC000  }
0x359: {  	v3 =	vld [tilespmem:s24+$0xC170]  }
0x35a: {  	v8 =	vld [tilespmem:s24+$0xC100]  }
0x35b: {  	v9 =	vld [tilespmem:s24+$0xC110]  }
0x35c: {  	v7 =	vld [tilespmem:s24+$0xC120]  }
0x35d: {  	v6 =	vld [tilespmem:s24+$0xC130]  }
0x35e: {  	v5 =	vld [tilespmem:s24+$0xC140]  }
0x35f: {  	v4 =	vld [tilespmem:s24+$0xC160]  }
0x360: {  	[tilespmem:s24+$0x170] =	vst.add.f32.msk $0xffff, v3  }
0x361: {  	v3 =	vld [tilespmem:s24+$0xC150]  }
0x362: {  	[tilespmem:s24+$0x100] =	vst.add.f32.msk $0xffff, v8  }
0x363: {  	s25 =	simm.s32 $0x0;
	[tilespmem:s24+$0x110] =	vst.add.f32.msk $0xffff, v9  }
.LBB2_26:
0x364: {  	s25 =	sadd.s32 $0x8, s25;
	[tilespmem:s24+$0x120] =	vst.add.f32.msk $0xffff, v7  }
0x365: {  	s21 =	sadd.s32 $0x400, s21;
	s26 =	sshll.u32 s25, $0x4;
	p0 =	slt.u32 s25, $0x3F8;
	[tilespmem:s24+$0x130] =	vst.add.f32.msk $0xffff, v6  }
0x366: {  	s28 =	sand.u32 $0x1C00, s21;
	s29 =	sshll.u32 s25, $0x1;
	s26 =	sand.u32 $0x2000, s26;
	[tilespmem:s24+$0x140] =	vst.add.f32.msk $0xffff, v5  }
0x367: {  	s26 =	sor.u32 s28, s26;
	s28 =	sand.u32 $0x380, s29;
	[tilespmem:s24+$0x150] =	vst.add.f32.msk $0xffff, v3  }
0x368: {  	[tilespmem:s24+$0x160] =	vst.add.f32.msk $0xffff, v4;
	s24 =	sor.u32 s28, s26  }
0x369: {  	v3 =	vld [tilespmem:s24+$0xC170]  }
0x36a: {  	v8 =	vld [tilespmem:s24+$0xC100]  }
0x36b: {  	v9 =	vld [tilespmem:s24+$0xC110]  }
0x36c: {  	v7 =	vld [tilespmem:s24+$0xC120]  }
0x36d: {  	v6 =	vld [tilespmem:s24+$0xC130]  }
0x36e: {  	[tilespmem:s24+$0x170] =	vst.add.f32.msk $0xffff, v3  }
.Ltmp12:
0x36f: {  	v5 =	vld [tilespmem:s24+$0xC140];
	(pc) =	sbr.rel @p0 .LBB2_26-.Ltmp12, $4  }
0x370: {  	v3 =	vld [tilespmem:s24+$0xC150]  }
0x371: {  	v4 =	vld [tilespmem:s24+$0xC160]  }
0x372: {  	[tilespmem:s24+$0x100] =	vst.add.f32.msk $0xffff, v8  }
0x373: {  	[tilespmem:s24+$0x110] =	vst.add.f32.msk $0xffff, v9  }
0x374: {  	[tilespmem:s24+$0x120] =	vst.add.f32.msk $0xffff, v7  }
0x375: {  	[tilespmem:s24+$0x130] =	vst.add.f32.msk $0xffff, v6  }
0x376: {  	[tilespmem:s24+$0x140] =	vst.add.f32.msk $0xffff, v5  }
0x377: {  	[tilespmem:s24+$0x150] =	vst.add.f32.msk $0xffff, v3  }
0x378: {  	[tilespmem:s24+$0x160] =	vst.add.f32.msk $0xffff, v4  }
0x379: {  	s21 =	simm.s32 $0x0;
	s24 =	rddreg [dreg:$0x16]  }
0x37a: {  	[hbm4b:s24+s21] =	stream.linear.scatter [tilespmem:s31], [sflag:$0x4], $0x4000, $0x38;
	[tilespmem:$0x1C100] =	vst v63  }
0x37b: {  	_ =	swait.ge [sflag:s15], $0x4000  }
0x37c: {  	[sflag:s15] =	ssyncset.done $0x0  }
0x37d: {  	[sflag:s15] =	ssyncadd.s32 $0xFFFFC000  }
0x37e: {  	v3 =	vld [tilespmem:$0xF0];
	_ =	sdelay $0x4  }
0x37f: {  	v4 =	vshll.u32 v3, $0x3  }
0x380: {  	v3 =	vand.u32 $0x7, v3;
	v4 =	vand.u32 $0xFFFFFFC0, v4  }
0x381: {  	v3 =	vor.u32 v3, v4  }
0x382: {  	v4 =	vperm.xlane v3, v0;
	_ =	sdelay $0x1  }
0x383: {  	v4 =	vadd.s32 v1, v4;
	_ =	sdelay $0x4  }
0x384: {  	[tilespmem:s31], [sflag:$0x1] =	stream.indirect_vreg.gather [hbm4b:s2+s21], $0x80, v4, vm0, $0xb8;
	[tilespmem:$0x1C100] =	vst v63  }
0x385: {  	v3 =	vperm.xlane v3, v2  }
0x386: {  	[tilespmem:s0], [sflag:$0x1] =	stream.indirect_vreg.gather [hbm4b:s9+s21], $0x80, v4, vm0, $0xb8;
	[tilespmem:$0x1C100] =	vst v63  }
0x387: {  	v3 =	vadd.s32 v1, v3  }
0x388: {  	[tilespmem:s1], [sflag:$0x1] =	stream.indirect_vreg.gather [hbm4b:s10+s21], $0x80, v4, vm0, $0xb8;
	[tilespmem:$0x1C100] =	vst v63  }
0x389: {  	_ = 	snop  }
0x38a: {  	[tilespmem:s4], [sflag:$0x1] =	stream.indirect_vreg.gather [hbm4b:s12+s21], $0x80, v4, vm0, $0xb8;
	[tilespmem:$0x1C100] =	vst v63  }
0x38b: {  	_ = 	snop  }
0x38c: {  	[tilespmem:s6], [sflag:$0x1] =	stream.indirect_vreg.gather [hbm4b:s2+s21], $0x80, v3, vm0, $0xb8;
	[tilespmem:$0x1C100] =	vst v63  }
0x38d: {  	_ = 	snop  }
0x38e: {  	[tilespmem:s7], [sflag:$0x1] =	stream.indirect_vreg.gather [hbm4b:s9+s21], $0x80, v3, vm0, $0xb8;
	[tilespmem:$0x1C100] =	vst v63  }
0x38f: {  	_ = 	snop  }
0x390: {  	[tilespmem:s8], [sflag:$0x1] =	stream.indirect_vreg.gather [hbm4b:s10+s21], $0x80, v3, vm0, $0xb8;
	[tilespmem:$0x1C100] =	vst v63  }
0x391: {  	s28 =	simm.s32 $0x0;
	s25 =	simm.s32 $0x0  }
0x392: {  	[tilespmem:s13], [sflag:$0x1] =	stream.indirect_vreg.gather [hbm4b:s12+s21], $0x80, v3, vm0, $0xb8;
	[tilespmem:$0x1C100] =	vst v63  }
0x393: {  	s25 =	sand.u32 $0x380, s25;
	s24 =	sand.u32 $0x2000, s28;
	_ =	swait.ge [sflag:s16], $0x4000  }
0x394: {  	s26 =	sand.u32 $0x1C00, s21;
	s24 =	sor.u32 s25, s24;
	[sflag:s16] =	ssyncset.done $0x0  }
0x395: {  	s24 =	sor.u32 s26, s24;
	[sflag:s16] =	ssyncadd.s32 $0xFFFFC000  }
0x396: {  	s29 =	sadd.s32 $0xC100, s24;
	v3 =	vld [tilespmem:s24+$0x10100]  }
0x397: {  	v4 =	vld [tilespmem:s29+$0x4070]  }
0x398: {  	v8 =	vld [tilespmem:s29+$0x4010]  }
0x399: {  	v9 =	vld [tilespmem:s29+$0x4020]  }
0x39a: {  	v7 =	vld [tilespmem:s29+$0x4030]  }
0x39b: {  	v5 =	vld [tilespmem:s29+$0x4040]  }
0x39c: {  	v6 =	vld [tilespmem:s29+$0x4050]  }
0x39d: {  	[tilespmem:s24+$0x4170] =	vst.add.f32.msk $0xffff, v4  }
0x39e: {  	v4 =	vld [tilespmem:s29+$0x4060]  }
0x39f: {  	[tilespmem:s24+$0x4110] =	vst.add.f32.msk $0xffff, v8  }
0x3a0: {  	s25 =	simm.s32 $0x0;
	[tilespmem:s24+$0x4120] =	vst.add.f32.msk $0xffff, v9  }
.LBB2_28:
0x3a1: {  	s25 =	sadd.s32 $0x8, s25;
	[tilespmem:s24+$0x4130] =	vst.add.f32.msk $0xffff, v7  }
0x3a2: {  	s26 =	sshll.u32 s25, $0x4;
	s28 =	sshll.u32 s25, $0x1;
	p0 =	slt.u32 s25, $0x3F8;
	[tilespmem:s24+$0x4140] =	vst.add.f32.msk $0xffff, v5  }
0x3a3: {  	s21 =	sadd.s32 $0x400, s21;
	s26 =	sand.u32 $0x2000, s26;
	s28 =	sand.u32 $0x380, s28;
	[tilespmem:s24+$0x4150] =	vst.add.f32.msk $0xffff, v6  }
0x3a4: {  	s29 =	sand.u32 $0x1C00, s21;
	s26 =	sor.u32 s28, s26;
	[tilespmem:s24+$0x4160] =	vst.add.f32.msk $0xffff, v4  }
0x3a5: {  	[tilespmem:s24+$0x4100] =	vst.add.f32.msk $0xffff, v3;
	s24 =	sor.u32 s29, s26  }
0x3a6: {  	v3 =	vld [tilespmem:s24+$0x10100];
	s26 =	sadd.s32 $0xC100, s24  }
0x3a7: {  	v4 =	vld [tilespmem:s26+$0x4070]  }
0x3a8: {  	v8 =	vld [tilespmem:s26+$0x4010]  }
0x3a9: {  	v9 =	vld [tilespmem:s26+$0x4020]  }
0x3aa: {  	v7 =	vld [tilespmem:s26+$0x4030]  }
0x3ab: {  	v5 =	vld [tilespmem:s26+$0x4040]  }
.Ltmp13:
0x3ac: {  	[tilespmem:s24+$0x4170] =	vst.add.f32.msk $0xffff, v4;
	(pc) =	sbr.rel @p0 .LBB2_28-.Ltmp13, $4  }
0x3ad: {  	v6 =	vld [tilespmem:s26+$0x4050]  }
0x3ae: {  	v4 =	vld [tilespmem:s26+$0x4060]  }
0x3af: {  	[tilespmem:s24+$0x4110] =	vst.add.f32.msk $0xffff, v8  }
0x3b0: {  	[tilespmem:s24+$0x4120] =	vst.add.f32.msk $0xffff, v9  }
0x3b1: {  	[tilespmem:s24+$0x4130] =	vst.add.f32.msk $0xffff, v7  }
0x3b2: {  	[tilespmem:s24+$0x4140] =	vst.add.f32.msk $0xffff, v5  }
0x3b3: {  	[tilespmem:s24+$0x4100] =	vst.add.f32.msk $0xffff, v3  }
0x3b4: {  	[tilespmem:s24+$0x4150] =	vst.add.f32.msk $0xffff, v6  }
0x3b5: {  	s21 =	simm.s32 $0x0;
	[tilespmem:s24+$0x4160] =	vst.add.f32.msk $0xffff, v4  }
0x3b6: {  	s28 =	simm.s32 $0x0;
	s25 =	simm.s32 $0x0;
	s24 =	rddreg [dreg:$0x18]  }
0x3b7: {  	[hbm4b:s24+s21] =	stream.linear.scatter [tilespmem:s14], [sflag:$0x5], $0x4000, $0x38;
	[tilespmem:$0x1C100] =	vst v63  }
0x3b8: {  	s25 =	sand.u32 $0x380, s25;
	s24 =	sand.u32 $0x2000, s28;
	_ =	swait.ge [sflag:s18], $0x4000  }
0x3b9: {  	s26 =	sand.u32 $0x1C00, s21;
	s24 =	sor.u32 s25, s24;
	[sflag:s18] =	ssyncset.done $0x0  }
0x3ba: {  	s24 =	sor.u32 s26, s24;
	[sflag:s18] =	ssyncadd.s32 $0xFFFFC000  }
0x3bb: {  	s29 =	sadd.s32 $0xC100, s24;
	v3 =	vld [tilespmem:s24+$0x14100]  }
0x3bc: {  	v4 =	vld [tilespmem:s29+$0x8070]  }
0x3bd: {  	v8 =	vld [tilespmem:s29+$0x8010]  }
0x3be: {  	v9 =	vld [tilespmem:s29+$0x8020]  }
0x3bf: {  	v7 =	vld [tilespmem:s29+$0x8030]  }
0x3c0: {  	v5 =	vld [tilespmem:s29+$0x8040]  }
0x3c1: {  	v6 =	vld [tilespmem:s29+$0x8050]  }
0x3c2: {  	[tilespmem:s24+$0x8170] =	vst.add.f32.msk $0xffff, v4  }
0x3c3: {  	v4 =	vld [tilespmem:s29+$0x8060]  }
0x3c4: {  	[tilespmem:s24+$0x8110] =	vst.add.f32.msk $0xffff, v8  }
0x3c5: {  	s25 =	simm.s32 $0x0;
	[tilespmem:s24+$0x8120] =	vst.add.f32.msk $0xffff, v9  }
.LBB2_30:
0x3c6: {  	s25 =	sadd.s32 $0x8, s25;
	[tilespmem:s24+$0x8130] =	vst.add.f32.msk $0xffff, v7  }
0x3c7: {  	s26 =	sshll.u32 s25, $0x4;
	s28 =	sshll.u32 s25, $0x1;
	p0 =	slt.u32 s25, $0x3F8;
	[tilespmem:s24+$0x8140] =	vst.add.f32.msk $0xffff, v5  }
0x3c8: {  	s21 =	sadd.s32 $0x400, s21;
	s26 =	sand.u32 $0x2000, s26;
	s28 =	sand.u32 $0x380, s28;
	[tilespmem:s24+$0x8150] =	vst.add.f32.msk $0xffff, v6  }
0x3c9: {  	s29 =	sand.u32 $0x1C00, s21;
	s26 =	sor.u32 s28, s26;
	[tilespmem:s24+$0x8160] =	vst.add.f32.msk $0xffff, v4  }
0x3ca: {  	[tilespmem:s24+$0x8100] =	vst.add.f32.msk $0xffff, v3;
	s24 =	sor.u32 s29, s26  }
0x3cb: {  	v3 =	vld [tilespmem:s24+$0x14100];
	s26 =	sadd.s32 $0xC100, s24  }
0x3cc: {  	v4 =	vld [tilespmem:s26+$0x8070]  }
0x3cd: {  	v8 =	vld [tilespmem:s26+$0x8010]  }
0x3ce: {  	v9 =	vld [tilespmem:s26+$0x8020]  }
0x3cf: {  	v7 =	vld [tilespmem:s26+$0x8030]  }
0x3d0: {  	v5 =	vld [tilespmem:s26+$0x8040]  }
.Ltmp14:
0x3d1: {  	[tilespmem:s24+$0x8170] =	vst.add.f32.msk $0xffff, v4;
	(pc) =	sbr.rel @p0 .LBB2_30-.Ltmp14, $4  }
0x3d2: {  	v6 =	vld [tilespmem:s26+$0x8050]  }
0x3d3: {  	v4 =	vld [tilespmem:s26+$0x8060]  }
0x3d4: {  	[tilespmem:s24+$0x8110] =	vst.add.f32.msk $0xffff, v8  }
0x3d5: {  	[tilespmem:s24+$0x8120] =	vst.add.f32.msk $0xffff, v9  }
0x3d6: {  	[tilespmem:s24+$0x8130] =	vst.add.f32.msk $0xffff, v7  }
0x3d7: {  	[tilespmem:s24+$0x8140] =	vst.add.f32.msk $0xffff, v5  }
0x3d8: {  	[tilespmem:s24+$0x8100] =	vst.add.f32.msk $0xffff, v3  }
0x3d9: {  	[tilespmem:s24+$0x8150] =	vst.add.f32.msk $0xffff, v6  }
0x3da: {  	s21 =	simm.s32 $0x0;
	[tilespmem:s24+$0x8160] =	vst.add.f32.msk $0xffff, v4  }
0x3db: {  	s28 =	simm.s32 $0x0;
	s25 =	simm.s32 $0x0;
	s24 =	rddreg [dreg:$0x19]  }
0x3dc: {  	[hbm4b:s24+s21] =	stream.linear.scatter [tilespmem:s23], [sflag:$0x6], $0x4000, $0x38;
	[tilespmem:$0x1C100] =	vst v63  }
0x3dd: {  	s25 =	sand.u32 $0x380, s25;
	s24 =	sand.u32 $0x2000, s28;
	_ =	swait.ge [sflag:s22], $0x4000  }
0x3de: {  	s26 =	sand.u32 $0x1C00, s21;
	s24 =	sor.u32 s25, s24;
	[sflag:s22] =	ssyncset.done $0x0  }
0x3df: {  	s24 =	sor.u32 s26, s24;
	[sflag:s22] =	ssyncadd.s32 $0xFFFFC000  }
0x3e0: {  	s29 =	sadd.s32 $0xC100, s24;
	v3 =	vld [tilespmem:s24+$0x18100]  }
0x3e1: {  	v4 =	vld [tilespmem:s29+$0xC070]  }
0x3e2: {  	v8 =	vld [tilespmem:s29+$0xC010]  }
0x3e3: {  	v9 =	vld [tilespmem:s29+$0xC020]  }
0x3e4: {  	v7 =	vld [tilespmem:s29+$0xC030]  }
0x3e5: {  	v5 =	vld [tilespmem:s29+$0xC040]  }
0x3e6: {  	v6 =	vld [tilespmem:s29+$0xC050]  }
0x3e7: {  	[tilespmem:s24+$0x170] =	vst.add.f32.msk $0xffff, v4  }
0x3e8: {  	v4 =	vld [tilespmem:s29+$0xC060]  }
0x3e9: {  	[tilespmem:s24+$0x110] =	vst.add.f32.msk $0xffff, v8  }
0x3ea: {  	s25 =	simm.s32 $0x0;
	[tilespmem:s24+$0x120] =	vst.add.f32.msk $0xffff, v9  }
.LBB2_32:
0x3eb: {  	s25 =	sadd.s32 $0x8, s25;
	[tilespmem:s24+$0x130] =	vst.add.f32.msk $0xffff, v7  }
0x3ec: {  	s26 =	sshll.u32 s25, $0x4;
	s28 =	sshll.u32 s25, $0x1;
	p0 =	slt.u32 s25, $0x3F8;
	[tilespmem:s24+$0x140] =	vst.add.f32.msk $0xffff, v5  }
0x3ed: {  	s21 =	sadd.s32 $0x400, s21;
	s26 =	sand.u32 $0x2000, s26;
	s28 =	sand.u32 $0x380, s28;
	[tilespmem:s24+$0x150] =	vst.add.f32.msk $0xffff, v6  }
0x3ee: {  	s29 =	sand.u32 $0x1C00, s21;
	s26 =	sor.u32 s28, s26;
	[tilespmem:s24+$0x160] =	vst.add.f32.msk $0xffff, v4  }
0x3ef: {  	[tilespmem:s24+$0x100] =	vst.add.f32.msk $0xffff, v3;
	s24 =	sor.u32 s29, s26  }
0x3f0: {  	v3 =	vld [tilespmem:s24+$0x18100];
	s26 =	sadd.s32 $0xC100, s24  }
0x3f1: {  	v4 =	vld [tilespmem:s26+$0xC070]  }
0x3f2: {  	v8 =	vld [tilespmem:s26+$0xC010]  }
0x3f3: {  	v9 =	vld [tilespmem:s26+$0xC020]  }
0x3f4: {  	v7 =	vld [tilespmem:s26+$0xC030]  }
0x3f5: {  	v5 =	vld [tilespmem:s26+$0xC040]  }
.Ltmp15:
0x3f6: {  	[tilespmem:s24+$0x170] =	vst.add.f32.msk $0xffff, v4;
	(pc) =	sbr.rel @p0 .LBB2_32-.Ltmp15, $4  }
0x3f7: {  	v6 =	vld [tilespmem:s26+$0xC050]  }
0x3f8: {  	v4 =	vld [tilespmem:s26+$0xC060]  }
0x3f9: {  	[tilespmem:s24+$0x110] =	vst.add.f32.msk $0xffff, v8  }
0x3fa: {  	[tilespmem:s24+$0x120] =	vst.add.f32.msk $0xffff, v9  }
0x3fb: {  	[tilespmem:s24+$0x130] =	vst.add.f32.msk $0xffff, v7  }
0x3fc: {  	[tilespmem:s24+$0x140] =	vst.add.f32.msk $0xffff, v5  }
0x3fd: {  	[tilespmem:s24+$0x100] =	vst.add.f32.msk $0xffff, v3  }
0x3fe: {  	[tilespmem:s24+$0x150] =	vst.add.f32.msk $0xffff, v6  }
0x3ff: {  	[tilespmem:s24+$0x160] =	vst.add.f32.msk $0xffff, v4  }
0x400: {  	s21 =	rddreg [dreg:$0x1a]  }
0x401: {  	[hbm4b:s21+s3] =	stream.linear.scatter [tilespmem:s31], [sflag:$0x4], $0x4000, $0x38;
	[tilespmem:$0x1C100] =	vst v63  }
0x402: {  	_ =	swait.ge [sflag:s17], $0x4000  }
0x403: {  	[sflag:s17] =	ssyncset.done $0x0  }
0x404: {  	[sflag:s17] =	ssyncadd.s32 $0xFFFFC000  }
0x405: {  	_ =	swait.ge [sflag:s19], $0x4000  }
0x406: {  	[sflag:s19] =	ssyncset.done $0x0  }
0x407: {  	[sflag:s19] =	ssyncadd.s32 $0xFFFFC000  }
0x408: {  	_ =	swait.ge [sflag:s15], $0x4000  }
0x409: {  	s20 =	sadd.s32 $0x1, s20;
	s29 =	rddreg [dreg:$0x17]  }
0x40a: {  	p0 =	sne.s32 s20, s29  }
.Ltmp16:
0x40b: {  	_ = 	snop;
	(pc) =	sbr.rel @p0 .LBB2_1-.Ltmp16, $3  }
0x40c: {  	_ =	sdelay $0x1  }
0x40d: {  	[sflag:s15] =	ssyncset.done $0x0  }
0x40e: {  	[sflag:s15] =	ssyncadd.s32 $0xFFFFC000  }
0x40f: {  	_ =	sfence.sel $0x180000  }
0x410: {  	[bflag:$0x0] =	sbarrier.arrive $0xFFFF  }
0x411: {  	_ =	strace $0x90000047  }
0x412: {  	s0 =	stileid.u32;
	[bflag:$0x2] =	sbarrier.arrive $0xFFFF  }
0x413: {  	p0 =	sne.s32 s0, $0x0;
	s0 =	rddreg [dreg:$0x4]  }
0x414: {  	s0 =	sadd.s32 @!p0 $0x100000, s0  }
0x415: {  	[sflag:s0] =	ssyncadd.tile.s32 @!p0 $0x1;
	_ =	shalt  }
.Lfunc_end2:
_tile_overlayer_lowered:
.L_overlay_start_2:
0x416: {  	(tag) =	ssettag $0x2  }
0x417: {  	s0 =	rddreg [dreg:$0x0];
	s2 =	stileid.u32  }
0x418: {  	s1 =	rddreg [dreg:$0x1];
	p0 =	sne.s32 s2, $0x0  }
0x419: {  	s3 =	rddreg [dreg:$0x2];
	[bflag:$0x3] =	sbarrier.arrive $0xFFFF;
	s2 =	simm.s32 @!p0 $0x1C09  }
0x41a: {  	[timem:s3], [sflag:s2] =	dma.local @!p0 [hbm:s0], s1  }
0x41b: {  	s0 =	simm.s32 @!p0 $0x9  }
0x41c: {  	_ =	swait.ge @!p0 [sflag:s0], s1  }
0x41d: {  	s1 =	ssub.s32 @!p0 $0x0, s1;
	[sflag:s0] =	ssyncset.done @!p0 $0x0  }
0x41e: {  	[sflag:s0] =	ssyncadd.s32 @!p0 s1  }
0x41f: {  	[bflag:$0x3] =	sbarrier.arrive $0xFFFF  }
0x420: {  	_ =	shalt  }

</sc_bundles>
